<compile_context>
chip_gen: v7x
topology: tpu7x:2x2x1
jax: 0.10.2.dev20260603
libtpu: 0.0.44.dev20260713+nightly
codegen_flags: <defaults>
</compile_context>

<pallas_src>
import functools

import jax
import jax.numpy as jnp
from jax import lax
from jax.experimental import pallas as pl
from jax.experimental.pallas import tpu as pltpu
from jax.experimental.pallas import tpu_sc as plsc

_BINS = 100
_IGNORE = 0
_R = 8
_L = 16
_NS = 16
_NC = 2


def _rowstats_block(x_ref, m_ref, s_ref):
    x = x_ref[...]
    m = jnp.max(x, axis=1)
    s = jnp.sum(jnp.exp(x - m[:, None]), axis=1)
    m_ref[0, 0, :] = m
    s_ref[0, 0, :] = s


def _row_stats(x):
    n, v = x.shape
    return pl.pallas_call(
        _rowstats_block,
        grid=(n // _R,),
        in_specs=[pl.BlockSpec((_R, v), lambda i: (i, 0))],
        out_specs=[pl.BlockSpec((1, 1, _R), lambda i: (i, 0, 0)),
                   pl.BlockSpec((1, 1, _R), lambda i: (i, 0, 0))],
        out_shape=[jax.ShapeDtypeStruct((n // _R, 1, _R), jnp.float32),
                   jax.ShapeDtypeStruct((n // _R, 1, _R), jnp.float32)],
        compiler_params=pltpu.CompilerParams(dimension_semantics=("arbitrary",)),
    )(x)


def _lane_shuffle(x, idx):
    dn = lax.GatherDimensionNumbers(
        offset_dims=(), collapsed_slice_dims=(0,), start_index_map=(0,))
    return lax.gather(x, idx[:, None], dn, slice_sizes=(1,),
                      mode=lax.GatherScatterMode.PROMISE_IN_BOUNDS)


def _lane_allsum(x, lane):
    for k in (1, 2, 4, 8):
        x = x + _lane_shuffle(x, lane ^ k)
    return x


def _sc_statistic(x_flat, ys, rmax, rsum, vocab):
    n = ys.shape[0]
    mesh = plsc.VectorSubcoreMesh(core_axis_name="c", subcore_axis_name="s")

    @functools.partial(
        pl.kernel,
        mesh=mesh,
        out_type=jax.ShapeDtypeStruct((_NC, 128), jnp.float32),
        scratch_types=[
            pltpu.VMEM((_L,), jnp.int32),
            pltpu.VMEM((_L,), jnp.float32),
            pltpu.VMEM((_L,), jnp.float32),
            pltpu.VMEM((_L,), jnp.int32),
            pltpu.VMEM((_L,), jnp.float32),
            pltpu.VMEM((128,), jnp.float32),
            pltpu.VMEM((_NS, 128), jnp.float32),
            pltpu.VMEM_SHARED((_NS, 128), jnp.float32),
            pltpu.SemaphoreType.DMA,
        ],
    )
    def sc_kernel(x_hbm, ys_hbm, max_hbm, sum_hbm, out_hbm,
                  ys_v, max_v, sum_v, idx_v, tgt_v, loc_v, red_v, sh, sem):
        c = lax.axis_index("c")
        s = lax.axis_index("s")
        base = (c * _NS + s) * _L

        pltpu.sync_copy(ys_hbm.at[pl.ds(base, _L)], ys_v)
        pltpu.sync_copy(max_hbm.at[pl.ds(base, _L)], max_v)
        pltpu.sync_copy(sum_hbm.at[pl.ds(base, _L)], sum_v)

        lane = lax.iota(jnp.int32, _L)
        ysv = ys_v[...]
        idx_v[...] = (base + lane) * vocab + ysv
        pltpu.async_copy(x_hbm.at[idx_v], tgt_v, sem).wait()

        m = max_v[...]
        se = sum_v[...]
        pv = jnp.exp(tgt_v[...] - m) / se
        valid = jnp.where(ysv != _IGNORE, 1.0, 0.0).astype(jnp.float32)

        hist = [jnp.zeros((_L,), jnp.float32) for _ in range(7)]
        bins_i = [jnp.int32(16 * j) + lane for j in range(7)]
        bins_f = [b.astype(jnp.float32) for b in bins_i]
        for r in range(_L):
            ridx = jnp.full((_L,), r, jnp.int32)
            pv_r = _lane_shuffle(pv, ridx)
            va_r = _lane_shuffle(valid, ridx)
            for j in range(7):
                upper = pv_r > bins_f[j] / _BINS
                lower = pv_r < bins_f[j] + (1.0 / _BINS)
                ok = upper & lower & (bins_i[j] < _BINS)
                hist[j] = hist[j] + jnp.where(ok, va_r, 0.0)

        sp = _lane_allsum(pv * valid, lane)
        nv = _lane_allsum(valid, lane)
        stats = jnp.where(lane == 0, sp, jnp.where(lane == 1, nv, 0.0))
        for j in range(7):
            loc_v[pl.ds(16 * j, _L)] = hist[j]
        loc_v[pl.ds(112, _L)] = stats

        pltpu.sync_copy(loc_v, sh.at[s])
        plsc.subcore_barrier()

        @pl.when(s == 0)
        def _():
            pltpu.sync_copy(sh, red_v)
            for j in range(8):
                t = red_v[0, pl.ds(16 * j, _L)]
                for w in range(1, _NS):
                    t = t + red_v[w, pl.ds(16 * j, _L)]
                loc_v[pl.ds(16 * j, _L)] = t
            pltpu.sync_copy(loc_v, out_hbm.at[c])

    return sc_kernel(x_flat, ys, rmax, rsum)


def kernel(decoder_out_att, ys_out_pad_att):
    b, t, v = decoder_out_att.shape
    n = b * t
    x = decoder_out_att.reshape(n, v)
    part = _sc_statistic(decoder_out_att.reshape(n * v),
                         ys_out_pad_att.reshape(n),
                         jnp.zeros((n,), jnp.float32), jnp.zeros((n,), jnp.float32), v)
    tot = part[0] + part[1]
    mean = tot[112] / jnp.maximum(tot[113], 1.0)
    return jnp.concatenate([mean[None], tot[:_BINS]])

# --- scband reference (transcript-rebuilt; emitter-appended) ---
"""Pipeline reference for scband-espnet-statistic-8022998909740 (READ-ONLY COPY).

The authoritative reference and input builder live on the scoring server;
editing this copy changes nothing except your own understanding.
"""

import jax, jax.numpy as jnp
import numpy as np

BINS = 100
IGNORE_ID = 0


def setup_inputs(seed: int = 0) -> dict:
    key = jax.random.key(seed)
    k1, k2 = jax.random.split(key)
    decoder_out_att = jax.random.normal(k1, (16, 32, 100000), dtype=jnp.float32)
    ys_out_pad_att = jax.random.randint(k2, (16, 32), 0, 100000, dtype=jnp.int32)
    return {"decoder_out_att": decoder_out_att, "ys_out_pad_att": ys_out_pad_att}


def reference(decoder_out_att, ys_out_pad_att):
    # torch.no_grad() region -> pure forward statistics
    prob = jax.nn.softmax(decoder_out_att, axis=-1)
    bsz, tsz = ys_out_pad_att.shape
    prob_flat = prob.reshape(bsz * tsz, -1)
    ys_flat = ys_out_pad_att.reshape(bsz * tsz)
    # gather probability of the target token for each position
    tgt_prob = prob_flat[jnp.arange(bsz * tsz), ys_flat]
    tgt_prob = tgt_prob.reshape(bsz, tsz)
    ignore = ys_out_pad_att == IGNORE_ID
    valid = (~ignore).reshape(-1).astype(jnp.float32)
    pv = tgt_prob.reshape(-1)
    n_valid = jnp.maximum(valid.sum(), 1.0)
    confid_mean = (pv * valid).sum() / n_valid
    # histogram, faithful to the torch code including the precedence of
    # `i + 1 / self.bins` (i.e. lower bound is i + 1/bins, NOT (i+1)/bins)
    i = jnp.arange(BINS, dtype=jnp.float32)
    upper_mask = pv[None, :] > (i[:, None] / BINS)
    lower_mask = pv[None, :] < (i[:, None] + 1.0 / BINS)
    mask = (upper_mask & lower_mask).astype(jnp.float32) * valid[None, :]
    hist = mask.sum(axis=1)
    return jnp.concatenate([confid_mean[None], hist])

if __name__ == "__main__":
    import jax
    _d = setup_inputs()
    print(jax.jit(kernel)(*tuple(_d.values())))

</pallas_src>

<mosaic_0001>
#map = affine_map<(d0, d1) -> (0)>
#map1 = affine_map<(d0, d1) -> (0, 0)>
module attributes {stable_mosaic.version = 14 : i64} {
  func.func @sc_kernel(%arg0: i32, %arg1: i32, %arg2: memref<51200000xf32, #tpu.memory_space<hbm>>, %arg3: memref<512xi32, #tpu.memory_space<hbm>>, %arg4: memref<512xf32, #tpu.memory_space<hbm>>, %arg5: memref<512xf32, #tpu.memory_space<hbm>>, %arg6: memref<2x128xf32, #tpu.memory_space<hbm>>, %arg7: memref<16xi32, #tpu.memory_space<vmem>>, %arg8: memref<16xf32, #tpu.memory_space<vmem>>, %arg9: memref<16xf32, #tpu.memory_space<vmem>>, %arg10: memref<16xi32, #tpu.memory_space<vmem>>, %arg11: memref<16xf32, #tpu.memory_space<vmem>>, %arg12: memref<128xf32, #tpu.memory_space<vmem>>, %arg13: memref<16x128xf32, #tpu.memory_space<vmem>>, %arg14: memref<16x128xf32, #tpu.memory_space<vmem_shared>>, %arg15: memref<!tpu.dma_semaphore, #tpu.memory_space<semaphore_mem>>) attributes {dimension_semantics = [#tpu.dimension_semantics<core_parallel>, #tpu.dimension_semantics<subcore_parallel>], iteration_bounds = array<i64: 2, 16>, scalar_prefetch = 0 : i64, scratch_operands = 9 : i64, tpu.core_type = #tpu.core_type<sc_vector_subcore>, window_params = [{transform_indices = #map}, {transform_indices = #map}, {transform_indices = #map}, {transform_indices = #map}, {transform_indices = #map1}]} {
    %mul3A = arith.constant 16 : i32
    %mul3A_0 = arith.muli %arg0, %mul3A : i32
    %add3A = arith.addi %mul3A_0, %arg1 : i32
    %mul3A_1 = arith.constant 16 : i32
    %mul3A_2 = arith.muli %add3A, %mul3A_1 : i32
    "tpu.region"() ({
      %run_scoped3A = tpu.sem_alloc : memref<!tpu.dma_semaphore, #tpu.memory_space<semaphore_mem>>
      %dma_start3A_2199 = tpu.memref_slice %arg3[%mul3A_2] : memref<512xi32, #tpu.memory_space<hbm>> -> memref<16xi32, #tpu.memory_space<hbm>>
      %dma_start3A_2200 = tpu.memref_slice %arg3[%mul3A_2] : memref<512xi32, #tpu.memory_space<hbm>> -> memref<16xi32, #tpu.memory_space<hbm>>
      tpu.enqueue_dma source(%dma_start3A_2200 : memref<16xi32, #tpu.memory_space<hbm>>) target(%arg7 : memref<16xi32, #tpu.memory_space<vmem>>) target_semaphore(%run_scoped3A : memref<!tpu.dma_semaphore, #tpu.memory_space<semaphore_mem>>)
      %dma_wait3A_2201 = tpu.memref_slice %arg3[%mul3A_2] : memref<512xi32, #tpu.memory_space<hbm>> -> memref<16xi32, #tpu.memory_space<hbm>>
      %dma_wait3A_2202 = tpu.memref_slice %arg3[%mul3A_2] : memref<512xi32, #tpu.memory_space<hbm>> -> memref<16xi32, #tpu.memory_space<hbm>>
      tpu.wait_dma2 semaphore(%run_scoped3A : memref<!tpu.dma_semaphore, #tpu.memory_space<semaphore_mem>>) src(%dma_wait3A_2202 : memref<16xi32, #tpu.memory_space<hbm>>) dst(%arg7 : memref<16xi32, #tpu.memory_space<vmem>>)
      tpu.yield
    }) : () -> ()
    "tpu.region"() ({
      %run_scoped3A = tpu.sem_alloc : memref<!tpu.dma_semaphore, #tpu.memory_space<semaphore_mem>>
      %dma_start3A_2199 = tpu.memref_slice %arg4[%mul3A_2] : memref<512xf32, #tpu.memory_space<hbm>> -> memref<16xf32, #tpu.memory_space<hbm>>
      %dma_start3A_2200 = tpu.memref_slice %arg4[%mul3A_2] : memref<512xf32, #tpu.memory_space<hbm>> -> memref<16xf32, #tpu.memory_space<hbm>>
      tpu.enqueue_dma source(%dma_start3A_2200 : memref<16xf32, #tpu.memory_space<hbm>>) target(%arg8 : memref<16xf32, #tpu.memory_space<vmem>>) target_semaphore(%run_scoped3A : memref<!tpu.dma_semaphore, #tpu.memory_space<semaphore_mem>>)
      %dma_wait3A_2201 = tpu.memref_slice %arg4[%mul3A_2] : memref<512xf32, #tpu.memory_space<hbm>> -> memref<16xf32, #tpu.memory_space<hbm>>
      %dma_wait3A_2202 = tpu.memref_slice %arg4[%mul3A_2] : memref<512xf32, #tpu.memory_space<hbm>> -> memref<16xf32, #tpu.memory_space<hbm>>
      tpu.wait_dma2 semaphore(%run_scoped3A : memref<!tpu.dma_semaphore, #tpu.memory_space<semaphore_mem>>) src(%dma_wait3A_2202 : memref<16xf32, #tpu.memory_space<hbm>>) dst(%arg8 : memref<16xf32, #tpu.memory_space<vmem>>)
      tpu.yield
    }) : () -> ()
    "tpu.region"() ({
      %run_scoped3A = tpu.sem_alloc : memref<!tpu.dma_semaphore, #tpu.memory_space<semaphore_mem>>
      %dma_start3A_2199 = tpu.memref_slice %arg5[%mul3A_2] : memref<512xf32, #tpu.memory_space<hbm>> -> memref<16xf32, #tpu.memory_space<hbm>>
      %dma_start3A_2200 = tpu.memref_slice %arg5[%mul3A_2] : memref<512xf32, #tpu.memory_space<hbm>> -> memref<16xf32, #tpu.memory_space<hbm>>
      tpu.enqueue_dma source(%dma_start3A_2200 : memref<16xf32, #tpu.memory_space<hbm>>) target(%arg9 : memref<16xf32, #tpu.memory_space<vmem>>) target_semaphore(%run_scoped3A : memref<!tpu.dma_semaphore, #tpu.memory_space<semaphore_mem>>)
      %dma_wait3A_2201 = tpu.memref_slice %arg5[%mul3A_2] : memref<512xf32, #tpu.memory_space<hbm>> -> memref<16xf32, #tpu.memory_space<hbm>>
      %dma_wait3A_2202 = tpu.memref_slice %arg5[%mul3A_2] : memref<512xf32, #tpu.memory_space<hbm>> -> memref<16xf32, #tpu.memory_space<hbm>>
      tpu.wait_dma2 semaphore(%run_scoped3A : memref<!tpu.dma_semaphore, #tpu.memory_space<semaphore_mem>>) src(%dma_wait3A_2202 : memref<16xf32, #tpu.memory_space<hbm>>) dst(%arg9 : memref<16xf32, #tpu.memory_space<vmem>>)
      tpu.yield
    }) : () -> ()
    %iota3A = tpu.iota {dimensions = array<i32: 0>} : vector<16xi32>
    %get3A = arith.constant 0 : index
    %get3A_3 = tpu.vector_load %arg7[%get3A] {strides = array<i32>} : memref<16xi32, #tpu.memory_space<vmem>>, vector<16xi32>,
    %get3A_4 = vector.shape_cast %get3A_3 : vector<16xi32> to vector<16xi32>
    %add3A_5 = vector.broadcast %mul3A_2 : i32 to vector<16xi32>
    %add3A_6 = arith.addi %add3A_5, %iota3A : vector<16xi32>
    %mul3A_7 = arith.constant 100000 : i32
    %mul3A_8 = vector.broadcast %mul3A_7 : i32 to vector<16xi32>
    %mul3A_9 = arith.muli %add3A_6, %mul3A_8 : vector<16xi32>
    %add3A_10 = arith.addi %mul3A_9, %get3A_4 : vector<16xi32>
    %swap3A = arith.constant 0 : index
    %swap3A_11 = tpu.vector_load %arg10[%swap3A] {strides = array<i32>} : memref<16xi32, #tpu.memory_space<vmem>>, vector<16xi32>,
    %swap3A_12 = vector.shape_cast %swap3A_11 : vector<16xi32> to vector<16xi32>
    %swap3A_13 = vector.shape_cast %add3A_10 : vector<16xi32> to vector<16xi32>
    tpu.vector_store %arg10[%swap3A], %swap3A_13 {strides = array<i32>} : memref<16xi32, #tpu.memory_space<vmem>>, vector<16xi32>,
    %dma_start3A = arith.constant 0 : i32
    %dma_start3A_14 = tpu.memref_slice %arg2[%dma_start3A] : memref<51200000xf32, #tpu.memory_space<hbm>> -> memref<51200000xf32, #tpu.memory_space<hbm>>
    tpu.enqueue_indirect_dma source(%dma_start3A_14 : memref<51200000xf32, #tpu.memory_space<hbm>>) target(%arg11 : memref<16xf32, #tpu.memory_space<vmem>>) offsets(%arg10 : memref<16xi32, #tpu.memory_space<vmem>>) semaphore(%arg15 : memref<!tpu.dma_semaphore, #tpu.memory_space<semaphore_mem>>)
    %dma_wait3A = arith.constant 0 : i32
    %dma_wait3A_15 = tpu.memref_slice %arg2[%dma_wait3A] : memref<51200000xf32, #tpu.memory_space<hbm>> -> memref<51200000xf32, #tpu.memory_space<hbm>>
    tpu.wait_indirect_dma semaphore(%arg15 : memref<!tpu.dma_semaphore, #tpu.memory_space<semaphore_mem>>) src(%dma_wait3A_15 : memref<51200000xf32, #tpu.memory_space<hbm>>) dst(%arg11 : memref<16xf32, #tpu.memory_space<vmem>>)
    %get3A_16 = arith.constant 0 : index
    %get3A_17 = tpu.vector_load %arg8[%get3A_16] {strides = array<i32>} : memref<16xf32, #tpu.memory_space<vmem>>, vector<16xf32>,
    %get3A_18 = vector.shape_cast %get3A_17 : vector<16xf32> to vector<16xf32>
    %get3A_19 = arith.constant 0 : index
    %get3A_20 = tpu.vector_load %arg9[%get3A_19] {strides = array<i32>} : memref<16xf32, #tpu.memory_space<vmem>>, vector<16xf32>,
    %get3A_21 = vector.shape_cast %get3A_20 : vector<16xf32> to vector<16xf32>
    %get3A_22 = arith.constant 0 : index
    %get3A_23 = tpu.vector_load %arg11[%get3A_22] {strides = array<i32>} : memref<16xf32, #tpu.memory_space<vmem>>, vector<16xf32>,
    %get3A_24 = vector.shape_cast %get3A_23 : vector<16xf32> to vector<16xf32>
    %sub3A = arith.subf %get3A_24, %get3A_18 : vector<16xf32>
    %exp3A = math.exp %sub3A : vector<16xf32>
    %div3A = arith.divf %exp3A, %get3A_21 : vector<16xf32>
    %ne3A = arith.constant 0 : i32
    %ne3A_25 = vector.broadcast %ne3A : i32 to vector<16xi32>
    %ne3A_26 = arith.cmpi ne, %get3A_4, %ne3A_25 : vector<16xi32>
    %jit3A = arith.constant 1.000000e+00 : f32
    %jit3A_27 = arith.constant 0.000000e+00 : f32
    %broadcast_in_dim3A = vector.broadcast %jit3A : f32 to vector<16xf32>
    %broadcast_in_dim3A_28 = vector.broadcast %jit3A_27 : f32 to vector<16xf32>
    %select_n3A = arith.select %ne3A_26, %broadcast_in_dim3A, %broadcast_in_dim3A_28 : vector<16xi1>, vector<16xf32>
    %broadcast_in_dim3A_29 = arith.constant 0.000000e+00 : f32
    %broadcast_in_dim3A_30 = vector.broadcast %broadcast_in_dim3A_29 : f32 to vector<16xf32>
    %broadcast_in_dim3A_31 = arith.constant 0.000000e+00 : f32
    %broadcast_in_dim3A_32 = vector.broadcast %broadcast_in_dim3A_31 : f32 to vector<16xf32>
    %broadcast_in_dim3A_33 = arith.constant 0.000000e+00 : f32
    %broadcast_in_dim3A_34 = vector.broadcast %broadcast_in_dim3A_33 : f32 to vector<16xf32>
    %broadcast_in_dim3A_35 = arith.constant 0.000000e+00 : f32
    %broadcast_in_dim3A_36 = vector.broadcast %broadcast_in_dim3A_35 : f32 to vector<16xf32>
    %broadcast_in_dim3A_37 = arith.constant 0.000000e+00 : f32
    %broadcast_in_dim3A_38 = vector.broadcast %broadcast_in_dim3A_37 : f32 to vector<16xf32>
    %broadcast_in_dim3A_39 = arith.constant 0.000000e+00 : f32
    %broadcast_in_dim3A_40 = vector.broadcast %broadcast_in_dim3A_39 : f32 to vector<16xf32>
    %broadcast_in_dim3A_41 = arith.constant 0.000000e+00 : f32
    %broadcast_in_dim3A_42 = vector.broadcast %broadcast_in_dim3A_41 : f32 to vector<16xf32>
    %add3A_43 = arith.constant 0 : i32
    %add3A_44 = vector.broadcast %add3A_43 : i32 to vector<16xi32>
    %add3A_45 = arith.addi %add3A_44, %iota3A : vector<16xi32>
    %add3A_46 = arith.constant 16 : i32
    %add3A_47 = vector.broadcast %add3A_46 : i32 to vector<16xi32>
    %add3A_48 = arith.addi %add3A_47, %iota3A : vector<16xi32>
    %add3A_49 = arith.constant 32 : i32
    %add3A_50 = vector.broadcast %add3A_49 : i32 to vector<16xi32>
    %add3A_51 = arith.addi %add3A_50, %iota3A : vector<16xi32>
    %add3A_52 = arith.constant 48 : i32
    %add3A_53 = vector.broadcast %add3A_52 : i32 to vector<16xi32>
    %add3A_54 = arith.addi %add3A_53, %iota3A : vector<16xi32>
    %add3A_55 = arith.constant 64 : i32
    %add3A_56 = vector.broadcast %add3A_55 : i32 to vector<16xi32>
    %add3A_57 = arith.addi %add3A_56, %iota3A : vector<16xi32>
    %add3A_58 = arith.constant 80 : i32
    %add3A_59 = vector.broadcast %add3A_58 : i32 to vector<16xi32>
    %add3A_60 = arith.addi %add3A_59, %iota3A : vector<16xi32>
    %add3A_61 = arith.constant 96 : i32
    %add3A_62 = vector.broadcast %add3A_61 : i32 to vector<16xi32>
    %add3A_63 = arith.addi %add3A_62, %iota3A : vector<16xi32>
    %convert_element_type3A = arith.sitofp %add3A_45 : vector<16xi32> to vector<16xf32>
    %convert_element_type3A_64 = arith.sitofp %add3A_48 : vector<16xi32> to vector<16xf32>
    %convert_element_type3A_65 = arith.sitofp %add3A_51 : vector<16xi32> to vector<16xf32>
    %convert_element_type3A_66 = arith.sitofp %add3A_54 : vector<16xi32> to vector<16xf32>
    %convert_element_type3A_67 = arith.sitofp %add3A_57 : vector<16xi32> to vector<16xf32>
    %convert_element_type3A_68 = arith.sitofp %add3A_60 : vector<16xi32> to vector<16xf32>
    %convert_element_type3A_69 = arith.sitofp %add3A_63 : vector<16xi32> to vector<16xf32>
    %broadcast_in_dim3A_70 = arith.constant 0 : i32
    %broadcast_in_dim3A_71 = vector.broadcast %broadcast_in_dim3A_70 : i32 to vector<16xi32>
    %broadcast_in_dim3A_72 = vector.shape_cast %broadcast_in_dim3A_71 : vector<16xi32> to vector<16x1xi32>
    %gather3A = vector.shape_cast %broadcast_in_dim3A_72 : vector<16x1xi32> to vector<16xi32>
    %gather3A_73 = tpu.dynamic_gather %div3A[%gather3A] in [0] : vector<16xf32>, vector<16xi32> -> vector<16xf32>
    %broadcast_in_dim3A_74 = vector.shape_cast %broadcast_in_dim3A_71 : vector<16xi32> to vector<16x1xi32>
    %gather3A_75 = vector.shape_cast %broadcast_in_dim3A_74 : vector<16x1xi32> to vector<16xi32>
    %gather3A_76 = tpu.dynamic_gather %select_n3A[%gather3A_75] in [0] : vector<16xf32>, vector<16xi32> -> vector<16xf32>
    %div3A_77 = arith.constant 1.000000e+02 : f32
    %div3A_78 = vector.broadcast %div3A_77 : f32 to vector<16xf32>
    %div3A_79 = arith.divf %convert_element_type3A, %div3A_78 : vector<16xf32>
    %gt3A = arith.cmpf ogt, %gather3A_73, %div3A_79 : vector<16xf32>
    %add3A_80 = arith.constant 0.00999999977 : f32
    %add3A_81 = vector.broadcast %add3A_80 : f32 to vector<16xf32>
    %add3A_82 = arith.addf %convert_element_type3A, %add3A_81 : vector<16xf32>
    %lt3A = arith.cmpf olt, %gather3A_73, %add3A_82 : vector<16xf32>
    %and3A = arith.andi %gt3A, %lt3A : vector<16xi1>
    %lt3A_83 = arith.constant 100 : i32
    %lt3A_84 = vector.broadcast %lt3A_83 : i32 to vector<16xi32>
    %lt3A_85 = arith.cmpi slt, %add3A_45, %lt3A_84 : vector<16xi32>
    %and3A_86 = arith.andi %and3A, %lt3A_85 : vector<16xi1>
    %jit3A_87 = arith.constant 0.000000e+00 : f32
    %broadcast_in_dim3A_88 = vector.broadcast %jit3A_87 : f32 to vector<16xf32>
    %select_n3A_89 = arith.select %and3A_86, %gather3A_76, %broadcast_in_dim3A_88 : vector<16xi1>, vector<16xf32>
    %add3A_90 = arith.addf %broadcast_in_dim3A_30, %select_n3A_89 : vector<16xf32>
    %div3A_91 = arith.constant 1.000000e+02 : f32
    %div3A_92 = vector.broadcast %div3A_91 : f32 to vector<16xf32>
    %div3A_93 = arith.divf %convert_element_type3A_64, %div3A_92 : vector<16xf32>
    %gt3A_94 = arith.cmpf ogt, %gather3A_73, %div3A_93 : vector<16xf32>
    %add3A_95 = arith.constant 0.00999999977 : f32
    %add3A_96 = vector.broadcast %add3A_95 : f32 to vector<16xf32>
    %add3A_97 = arith.addf %convert_element_type3A_64, %add3A_96 : vector<16xf32>
    %lt3A_98 = arith.cmpf olt, %gather3A_73, %add3A_97 : vector<16xf32>
    %and3A_99 = arith.andi %gt3A_94, %lt3A_98 : vector<16xi1>
    %lt3A_100 = arith.constant 100 : i32
    %lt3A_101 = vector.broadcast %lt3A_100 : i32 to vector<16xi32>
    %lt3A_102 = arith.cmpi slt, %add3A_48, %lt3A_101 : vector<16xi32>
    %and3A_103 = arith.andi %and3A_99, %lt3A_102 : vector<16xi1>
    %jit3A_104 = arith.constant 0.000000e+00 : f32
    %broadcast_in_dim3A_105 = vector.broadcast %jit3A_104 : f32 to vector<16xf32>
    %select_n3A_106 = arith.select %and3A_103, %gather3A_76, %broadcast_in_dim3A_105 : vector<16xi1>, vector<16xf32>
    %add3A_107 = arith.addf %broadcast_in_dim3A_32, %select_n3A_106 : vector<16xf32>
    %div3A_108 = arith.constant 1.000000e+02 : f32
    %div3A_109 = vector.broadcast %div3A_108 : f32 to vector<16xf32>
    %div3A_110 = arith.divf %convert_element_type3A_65, %div3A_109 : vector<16xf32>
    %gt3A_111 = arith.cmpf ogt, %gather3A_73, %div3A_110 : vector<16xf32>
    %add3A_112 = arith.constant 0.00999999977 : f32
    %add3A_113 = vector.broadcast %add3A_112 : f32 to vector<16xf32>
    %add3A_114 = arith.addf %convert_element_type3A_65, %add3A_113 : vector<16xf32>
    %lt3A_115 = arith.cmpf olt, %gather3A_73, %add3A_114 : vector<16xf32>
    %and3A_116 = arith.andi %gt3A_111, %lt3A_115 : vector<16xi1>
    %lt3A_117 = arith.constant 100 : i32
    %lt3A_118 = vector.broadcast %lt3A_117 : i32 to vector<16xi32>
    %lt3A_119 = arith.cmpi slt, %add3A_51, %lt3A_118 : vector<16xi32>
    %and3A_120 = arith.andi %and3A_116, %lt3A_119 : vector<16xi1>
    %jit3A_121 = arith.constant 0.000000e+00 : f32
    %broadcast_in_dim3A_122 = vector.broadcast %jit3A_121 : f32 to vector<16xf32>
    %select_n3A_123 = arith.select %and3A_120, %gather3A_76, %broadcast_in_dim3A_122 : vector<16xi1>, vector<16xf32>
    %add3A_124 = arith.addf %broadcast_in_dim3A_34, %select_n3A_123 : vector<16xf32>
    %div3A_125 = arith.constant 1.000000e+02 : f32
    %div3A_126 = vector.broadcast %div3A_125 : f32 to vector<16xf32>
    %div3A_127 = arith.divf %convert_element_type3A_66, %div3A_126 : vector<16xf32>
    %gt3A_128 = arith.cmpf ogt, %gather3A_73, %div3A_127 : vector<16xf32>
    %add3A_129 = arith.constant 0.00999999977 : f32
    %add3A_130 = vector.broadcast %add3A_129 : f32 to vector<16xf32>
    %add3A_131 = arith.addf %convert_element_type3A_66, %add3A_130 : vector<16xf32>
    %lt3A_132 = arith.cmpf olt, %gather3A_73, %add3A_131 : vector<16xf32>
    %and3A_133 = arith.andi %gt3A_128, %lt3A_132 : vector<16xi1>
    %lt3A_134 = arith.constant 100 : i32
    %lt3A_135 = vector.broadcast %lt3A_134 : i32 to vector<16xi32>
    %lt3A_136 = arith.cmpi slt, %add3A_54, %lt3A_135 : vector<16xi32>
    %and3A_137 = arith.andi %and3A_133, %lt3A_136 : vector<16xi1>
    %jit3A_138 = arith.constant 0.000000e+00 : f32
    %broadcast_in_dim3A_139 = vector.broadcast %jit3A_138 : f32 to vector<16xf32>
    %select_n3A_140 = arith.select %and3A_137, %gather3A_76, %broadcast_in_dim3A_139 : vector<16xi1>, vector<16xf32>
    %add3A_141 = arith.addf %broadcast_in_dim3A_36, %select_n3A_140 : vector<16xf32>
    %div3A_142 = arith.constant 1.000000e+02 : f32
    %div3A_143 = vector.broadcast %div3A_142 : f32 to vector<16xf32>
    %div3A_144 = arith.divf %convert_element_type3A_67, %div3A_143 : vector<16xf32>
    %gt3A_145 = arith.cmpf ogt, %gather3A_73, %div3A_144 : vector<16xf32>
    %add3A_146 = arith.constant 0.00999999977 : f32
    %add3A_147 = vector.broadcast %add3A_146 : f32 to vector<16xf32>
    %add3A_148 = arith.addf %convert_element_type3A_67, %add3A_147 : vector<16xf32>
    %lt3A_149 = arith.cmpf olt, %gather3A_73, %add3A_148 : vector<16xf32>
    %and3A_150 = arith.andi %gt3A_145, %lt3A_149 : vector<16xi1>
    %lt3A_151 = arith.constant 100 : i32
    %lt3A_152 = vector.broadcast %lt3A_151 : i32 to vector<16xi32>
    %lt3A_153 = arith.cmpi slt, %add3A_57, %lt3A_152 : vector<16xi32>
    %and3A_154 = arith.andi %and3A_150, %lt3A_153 : vector<16xi1>
    %jit3A_155 = arith.constant 0.000000e+00 : f32
    %broadcast_in_dim3A_156 = vector.broadcast %jit3A_155 : f32 to vector<16xf32>
    %select_n3A_157 = arith.select %and3A_154, %gather3A_76, %broadcast_in_dim3A_156 : vector<16xi1>, vector<16xf32>
    %add3A_158 = arith.addf %broadcast_in_dim3A_38, %select_n3A_157 : vector<16xf32>
    %div3A_159 = arith.constant 1.000000e+02 : f32
    %div3A_160 = vector.broadcast %div3A_159 : f32 to vector<16xf32>
    %div3A_161 = arith.divf %convert_element_type3A_68, %div3A_160 : vector<16xf32>
    %gt3A_162 = arith.cmpf ogt, %gather3A_73, %div3A_161 : vector<16xf32>
    %add3A_163 = arith.constant 0.00999999977 : f32
    %add3A_164 = vector.broadcast %add3A_163 : f32 to vector<16xf32>
    %add3A_165 = arith.addf %convert_element_type3A_68, %add3A_164 : vector<16xf32>
    %lt3A_166 = arith.cmpf olt, %gather3A_73, %add3A_165 : vector<16xf32>
    %and3A_167 = arith.andi %gt3A_162, %lt3A_166 : vector<16xi1>
    %lt3A_168 = arith.constant 100 : i32
    %lt3A_169 = vector.broadcast %lt3A_168 : i32 to vector<16xi32>
    %lt3A_170 = arith.cmpi slt, %add3A_60, %lt3A_169 : vector<16xi32>
    %and3A_171 = arith.andi %and3A_167, %lt3A_170 : vector<16xi1>
    %jit3A_172 = arith.constant 0.000000e+00 : f32
    %broadcast_in_dim3A_173 = vector.broadcast %jit3A_172 : f32 to vector<16xf32>
    %select_n3A_174 = arith.select %and3A_171, %gather3A_76, %broadcast_in_dim3A_173 : vector<16xi1>, vector<16xf32>
    %add3A_175 = arith.addf %broadcast_in_dim3A_40, %select_n3A_174 : vector<16xf32>
    %div3A_176 = arith.constant 1.000000e+02 : f32
    %div3A_177 = vector.broadcast %div3A_176 : f32 to vector<16xf32>
    %div3A_178 = arith.divf %convert_element_type3A_69, %div3A_177 : vector<16xf32>
    %gt3A_179 = arith.cmpf ogt, %gather3A_73, %div3A_178 : vector<16xf32>
    %add3A_180 = arith.constant 0.00999999977 : f32
    %add3A_181 = vector.broadcast %add3A_180 : f32 to vector<16xf32>
    %add3A_182 = arith.addf %convert_element_type3A_69, %add3A_181 : vector<16xf32>
    %lt3A_183 = arith.cmpf olt, %gather3A_73, %add3A_182 : vector<16xf32>
    %and3A_184 = arith.andi %gt3A_179, %lt3A_183 : vector<16xi1>
    %lt3A_185 = arith.constant 100 : i32
    %lt3A_186 = vector.broadcast %lt3A_185 : i32 to vector<16xi32>
    %lt3A_187 = arith.cmpi slt, %add3A_63, %lt3A_186 : vector<16xi32>
    %and3A_188 = arith.andi %and3A_184, %lt3A_187 : vector<16xi1>
    %jit3A_189 = arith.constant 0.000000e+00 : f32
    %broadcast_in_dim3A_190 = vector.broadcast %jit3A_189 : f32 to vector<16xf32>
    %select_n3A_191 = arith.select %and3A_188, %gather3A_76, %broadcast_in_dim3A_190 : vector<16xi1>, vector<16xf32>
    %add3A_192 = arith.addf %broadcast_in_dim3A_42, %select_n3A_191 : vector<16xf32>
    %broadcast_in_dim3A_193 = arith.constant 1 : i32
    %broadcast_in_dim3A_194 = vector.broadcast %broadcast_in_dim3A_193 : i32 to vector<16xi32>
    %broadcast_in_dim3A_195 = vector.shape_cast %broadcast_in_dim3A_194 : vector<16xi32> to vector<16x1xi32>
    %gather3A_196 = vector.shape_cast %broadcast_in_dim3A_195 : vector<16x1xi32> to vector<16xi32>
    %gather3A_197 = tpu.dynamic_gather %div3A[%gather3A_196] in [0] : vector<16xf32>, vector<16xi32> -> vector<16xf32>
    %broadcast_in_dim3A_198 = vector.shape_cast %broadcast_in_dim3A_194 : vector<16xi32> to vector<16x1xi32>
    %gather3A_199 = vector.shape_cast %broadcast_in_dim3A_198 : vector<16x1xi32> to vector<16xi32>
    %gather3A_200 = tpu.dynamic_gather %select_n3A[%gather3A_199] in [0] : vector<16xf32>, vector<16xi32> -> vector<16xf32>
    %div3A_201 = arith.constant 1.000000e+02 : f32
    %div3A_202 = vector.broadcast %div3A_201 : f32 to vector<16xf32>
    %div3A_203 = arith.divf %convert_element_type3A, %div3A_202 : vector<16xf32>
    %gt3A_204 = arith.cmpf ogt, %gather3A_197, %div3A_203 : vector<16xf32>
    %add3A_205 = arith.constant 0.00999999977 : f32
    %add3A_206 = vector.broadcast %add3A_205 : f32 to vector<16xf32>
    %add3A_207 = arith.addf %convert_element_type3A, %add3A_206 : vector<16xf32>
    %lt3A_208 = arith.cmpf olt, %gather3A_197, %add3A_207 : vector<16xf32>
    %and3A_209 = arith.andi %gt3A_204, %lt3A_208 : vector<16xi1>
    %lt3A_210 = arith.constant 100 : i32
    %lt3A_211 = vector.broadcast %lt3A_210 : i32 to vector<16xi32>
    %lt3A_212 = arith.cmpi slt, %add3A_45, %lt3A_211 : vector<16xi32>
    %and3A_213 = arith.andi %and3A_209, %lt3A_212 : vector<16xi1>
    %jit3A_214 = arith.constant 0.000000e+00 : f32
    %broadcast_in_dim3A_215 = vector.broadcast %jit3A_214 : f32 to vector<16xf32>
    %select_n3A_216 = arith.select %and3A_213, %gather3A_200, %broadcast_in_dim3A_215 : vector<16xi1>, vector<16xf32>
    %add3A_217 = arith.addf %add3A_90, %select_n3A_216 : vector<16xf32>
    %div3A_218 = arith.constant 1.000000e+02 : f32
    %div3A_219 = vector.broadcast %div3A_218 : f32 to vector<16xf32>
    %div3A_220 = arith.divf %convert_element_type3A_64, %div3A_219 : vector<16xf32>
    %gt3A_221 = arith.cmpf ogt, %gather3A_197, %div3A_220 : vector<16xf32>
    %add3A_222 = arith.constant 0.00999999977 : f32
    %add3A_223 = vector.broadcast %add3A_222 : f32 to vector<16xf32>
    %add3A_224 = arith.addf %convert_element_type3A_64, %add3A_223 : vector<16xf32>
    %lt3A_225 = arith.cmpf olt, %gather3A_197, %add3A_224 : vector<16xf32>
    %and3A_226 = arith.andi %gt3A_221, %lt3A_225 : vector<16xi1>
    %lt3A_227 = arith.constant 100 : i32
    %lt3A_228 = vector.broadcast %lt3A_227 : i32 to vector<16xi32>
    %lt3A_229 = arith.cmpi slt, %add3A_48, %lt3A_228 : vector<16xi32>
    %and3A_230 = arith.andi %and3A_226, %lt3A_229 : vector<16xi1>
    %jit3A_231 = arith.constant 0.000000e+00 : f32
    %broadcast_in_dim3A_232 = vector.broadcast %jit3A_231 : f32 to vector<16xf32>
    %select_n3A_233 = arith.select %and3A_230, %gather3A_200, %broadcast_in_dim3A_232 : vector<16xi1>, vector<16xf32>
    %add3A_234 = arith.addf %add3A_107, %select_n3A_233 : vector<16xf32>
    %div3A_235 = arith.constant 1.000000e+02 : f32
    %div3A_236 = vector.broadcast %div3A_235 : f32 to vector<16xf32>
    %div3A_237 = arith.divf %convert_element_type3A_65, %div3A_236 : vector<16xf32>
    %gt3A_238 = arith.cmpf ogt, %gather3A_197, %div3A_237 : vector<16xf32>
    %add3A_239 = arith.constant 0.00999999977 : f32
    %add3A_240 = vector.broadcast %add3A_239 : f32 to vector<16xf32>
    %add3A_241 = arith.addf %convert_element_type3A_65, %add3A_240 : vector<16xf32>
    %lt3A_242 = arith.cmpf olt, %gather3A_197, %add3A_241 : vector<16xf32>
    %and3A_243 = arith.andi %gt3A_238, %lt3A_242 : vector<16xi1>
    %lt3A_244 = arith.constant 100 : i32
    %lt3A_245 = vector.broadcast %lt3A_244 : i32 to vector<16xi32>
    %lt3A_246 = arith.cmpi slt, %add3A_51, %lt3A_245 : vector<16xi32>
    %and3A_247 = arith.andi %and3A_243, %lt3A_246 : vector<16xi1>
    %jit3A_248 = arith.constant 0.000000e+00 : f32
    %broadcast_in_dim3A_249 = vector.broadcast %jit3A_248 : f32 to vector<16xf32>
    %select_n3A_250 = arith.select %and3A_247, %gather3A_200, %broadcast_in_dim3A_249 : vector<16xi1>, vector<16xf32>
    %add3A_251 = arith.addf %add3A_124, %select_n3A_250 : vector<16xf32>
    %div3A_252 = arith.constant 1.000000e+02 : f32
    %div3A_253 = vector.broadcast %div3A_252 : f32 to vector<16xf32>
    %div3A_254 = arith.divf %convert_element_type3A_66, %div3A_253 : vector<16xf32>
    %gt3A_255 = arith.cmpf ogt, %gather3A_197, %div3A_254 : vector<16xf32>
    %add3A_256 = arith.constant 0.00999999977 : f32
    %add3A_257 = vector.broadcast %add3A_256 : f32 to vector<16xf32>
    %add3A_258 = arith.addf %convert_element_type3A_66, %add3A_257 : vector<16xf32>
    %lt3A_259 = arith.cmpf olt, %gather3A_197, %add3A_258 : vector<16xf32>
    %and3A_260 = arith.andi %gt3A_255, %lt3A_259 : vector<16xi1>
    %lt3A_261 = arith.constant 100 : i32
    %lt3A_262 = vector.broadcast %lt3A_261 : i32 to vector<16xi32>
    %lt3A_263 = arith.cmpi slt, %add3A_54, %lt3A_262 : vector<16xi32>
    %and3A_264 = arith.andi %and3A_260, %lt3A_263 : vector<16xi1>
    %jit3A_265 = arith.constant 0.000000e+00 : f32
    %broadcast_in_dim3A_266 = vector.broadcast %jit3A_265 : f32 to vector<16xf32>
    %select_n3A_267 = arith.select %and3A_264, %gather3A_200, %broadcast_in_dim3A_266 : vector<16xi1>, vector<16xf32>
    %add3A_268 = arith.addf %add3A_141, %select_n3A_267 : vector<16xf32>
    %div3A_269 = arith.constant 1.000000e+02 : f32
    %div3A_270 = vector.broadcast %div3A_269 : f32 to vector<16xf32>
    %div3A_271 = arith.divf %convert_element_type3A_67, %div3A_270 : vector<16xf32>
    %gt3A_272 = arith.cmpf ogt, %gather3A_197, %div3A_271 : vector<16xf32>
    %add3A_273 = arith.constant 0.00999999977 : f32
    %add3A_274 = vector.broadcast %add3A_273 : f32 to vector<16xf32>
    %add3A_275 = arith.addf %convert_element_type3A_67, %add3A_274 : vector<16xf32>
    %lt3A_276 = arith.cmpf olt, %gather3A_197, %add3A_275 : vector<16xf32>
    %and3A_277 = arith.andi %gt3A_272, %lt3A_276 : vector<16xi1>
    %lt3A_278 = arith.constant 100 : i32
    %lt3A_279 = vector.broadcast %lt3A_278 : i32 to vector<16xi32>
    %lt3A_280 = arith.cmpi slt, %add3A_57, %lt3A_279 : vector<16xi32>
    %and3A_281 = arith.andi %and3A_277, %lt3A_280 : vector<16xi1>
    %jit3A_282 = arith.constant 0.000000e+00 : f32
    %broadcast_in_dim3A_283 = vector.broadcast %jit3A_282 : f32 to vector<16xf32>
    %select_n3A_284 = arith.select %and3A_281, %gather3A_200, %broadcast_in_dim3A_283 : vector<16xi1>, vector<16xf32>
    %add3A_285 = arith.addf %add3A_158, %select_n3A_284 : vector<16xf32>
    %div3A_286 = arith.constant 1.000000e+02 : f32
    %div3A_287 = vector.broadcast %div3A_286 : f32 to vector<16xf32>
    %div3A_288 = arith.divf %convert_element_type3A_68, %div3A_287 : vector<16xf32>
    %gt3A_289 = arith.cmpf ogt, %gather3A_197, %div3A_288 : vector<16xf32>
    %add3A_290 = arith.constant 0.00999999977 : f32
    %add3A_291 = vector.broadcast %add3A_290 : f32 to vector<16xf32>
    %add3A_292 = arith.addf %convert_element_type3A_68, %add3A_291 : vector<16xf32>
    %lt3A_293 = arith.cmpf olt, %gather3A_197, %add3A_292 : vector<16xf32>
    %and3A_294 = arith.andi %gt3A_289, %lt3A_293 : vector<16xi1>
    %lt3A_295 = arith.constant 100 : i32
    %lt3A_296 = vector.broadcast %lt3A_295 : i32 to vector<16xi32>
    %lt3A_297 = arith.cmpi slt, %add3A_60, %lt3A_296 : vector<16xi32>
    %and3A_298 = arith.andi %and3A_294, %lt3A_297 : vector<16xi1>
    %jit3A_299 = arith.constant 0.000000e+00 : f32
    %broadcast_in_dim3A_300 = vector.broadcast %jit3A_299 : f32 to vector<16xf32>
    %select_n3A_301 = arith.select %and3A_298, %gather3A_200, %broadcast_in_dim3A_300 : vector<16xi1>, vector<16xf32>
    %add3A_302 = arith.addf %add3A_175, %select_n3A_301 : vector<16xf32>
    %div3A_303 = arith.constant 1.000000e+02 : f32
    %div3A_304 = vector.broadcast %div3A_303 : f32 to vector<16xf32>
    %div3A_305 = arith.divf %convert_element_type3A_69, %div3A_304 : vector<16xf32>
    %gt3A_306 = arith.cmpf ogt, %gather3A_197, %div3A_305 : vector<16xf32>
    %add3A_307 = arith.constant 0.00999999977 : f32
    %add3A_308 = vector.broadcast %add3A_307 : f32 to vector<16xf32>
    %add3A_309 = arith.addf %convert_element_type3A_69, %add3A_308 : vector<16xf32>
    %lt3A_310 = arith.cmpf olt, %gather3A_197, %add3A_309 : vector<16xf32>
    %and3A_311 = arith.andi %gt3A_306, %lt3A_310 : vector<16xi1>
    %lt3A_312 = arith.constant 100 : i32
    %lt3A_313 = vector.broadcast %lt3A_312 : i32 to vector<16xi32>
    %lt3A_314 = arith.cmpi slt, %add3A_63, %lt3A_313 : vector<16xi32>
    %and3A_315 = arith.andi %and3A_311, %lt3A_314 : vector<16xi1>
    %jit3A_316 = arith.constant 0.000000e+00 : f32
    %broadcast_in_dim3A_317 = vector.broadcast %jit3A_316 : f32 to vector<16xf32>
    %select_n3A_318 = arith.select %and3A_315, %gather3A_200, %broadcast_in_dim3A_317 : vector<16xi1>, vector<16xf32>
    %add3A_319 = arith.addf %add3A_192, %select_n3A_318 : vector<16xf32>
    %broadcast_in_dim3A_320 = arith.constant 2 : i32
    %broadcast_in_dim3A_321 = vector.broadcast %broadcast_in_dim3A_320 : i32 to vector<16xi32>
    %broadcast_in_dim3A_322 = vector.shape_cast %broadcast_in_dim3A_321 : vector<16xi32> to vector<16x1xi32>
    %gather3A_323 = vector.shape_cast %broadcast_in_dim3A_322 : vector<16x1xi32> to vector<16xi32>
    %gather3A_324 = tpu.dynamic_gather %div3A[%gather3A_323] in [0] : vector<16xf32>, vector<16xi32> -> vector<16xf32>
    %broadcast_in_dim3A_325 = vector.shape_cast %broadcast_in_dim3A_321 : vector<16xi32> to vector<16x1xi32>
    %gather3A_326 = vector.shape_cast %broadcast_in_dim3A_325 : vector<16x1xi32> to vector<16xi32>
    %gather3A_327 = tpu.dynamic_gather %select_n3A[%gather3A_326] in [0] : vector<16xf32>, vector<16xi32> -> vector<16xf32>
    %div3A_328 = arith.constant 1.000000e+02 : f32
    %div3A_329 = vector.broadcast %div3A_328 : f32 to vector<16xf32>
    %div3A_330 = arith.divf %convert_element_type3A, %div3A_329 : vector<16xf32>
    %gt3A_331 = arith.cmpf ogt, %gather3A_324, %div3A_330 : vector<16xf32>
    %add3A_332 = arith.constant 0.00999999977 : f32
    %add3A_333 = vector.broadcast %add3A_332 : f32 to vector<16xf32>
    %add3A_334 = arith.addf %convert_element_type3A, %add3A_333 : vector<16xf32>
    %lt3A_335 = arith.cmpf olt, %gather3A_324, %add3A_334 : vector<16xf32>
    %and3A_336 = arith.andi %gt3A_331, %lt3A_335 : vector<16xi1>
    %lt3A_337 = arith.constant 100 : i32
    %lt3A_338 = vector.broadcast %lt3A_337 : i32 to vector<16xi32>
    %lt3A_339 = arith.cmpi slt, %add3A_45, %lt3A_338 : vector<16xi32>
    %and3A_340 = arith.andi %and3A_336, %lt3A_339 : vector<16xi1>
    %jit3A_341 = arith.constant 0.000000e+00 : f32
    %broadcast_in_dim3A_342 = vector.broadcast %jit3A_341 : f32 to vector<16xf32>
    %select_n3A_343 = arith.select %and3A_340, %gather3A_327, %broadcast_in_dim3A_342 : vector<16xi1>, vector<16xf32>
    %add3A_344 = arith.addf %add3A_217, %select_n3A_343 : vector<16xf32>
    %div3A_345 = arith.constant 1.000000e+02 : f32
    %div3A_346 = vector.broadcast %div3A_345 : f32 to vector<16xf32>
    %div3A_347 = arith.divf %convert_element_type3A_64, %div3A_346 : vector<16xf32>
    %gt3A_348 = arith.cmpf ogt, %gather3A_324, %div3A_347 : vector<16xf32>
    %add3A_349 = arith.constant 0.00999999977 : f32
    %add3A_350 = vector.broadcast %add3A_349 : f32 to vector<16xf32>
    %add3A_351 = arith.addf %convert_element_type3A_64, %add3A_350 : vector<16xf32>
    %lt3A_352 = arith.cmpf olt, %gather3A_324, %add3A_351 : vector<16xf32>
    %and3A_353 = arith.andi %gt3A_348, %lt3A_352 : vector<16xi1>
    %lt3A_354 = arith.constant 100 : i32
    %lt3A_355 = vector.broadcast %lt3A_354 : i32 to vector<16xi32>
    %lt3A_356 = arith.cmpi slt, %add3A_48, %lt3A_355 : vector<16xi32>
    %and3A_357 = arith.andi %and3A_353, %lt3A_356 : vector<16xi1>
    %jit3A_358 = arith.constant 0.000000e+00 : f32
    %broadcast_in_dim3A_359 = vector.broadcast %jit3A_358 : f32 to vector<16xf32>
    %select_n3A_360 = arith.select %and3A_357, %gather3A_327, %broadcast_in_dim3A_359 : vector<16xi1>, vector<16xf32>
    %add3A_361 = arith.addf %add3A_234, %select_n3A_360 : vector<16xf32>
    %div3A_362 = arith.constant 1.000000e+02 : f32
    %div3A_363 = vector.broadcast %div3A_362 : f32 to vector<16xf32>
    %div3A_364 = arith.divf %convert_element_type3A_65, %div3A_363 : vector<16xf32>
    %gt3A_365 = arith.cmpf ogt, %gather3A_324, %div3A_364 : vector<16xf32>
    %add3A_366 = arith.constant 0.00999999977 : f32
    %add3A_367 = vector.broadcast %add3A_366 : f32 to vector<16xf32>
    %add3A_368 = arith.addf %convert_element_type3A_65, %add3A_367 : vector<16xf32>
    %lt3A_369 = arith.cmpf olt, %gather3A_324, %add3A_368 : vector<16xf32>
    %and3A_370 = arith.andi %gt3A_365, %lt3A_369 : vector<16xi1>
    %lt3A_371 = arith.constant 100 : i32
    %lt3A_372 = vector.broadcast %lt3A_371 : i32 to vector<16xi32>
    %lt3A_373 = arith.cmpi slt, %add3A_51, %lt3A_372 : vector<16xi32>
    %and3A_374 = arith.andi %and3A_370, %lt3A_373 : vector<16xi1>
    %jit3A_375 = arith.constant 0.000000e+00 : f32
    %broadcast_in_dim3A_376 = vector.broadcast %jit3A_375 : f32 to vector<16xf32>
    %select_n3A_377 = arith.select %and3A_374, %gather3A_327, %broadcast_in_dim3A_376 : vector<16xi1>, vector<16xf32>
    %add3A_378 = arith.addf %add3A_251, %select_n3A_377 : vector<16xf32>
    %div3A_379 = arith.constant 1.000000e+02 : f32
    %div3A_380 = vector.broadcast %div3A_379 : f32 to vector<16xf32>
    %div3A_381 = arith.divf %convert_element_type3A_66, %div3A_380 : vector<16xf32>
    %gt3A_382 = arith.cmpf ogt, %gather3A_324, %div3A_381 : vector<16xf32>
    %add3A_383 = arith.constant 0.00999999977 : f32
    %add3A_384 = vector.broadcast %add3A_383 : f32 to vector<16xf32>
    %add3A_385 = arith.addf %convert_element_type3A_66, %add3A_384 : vector<16xf32>
    %lt3A_386 = arith.cmpf olt, %gather3A_324, %add3A_385 : vector<16xf32>
    %and3A_387 = arith.andi %gt3A_382, %lt3A_386 : vector<16xi1>
    %lt3A_388 = arith.constant 100 : i32
    %lt3A_389 = vector.broadcast %lt3A_388 : i32 to vector<16xi32>
    %lt3A_390 = arith.cmpi slt, %add3A_54, %lt3A_389 : vector<16xi32>
    %and3A_391 = arith.andi %and3A_387, %lt3A_390 : vector<16xi1>
    %jit3A_392 = arith.constant 0.000000e+00 : f32
    %broadcast_in_dim3A_393 = vector.broadcast %jit3A_392 : f32 to vector<16xf32>
    %select_n3A_394 = arith.select %and3A_391, %gather3A_327, %broadcast_in_dim3A_393 : vector<16xi1>, vector<16xf32>
    %add3A_395 = arith.addf %add3A_268, %select_n3A_394 : vector<16xf32>
    %div3A_396 = arith.constant 1.000000e+02 : f32
    %div3A_397 = vector.broadcast %div3A_396 : f32 to vector<16xf32>
    %div3A_398 = arith.divf %convert_element_type3A_67, %div3A_397 : vector<16xf32>
    %gt3A_399 = arith.cmpf ogt, %gather3A_324, %div3A_398 : vector<16xf32>
    %add3A_400 = arith.constant 0.00999999977 : f32
    %add3A_401 = vector.broadcast %add3A_400 : f32 to vector<16xf32>
    %add3A_402 = arith.addf %convert_element_type3A_67, %add3A_401 : vector<16xf32>
    %lt3A_403 = arith.cmpf olt, %gather3A_324, %add3A_402 : vector<16xf32>
    %and3A_404 = arith.andi %gt3A_399, %lt3A_403 : vector<16xi1>
    %lt3A_405 = arith.constant 100 : i32
    %lt3A_406 = vector.broadcast %lt3A_405 : i32 to vector<16xi32>
    %lt3A_407 = arith.cmpi slt, %add3A_57, %lt3A_406 : vector<16xi32>
    %and3A_408 = arith.andi %and3A_404, %lt3A_407 : vector<16xi1>
    %jit3A_409 = arith.constant 0.000000e+00 : f32
    %broadcast_in_dim3A_410 = vector.broadcast %jit3A_409 : f32 to vector<16xf32>
    %select_n3A_411 = arith.select %and3A_408, %gather3A_327, %broadcast_in_dim3A_410 : vector<16xi1>, vector<16xf32>
    %add3A_412 = arith.addf %add3A_285, %select_n3A_411 : vector<16xf32>
    %div3A_413 = arith.constant 1.000000e+02 : f32
    %div3A_414 = vector.broadcast %div3A_413 : f32 to vector<16xf32>
    %div3A_415 = arith.divf %convert_element_type3A_68, %div3A_414 : vector<16xf32>
    %gt3A_416 = arith.cmpf ogt, %gather3A_324, %div3A_415 : vector<16xf32>
    %add3A_417 = arith.constant 0.00999999977 : f32
    %add3A_418 = vector.broadcast %add3A_417 : f32 to vector<16xf32>
    %add3A_419 = arith.addf %convert_element_type3A_68, %add3A_418 : vector<16xf32>
    %lt3A_420 = arith.cmpf olt, %gather3A_324, %add3A_419 : vector<16xf32>
    %and3A_421 = arith.andi %gt3A_416, %lt3A_420 : vector<16xi1>
    %lt3A_422 = arith.constant 100 : i32
    %lt3A_423 = vector.broadcast %lt3A_422 : i32 to vector<16xi32>
    %lt3A_424 = arith.cmpi slt, %add3A_60, %lt3A_423 : vector<16xi32>
    %and3A_425 = arith.andi %and3A_421, %lt3A_424 : vector<16xi1>
    %jit3A_426 = arith.constant 0.000000e+00 : f32
    %broadcast_in_dim3A_427 = vector.broadcast %jit3A_426 : f32 to vector<16xf32>
    %select_n3A_428 = arith.select %and3A_425, %gather3A_327, %broadcast_in_dim3A_427 : vector<16xi1>, vector<16xf32>
    %add3A_429 = arith.addf %add3A_302, %select_n3A_428 : vector<16xf32>
    %div3A_430 = arith.constant 1.000000e+02 : f32
    %div3A_431 = vector.broadcast %div3A_430 : f32 to vector<16xf32>
    %div3A_432 = arith.divf %convert_element_type3A_69, %div3A_431 : vector<16xf32>
    %gt3A_433 = arith.cmpf ogt, %gather3A_324, %div3A_432 : vector<16xf32>
    %add3A_434 = arith.constant 0.00999999977 : f32
    %add3A_435 = vector.broadcast %add3A_434 : f32 to vector<16xf32>
    %add3A_436 = arith.addf %convert_element_type3A_69, %add3A_435 : vector<16xf32>
    %lt3A_437 = arith.cmpf olt, %gather3A_324, %add3A_436 : vector<16xf32>
    %and3A_438 = arith.andi %gt3A_433, %lt3A_437 : vector<16xi1>
    %lt3A_439 = arith.constant 100 : i32
    %lt3A_440 = vector.broadcast %lt3A_439 : i32 to vector<16xi32>
    %lt3A_441 = arith.cmpi slt, %add3A_63, %lt3A_440 : vector<16xi32>
    %and3A_442 = arith.andi %and3A_438, %lt3A_441 : vector<16xi1>
    %jit3A_443 = arith.constant 0.000000e+00 : f32
    %broadcast_in_dim3A_444 = vector.broadcast %jit3A_443 : f32 to vector<16xf32>
    %select_n3A_445 = arith.select %and3A_442, %gather3A_327, %broadcast_in_dim3A_444 : vector<16xi1>, vector<16xf32>
    %add3A_446 = arith.addf %add3A_319, %select_n3A_445 : vector<16xf32>
    %broadcast_in_dim3A_447 = arith.constant 3 : i32
    %broadcast_in_dim3A_448 = vector.broadcast %broadcast_in_dim3A_447 : i32 to vector<16xi32>
    %broadcast_in_dim3A_449 = vector.shape_cast %broadcast_in_dim3A_448 : vector<16xi32> to vector<16x1xi32>
    %gather3A_450 = vector.shape_cast %broadcast_in_dim3A_449 : vector<16x1xi32> to vector<16xi32>
    %gather3A_451 = tpu.dynamic_gather %div3A[%gather3A_450] in [0] : vector<16xf32>, vector<16xi32> -> vector<16xf32>
    %broadcast_in_dim3A_452 = vector.shape_cast %broadcast_in_dim3A_448 : vector<16xi32> to vector<16x1xi32>
    %gather3A_453 = vector.shape_cast %broadcast_in_dim3A_452 : vector<16x1xi32> to vector<16xi32>
    %gather3A_454 = tpu.dynamic_gather %select_n3A[%gather3A_453] in [0] : vector<16xf32>, vector<16xi32> -> vector<16xf32>
    %div3A_455 = arith.constant 1.000000e+02 : f32
    %div3A_456 = vector.broadcast %div3A_455 : f32 to vector<16xf32>
    %div3A_457 = arith.divf %convert_element_type3A, %div3A_456 : vector<16xf32>
    %gt3A_458 = arith.cmpf ogt, %gather3A_451, %div3A_457 : vector<16xf32>
    %add3A_459 = arith.constant 0.00999999977 : f32
    %add3A_460 = vector.broadcast %add3A_459 : f32 to vector<16xf32>
    %add3A_461 = arith.addf %convert_element_type3A, %add3A_460 : vector<16xf32>
    %lt3A_462 = arith.cmpf olt, %gather3A_451, %add3A_461 : vector<16xf32>
    %and3A_463 = arith.andi %gt3A_458, %lt3A_462 : vector<16xi1>
    %lt3A_464 = arith.constant 100 : i32
    %lt3A_465 = vector.broadcast %lt3A_464 : i32 to vector<16xi32>
    %lt3A_466 = arith.cmpi slt, %add3A_45, %lt3A_465 : vector<16xi32>
    %and3A_467 = arith.andi %and3A_463, %lt3A_466 : vector<16xi1>
    %jit3A_468 = arith.constant 0.000000e+00 : f32
    %broadcast_in_dim3A_469 = vector.broadcast %jit3A_468 : f32 to vector<16xf32>
    %select_n3A_470 = arith.select %and3A_467, %gather3A_454, %broadcast_in_dim3A_469 : vector<16xi1>, vector<16xf32>
    %add3A_471 = arith.addf %add3A_344, %select_n3A_470 : vector<16xf32>
    %div3A_472 = arith.constant 1.000000e+02 : f32
    %div3A_473 = vector.broadcast %div3A_472 : f32 to vector<16xf32>
    %div3A_474 = arith.divf %convert_element_type3A_64, %div3A_473 : vector<16xf32>
    %gt3A_475 = arith.cmpf ogt, %gather3A_451, %div3A_474 : vector<16xf32>
    %add3A_476 = arith.constant 0.00999999977 : f32
    %add3A_477 = vector.broadcast %add3A_476 : f32 to vector<16xf32>
    %add3A_478 = arith.addf %convert_element_type3A_64, %add3A_477 : vector<16xf32>
    %lt3A_479 = arith.cmpf olt, %gather3A_451, %add3A_478 : vector<16xf32>
    %and3A_480 = arith.andi %gt3A_475, %lt3A_479 : vector<16xi1>
    %lt3A_481 = arith.constant 100 : i32
    %lt3A_482 = vector.broadcast %lt3A_481 : i32 to vector<16xi32>
    %lt3A_483 = arith.cmpi slt, %add3A_48, %lt3A_482 : vector<16xi32>
    %and3A_484 = arith.andi %and3A_480, %lt3A_483 : vector<16xi1>
    %jit3A_485 = arith.constant 0.000000e+00 : f32
    %broadcast_in_dim3A_486 = vector.broadcast %jit3A_485 : f32 to vector<16xf32>
    %select_n3A_487 = arith.select %and3A_484, %gather3A_454, %broadcast_in_dim3A_486 : vector<16xi1>, vector<16xf32>
    %add3A_488 = arith.addf %add3A_361, %select_n3A_487 : vector<16xf32>
    %div3A_489 = arith.constant 1.000000e+02 : f32
    %div3A_490 = vector.broadcast %div3A_489 : f32 to vector<16xf32>
    %div3A_491 = arith.divf %convert_element_type3A_65, %div3A_490 : vector<16xf32>
    %gt3A_492 = arith.cmpf ogt, %gather3A_451, %div3A_491 : vector<16xf32>
    %add3A_493 = arith.constant 0.00999999977 : f32
    %add3A_494 = vector.broadcast %add3A_493 : f32 to vector<16xf32>
    %add3A_495 = arith.addf %convert_element_type3A_65, %add3A_494 : vector<16xf32>
    %lt3A_496 = arith.cmpf olt, %gather3A_451, %add3A_495 : vector<16xf32>
    %and3A_497 = arith.andi %gt3A_492, %lt3A_496 : vector<16xi1>
    %lt3A_498 = arith.constant 100 : i32
    %lt3A_499 = vector.broadcast %lt3A_498 : i32 to vector<16xi32>
    %lt3A_500 = arith.cmpi slt, %add3A_51, %lt3A_499 : vector<16xi32>
    %and3A_501 = arith.andi %and3A_497, %lt3A_500 : vector<16xi1>
    %jit3A_502 = arith.constant 0.000000e+00 : f32
    %broadcast_in_dim3A_503 = vector.broadcast %jit3A_502 : f32 to vector<16xf32>
    %select_n3A_504 = arith.select %and3A_501, %gather3A_454, %broadcast_in_dim3A_503 : vector<16xi1>, vector<16xf32>
    %add3A_505 = arith.addf %add3A_378, %select_n3A_504 : vector<16xf32>
    %div3A_506 = arith.constant 1.000000e+02 : f32
    %div3A_507 = vector.broadcast %div3A_506 : f32 to vector<16xf32>
    %div3A_508 = arith.divf %convert_element_type3A_66, %div3A_507 : vector<16xf32>
    %gt3A_509 = arith.cmpf ogt, %gather3A_451, %div3A_508 : vector<16xf32>
    %add3A_510 = arith.constant 0.00999999977 : f32
    %add3A_511 = vector.broadcast %add3A_510 : f32 to vector<16xf32>
    %add3A_512 = arith.addf %convert_element_type3A_66, %add3A_511 : vector<16xf32>
    %lt3A_513 = arith.cmpf olt, %gather3A_451, %add3A_512 : vector<16xf32>
    %and3A_514 = arith.andi %gt3A_509, %lt3A_513 : vector<16xi1>
    %lt3A_515 = arith.constant 100 : i32
    %lt3A_516 = vector.broadcast %lt3A_515 : i32 to vector<16xi32>
    %lt3A_517 = arith.cmpi slt, %add3A_54, %lt3A_516 : vector<16xi32>
    %and3A_518 = arith.andi %and3A_514, %lt3A_517 : vector<16xi1>
    %jit3A_519 = arith.constant 0.000000e+00 : f32
    %broadcast_in_dim3A_520 = vector.broadcast %jit3A_519 : f32 to vector<16xf32>
    %select_n3A_521 = arith.select %and3A_518, %gather3A_454, %broadcast_in_dim3A_520 : vector<16xi1>, vector<16xf32>
    %add3A_522 = arith.addf %add3A_395, %select_n3A_521 : vector<16xf32>
    %div3A_523 = arith.constant 1.000000e+02 : f32
    %div3A_524 = vector.broadcast %div3A_523 : f32 to vector<16xf32>
    %div3A_525 = arith.divf %convert_element_type3A_67, %div3A_524 : vector<16xf32>
    %gt3A_526 = arith.cmpf ogt, %gather3A_451, %div3A_525 : vector<16xf32>
    %add3A_527 = arith.constant 0.00999999977 : f32
    %add3A_528 = vector.broadcast %add3A_527 : f32 to vector<16xf32>
    %add3A_529 = arith.addf %convert_element_type3A_67, %add3A_528 : vector<16xf32>
    %lt3A_530 = arith.cmpf olt, %gather3A_451, %add3A_529 : vector<16xf32>
    %and3A_531 = arith.andi %gt3A_526, %lt3A_530 : vector<16xi1>
    %lt3A_532 = arith.constant 100 : i32
    %lt3A_533 = vector.broadcast %lt3A_532 : i32 to vector<16xi32>
    %lt3A_534 = arith.cmpi slt, %add3A_57, %lt3A_533 : vector<16xi32>
    %and3A_535 = arith.andi %and3A_531, %lt3A_534 : vector<16xi1>
    %jit3A_536 = arith.constant 0.000000e+00 : f32
    %broadcast_in_dim3A_537 = vector.broadcast %jit3A_536 : f32 to vector<16xf32>
    %select_n3A_538 = arith.select %and3A_535, %gather3A_454, %broadcast_in_dim3A_537 : vector<16xi1>, vector<16xf32>
    %add3A_539 = arith.addf %add3A_412, %select_n3A_538 : vector<16xf32>
    %div3A_540 = arith.constant 1.000000e+02 : f32
    %div3A_541 = vector.broadcast %div3A_540 : f32 to vector<16xf32>
    %div3A_542 = arith.divf %convert_element_type3A_68, %div3A_541 : vector<16xf32>
    %gt3A_543 = arith.cmpf ogt, %gather3A_451, %div3A_542 : vector<16xf32>
    %add3A_544 = arith.constant 0.00999999977 : f32
    %add3A_545 = vector.broadcast %add3A_544 : f32 to vector<16xf32>
    %add3A_546 = arith.addf %convert_element_type3A_68, %add3A_545 : vector<16xf32>
    %lt3A_547 = arith.cmpf olt, %gather3A_451, %add3A_546 : vector<16xf32>
    %and3A_548 = arith.andi %gt3A_543, %lt3A_547 : vector<16xi1>
    %lt3A_549 = arith.constant 100 : i32
    %lt3A_550 = vector.broadcast %lt3A_549 : i32 to vector<16xi32>
    %lt3A_551 = arith.cmpi slt, %add3A_60, %lt3A_550 : vector<16xi32>
    %and3A_552 = arith.andi %and3A_548, %lt3A_551 : vector<16xi1>
    %jit3A_553 = arith.constant 0.000000e+00 : f32
    %broadcast_in_dim3A_554 = vector.broadcast %jit3A_553 : f32 to vector<16xf32>
    %select_n3A_555 = arith.select %and3A_552, %gather3A_454, %broadcast_in_dim3A_554 : vector<16xi1>, vector<16xf32>
    %add3A_556 = arith.addf %add3A_429, %select_n3A_555 : vector<16xf32>
    %div3A_557 = arith.constant 1.000000e+02 : f32
    %div3A_558 = vector.broadcast %div3A_557 : f32 to vector<16xf32>
    %div3A_559 = arith.divf %convert_element_type3A_69, %div3A_558 : vector<16xf32>
    %gt3A_560 = arith.cmpf ogt, %gather3A_451, %div3A_559 : vector<16xf32>
    %add3A_561 = arith.constant 0.00999999977 : f32
    %add3A_562 = vector.broadcast %add3A_561 : f32 to vector<16xf32>
    %add3A_563 = arith.addf %convert_element_type3A_69, %add3A_562 : vector<16xf32>
    %lt3A_564 = arith.cmpf olt, %gather3A_451, %add3A_563 : vector<16xf32>
    %and3A_565 = arith.andi %gt3A_560, %lt3A_564 : vector<16xi1>
    %lt3A_566 = arith.constant 100 : i32
    %lt3A_567 = vector.broadcast %lt3A_566 : i32 to vector<16xi32>
    %lt3A_568 = arith.cmpi slt, %add3A_63, %lt3A_567 : vector<16xi32>
    %and3A_569 = arith.andi %and3A_565, %lt3A_568 : vector<16xi1>
    %jit3A_570 = arith.constant 0.000000e+00 : f32
    %broadcast_in_dim3A_571 = vector.broadcast %jit3A_570 : f32 to vector<16xf32>
    %select_n3A_572 = arith.select %and3A_569, %gather3A_454, %broadcast_in_dim3A_571 : vector<16xi1>, vector<16xf32>
    %add3A_573 = arith.addf %add3A_446, %select_n3A_572 : vector<16xf32>
    %broadcast_in_dim3A_574 = arith.constant 4 : i32
    %broadcast_in_dim3A_575 = vector.broadcast %broadcast_in_dim3A_574 : i32 to vector<16xi32>
    %broadcast_in_dim3A_576 = vector.shape_cast %broadcast_in_dim3A_575 : vector<16xi32> to vector<16x1xi32>
    %gather3A_577 = vector.shape_cast %broadcast_in_dim3A_576 : vector<16x1xi32> to vector<16xi32>
    %gather3A_578 = tpu.dynamic_gather %div3A[%gather3A_577] in [0] : vector<16xf32>, vector<16xi32> -> vector<16xf32>
    %broadcast_in_dim3A_579 = vector.shape_cast %broadcast_in_dim3A_575 : vector<16xi32> to vector<16x1xi32>
    %gather3A_580 = vector.shape_cast %broadcast_in_dim3A_579 : vector<16x1xi32> to vector<16xi32>
    %gather3A_581 = tpu.dynamic_gather %select_n3A[%gather3A_580] in [0] : vector<16xf32>, vector<16xi32> -> vector<16xf32>
    %div3A_582 = arith.constant 1.000000e+02 : f32
    %div3A_583 = vector.broadcast %div3A_582 : f32 to vector<16xf32>
    %div3A_584 = arith.divf %convert_element_type3A, %div3A_583 : vector<16xf32>
    %gt3A_585 = arith.cmpf ogt, %gather3A_578, %div3A_584 : vector<16xf32>
    %add3A_586 = arith.constant 0.00999999977 : f32
    %add3A_587 = vector.broadcast %add3A_586 : f32 to vector<16xf32>
    %add3A_588 = arith.addf %convert_element_type3A, %add3A_587 : vector<16xf32>
    %lt3A_589 = arith.cmpf olt, %gather3A_578, %add3A_588 : vector<16xf32>
    %and3A_590 = arith.andi %gt3A_585, %lt3A_589 : vector<16xi1>
    %lt3A_591 = arith.constant 100 : i32
    %lt3A_592 = vector.broadcast %lt3A_591 : i32 to vector<16xi32>
    %lt3A_593 = arith.cmpi slt, %add3A_45, %lt3A_592 : vector<16xi32>
    %and3A_594 = arith.andi %and3A_590, %lt3A_593 : vector<16xi1>
    %jit3A_595 = arith.constant 0.000000e+00 : f32
    %broadcast_in_dim3A_596 = vector.broadcast %jit3A_595 : f32 to vector<16xf32>
    %select_n3A_597 = arith.select %and3A_594, %gather3A_581, %broadcast_in_dim3A_596 : vector<16xi1>, vector<16xf32>
    %add3A_598 = arith.addf %add3A_471, %select_n3A_597 : vector<16xf32>
    %div3A_599 = arith.constant 1.000000e+02 : f32
    %div3A_600 = vector.broadcast %div3A_599 : f32 to vector<16xf32>
    %div3A_601 = arith.divf %convert_element_type3A_64, %div3A_600 : vector<16xf32>
    %gt3A_602 = arith.cmpf ogt, %gather3A_578, %div3A_601 : vector<16xf32>
    %add3A_603 = arith.constant 0.00999999977 : f32
    %add3A_604 = vector.broadcast %add3A_603 : f32 to vector<16xf32>
    %add3A_605 = arith.addf %convert_element_type3A_64, %add3A_604 : vector<16xf32>
    %lt3A_606 = arith.cmpf olt, %gather3A_578, %add3A_605 : vector<16xf32>
    %and3A_607 = arith.andi %gt3A_602, %lt3A_606 : vector<16xi1>
    %lt3A_608 = arith.constant 100 : i32
    %lt3A_609 = vector.broadcast %lt3A_608 : i32 to vector<16xi32>
    %lt3A_610 = arith.cmpi slt, %add3A_48, %lt3A_609 : vector<16xi32>
    %and3A_611 = arith.andi %and3A_607, %lt3A_610 : vector<16xi1>
    %jit3A_612 = arith.constant 0.000000e+00 : f32
    %broadcast_in_dim3A_613 = vector.broadcast %jit3A_612 : f32 to vector<16xf32>
    %select_n3A_614 = arith.select %and3A_611, %gather3A_581, %broadcast_in_dim3A_613 : vector<16xi1>, vector<16xf32>
    %add3A_615 = arith.addf %add3A_488, %select_n3A_614 : vector<16xf32>
    %div3A_616 = arith.constant 1.000000e+02 : f32
    %div3A_617 = vector.broadcast %div3A_616 : f32 to vector<16xf32>
    %div3A_618 = arith.divf %convert_element_type3A_65, %div3A_617 : vector<16xf32>
    %gt3A_619 = arith.cmpf ogt, %gather3A_578, %div3A_618 : vector<16xf32>
    %add3A_620 = arith.constant 0.00999999977 : f32
    %add3A_621 = vector.broadcast %add3A_620 : f32 to vector<16xf32>
    %add3A_622 = arith.addf %convert_element_type3A_65, %add3A_621 : vector<16xf32>
    %lt3A_623 = arith.cmpf olt, %gather3A_578, %add3A_622 : vector<16xf32>
    %and3A_624 = arith.andi %gt3A_619, %lt3A_623 : vector<16xi1>
    %lt3A_625 = arith.constant 100 : i32
    %lt3A_626 = vector.broadcast %lt3A_625 : i32 to vector<16xi32>
    %lt3A_627 = arith.cmpi slt, %add3A_51, %lt3A_626 : vector<16xi32>
    %and3A_628 = arith.andi %and3A_624, %lt3A_627 : vector<16xi1>
    %jit3A_629 = arith.constant 0.000000e+00 : f32
    %broadcast_in_dim3A_630 = vector.broadcast %jit3A_629 : f32 to vector<16xf32>
    %select_n3A_631 = arith.select %and3A_628, %gather3A_581, %broadcast_in_dim3A_630 : vector<16xi1>, vector<16xf32>
    %add3A_632 = arith.addf %add3A_505, %select_n3A_631 : vector<16xf32>
    %div3A_633 = arith.constant 1.000000e+02 : f32
    %div3A_634 = vector.broadcast %div3A_633 : f32 to vector<16xf32>
    %div3A_635 = arith.divf %convert_element_type3A_66, %div3A_634 : vector<16xf32>
    %gt3A_636 = arith.cmpf ogt, %gather3A_578, %div3A_635 : vector<16xf32>
    %add3A_637 = arith.constant 0.00999999977 : f32
    %add3A_638 = vector.broadcast %add3A_637 : f32 to vector<16xf32>
    %add3A_639 = arith.addf %convert_element_type3A_66, %add3A_638 : vector<16xf32>
    %lt3A_640 = arith.cmpf olt, %gather3A_578, %add3A_639 : vector<16xf32>
    %and3A_641 = arith.andi %gt3A_636, %lt3A_640 : vector<16xi1>
    %lt3A_642 = arith.constant 100 : i32
    %lt3A_643 = vector.broadcast %lt3A_642 : i32 to vector<16xi32>
    %lt3A_644 = arith.cmpi slt, %add3A_54, %lt3A_643 : vector<16xi32>
    %and3A_645 = arith.andi %and3A_641, %lt3A_644 : vector<16xi1>
    %jit3A_646 = arith.constant 0.000000e+00 : f32
    %broadcast_in_dim3A_647 = vector.broadcast %jit3A_646 : f32 to vector<16xf32>
    %select_n3A_648 = arith.select %and3A_645, %gather3A_581, %broadcast_in_dim3A_647 : vector<16xi1>, vector<16xf32>
    %add3A_649 = arith.addf %add3A_522, %select_n3A_648 : vector<16xf32>
    %div3A_650 = arith.constant 1.000000e+02 : f32
    %div3A_651 = vector.broadcast %div3A_650 : f32 to vector<16xf32>
    %div3A_652 = arith.divf %convert_element_type3A_67, %div3A_651 : vector<16xf32>
    %gt3A_653 = arith.cmpf ogt, %gather3A_578, %div3A_652 : vector<16xf32>
    %add3A_654 = arith.constant 0.00999999977 : f32
    %add3A_655 = vector.broadcast %add3A_654 : f32 to vector<16xf32>
    %add3A_656 = arith.addf %convert_element_type3A_67, %add3A_655 : vector<16xf32>
    %lt3A_657 = arith.cmpf olt, %gather3A_578, %add3A_656 : vector<16xf32>
    %and3A_658 = arith.andi %gt3A_653, %lt3A_657 : vector<16xi1>
    %lt3A_659 = arith.constant 100 : i32
    %lt3A_660 = vector.broadcast %lt3A_659 : i32 to vector<16xi32>
    %lt3A_661 = arith.cmpi slt, %add3A_57, %lt3A_660 : vector<16xi32>
    %and3A_662 = arith.andi %and3A_658, %lt3A_661 : vector<16xi1>
    %jit3A_663 = arith.constant 0.000000e+00 : f32
    %broadcast_in_dim3A_664 = vector.broadcast %jit3A_663 : f32 to vector<16xf32>
    %select_n3A_665 = arith.select %and3A_662, %gather3A_581, %broadcast_in_dim3A_664 : vector<16xi1>, vector<16xf32>
    %add3A_666 = arith.addf %add3A_539, %select_n3A_665 : vector<16xf32>
    %div3A_667 = arith.constant 1.000000e+02 : f32
    %div3A_668 = vector.broadcast %div3A_667 : f32 to vector<16xf32>
    %div3A_669 = arith.divf %convert_element_type3A_68, %div3A_668 : vector<16xf32>
    %gt3A_670 = arith.cmpf ogt, %gather3A_578, %div3A_669 : vector<16xf32>
    %add3A_671 = arith.constant 0.00999999977 : f32
    %add3A_672 = vector.broadcast %add3A_671 : f32 to vector<16xf32>
    %add3A_673 = arith.addf %convert_element_type3A_68, %add3A_672 : vector<16xf32>
    %lt3A_674 = arith.cmpf olt, %gather3A_578, %add3A_673 : vector<16xf32>
    %and3A_675 = arith.andi %gt3A_670, %lt3A_674 : vector<16xi1>
    %lt3A_676 = arith.constant 100 : i32
    %lt3A_677 = vector.broadcast %lt3A_676 : i32 to vector<16xi32>
    %lt3A_678 = arith.cmpi slt, %add3A_60, %lt3A_677 : vector<16xi32>
    %and3A_679 = arith.andi %and3A_675, %lt3A_678 : vector<16xi1>
    %jit3A_680 = arith.constant 0.000000e+00 : f32
    %broadcast_in_dim3A_681 = vector.broadcast %jit3A_680 : f32 to vector<16xf32>
    %select_n3A_682 = arith.select %and3A_679, %gather3A_581, %broadcast_in_dim3A_681 : vector<16xi1>, vector<16xf32>
    %add3A_683 = arith.addf %add3A_556, %select_n3A_682 : vector<16xf32>
    %div3A_684 = arith.constant 1.000000e+02 : f32
    %div3A_685 = vector.broadcast %div3A_684 : f32 to vector<16xf32>
    %div3A_686 = arith.divf %convert_element_type3A_69, %div3A_685 : vector<16xf32>
    %gt3A_687 = arith.cmpf ogt, %gather3A_578, %div3A_686 : vector<16xf32>
    %add3A_688 = arith.constant 0.00999999977 : f32
    %add3A_689 = vector.broadcast %add3A_688 : f32 to vector<16xf32>
    %add3A_690 = arith.addf %convert_element_type3A_69, %add3A_689 : vector<16xf32>
    %lt3A_691 = arith.cmpf olt, %gather3A_578, %add3A_690 : vector<16xf32>
    %and3A_692 = arith.andi %gt3A_687, %lt3A_691 : vector<16xi1>
    %lt3A_693 = arith.constant 100 : i32
    %lt3A_694 = vector.broadcast %lt3A_693 : i32 to vector<16xi32>
    %lt3A_695 = arith.cmpi slt, %add3A_63, %lt3A_694 : vector<16xi32>
    %and3A_696 = arith.andi %and3A_692, %lt3A_695 : vector<16xi1>
    %jit3A_697 = arith.constant 0.000000e+00 : f32
    %broadcast_in_dim3A_698 = vector.broadcast %jit3A_697 : f32 to vector<16xf32>
    %select_n3A_699 = arith.select %and3A_696, %gather3A_581, %broadcast_in_dim3A_698 : vector<16xi1>, vector<16xf32>
    %add3A_700 = arith.addf %add3A_573, %select_n3A_699 : vector<16xf32>
    %broadcast_in_dim3A_701 = arith.constant 5 : i32
    %broadcast_in_dim3A_702 = vector.broadcast %broadcast_in_dim3A_701 : i32 to vector<16xi32>
    %broadcast_in_dim3A_703 = vector.shape_cast %broadcast_in_dim3A_702 : vector<16xi32> to vector<16x1xi32>
    %gather3A_704 = vector.shape_cast %broadcast_in_dim3A_703 : vector<16x1xi32> to vector<16xi32>
    %gather3A_705 = tpu.dynamic_gather %div3A[%gather3A_704] in [0] : vector<16xf32>, vector<16xi32> -> vector<16xf32>
    %broadcast_in_dim3A_706 = vector.shape_cast %broadcast_in_dim3A_702 : vector<16xi32> to vector<16x1xi32>
    %gather3A_707 = vector.shape_cast %broadcast_in_dim3A_706 : vector<16x1xi32> to vector<16xi32>
    %gather3A_708 = tpu.dynamic_gather %select_n3A[%gather3A_707] in [0] : vector<16xf32>, vector<16xi32> -> vector<16xf32>
    %div3A_709 = arith.constant 1.000000e+02 : f32
    %div3A_710 = vector.broadcast %div3A_709 : f32 to vector<16xf32>
    %div3A_711 = arith.divf %convert_element_type3A, %div3A_710 : vector<16xf32>
    %gt3A_712 = arith.cmpf ogt, %gather3A_705, %div3A_711 : vector<16xf32>
    %add3A_713 = arith.constant 0.00999999977 : f32
    %add3A_714 = vector.broadcast %add3A_713 : f32 to vector<16xf32>
    %add3A_715 = arith.addf %convert_element_type3A, %add3A_714 : vector<16xf32>
    %lt3A_716 = arith.cmpf olt, %gather3A_705, %add3A_715 : vector<16xf32>
    %and3A_717 = arith.andi %gt3A_712, %lt3A_716 : vector<16xi1>
    %lt3A_718 = arith.constant 100 : i32
    %lt3A_719 = vector.broadcast %lt3A_718 : i32 to vector<16xi32>
    %lt3A_720 = arith.cmpi slt, %add3A_45, %lt3A_719 : vector<16xi32>
    %and3A_721 = arith.andi %and3A_717, %lt3A_720 : vector<16xi1>
    %jit3A_722 = arith.constant 0.000000e+00 : f32
    %broadcast_in_dim3A_723 = vector.broadcast %jit3A_722 : f32 to vector<16xf32>
    %select_n3A_724 = arith.select %and3A_721, %gather3A_708, %broadcast_in_dim3A_723 : vector<16xi1>, vector<16xf32>
    %add3A_725 = arith.addf %add3A_598, %select_n3A_724 : vector<16xf32>
    %div3A_726 = arith.constant 1.000000e+02 : f32
    %div3A_727 = vector.broadcast %div3A_726 : f32 to vector<16xf32>
    %div3A_728 = arith.divf %convert_element_type3A_64, %div3A_727 : vector<16xf32>
    %gt3A_729 = arith.cmpf ogt, %gather3A_705, %div3A_728 : vector<16xf32>
    %add3A_730 = arith.constant 0.00999999977 : f32
    %add3A_731 = vector.broadcast %add3A_730 : f32 to vector<16xf32>
    %add3A_732 = arith.addf %convert_element_type3A_64, %add3A_731 : vector<16xf32>
    %lt3A_733 = arith.cmpf olt, %gather3A_705, %add3A_732 : vector<16xf32>
    %and3A_734 = arith.andi %gt3A_729, %lt3A_733 : vector<16xi1>
    %lt3A_735 = arith.constant 100 : i32
    %lt3A_736 = vector.broadcast %lt3A_735 : i32 to vector<16xi32>
    %lt3A_737 = arith.cmpi slt, %add3A_48, %lt3A_736 : vector<16xi32>
    %and3A_738 = arith.andi %and3A_734, %lt3A_737 : vector<16xi1>
    %jit3A_739 = arith.constant 0.000000e+00 : f32
    %broadcast_in_dim3A_740 = vector.broadcast %jit3A_739 : f32 to vector<16xf32>
    %select_n3A_741 = arith.select %and3A_738, %gather3A_708, %broadcast_in_dim3A_740 : vector<16xi1>, vector<16xf32>
    %add3A_742 = arith.addf %add3A_615, %select_n3A_741 : vector<16xf32>
    %div3A_743 = arith.constant 1.000000e+02 : f32
    %div3A_744 = vector.broadcast %div3A_743 : f32 to vector<16xf32>
    %div3A_745 = arith.divf %convert_element_type3A_65, %div3A_744 : vector<16xf32>
    %gt3A_746 = arith.cmpf ogt, %gather3A_705, %div3A_745 : vector<16xf32>
    %add3A_747 = arith.constant 0.00999999977 : f32
    %add3A_748 = vector.broadcast %add3A_747 : f32 to vector<16xf32>
    %add3A_749 = arith.addf %convert_element_type3A_65, %add3A_748 : vector<16xf32>
    %lt3A_750 = arith.cmpf olt, %gather3A_705, %add3A_749 : vector<16xf32>
    %and3A_751 = arith.andi %gt3A_746, %lt3A_750 : vector<16xi1>
    %lt3A_752 = arith.constant 100 : i32
    %lt3A_753 = vector.broadcast %lt3A_752 : i32 to vector<16xi32>
    %lt3A_754 = arith.cmpi slt, %add3A_51, %lt3A_753 : vector<16xi32>
    %and3A_755 = arith.andi %and3A_751, %lt3A_754 : vector<16xi1>
    %jit3A_756 = arith.constant 0.000000e+00 : f32
    %broadcast_in_dim3A_757 = vector.broadcast %jit3A_756 : f32 to vector<16xf32>
    %select_n3A_758 = arith.select %and3A_755, %gather3A_708, %broadcast_in_dim3A_757 : vector<16xi1>, vector<16xf32>
    %add3A_759 = arith.addf %add3A_632, %select_n3A_758 : vector<16xf32>
    %div3A_760 = arith.constant 1.000000e+02 : f32
    %div3A_761 = vector.broadcast %div3A_760 : f32 to vector<16xf32>
    %div3A_762 = arith.divf %convert_element_type3A_66, %div3A_761 : vector<16xf32>
    %gt3A_763 = arith.cmpf ogt, %gather3A_705, %div3A_762 : vector<16xf32>
    %add3A_764 = arith.constant 0.00999999977 : f32
    %add3A_765 = vector.broadcast %add3A_764 : f32 to vector<16xf32>
    %add3A_766 = arith.addf %convert_element_type3A_66, %add3A_765 : vector<16xf32>
    %lt3A_767 = arith.cmpf olt, %gather3A_705, %add3A_766 : vector<16xf32>
    %and3A_768 = arith.andi %gt3A_763, %lt3A_767 : vector<16xi1>
    %lt3A_769 = arith.constant 100 : i32
    %lt3A_770 = vector.broadcast %lt3A_769 : i32 to vector<16xi32>
    %lt3A_771 = arith.cmpi slt, %add3A_54, %lt3A_770 : vector<16xi32>
    %and3A_772 = arith.andi %and3A_768, %lt3A_771 : vector<16xi1>
    %jit3A_773 = arith.constant 0.000000e+00 : f32
    %broadcast_in_dim3A_774 = vector.broadcast %jit3A_773 : f32 to vector<16xf32>
    %select_n3A_775 = arith.select %and3A_772, %gather3A_708, %broadcast_in_dim3A_774 : vector<16xi1>, vector<16xf32>
    %add3A_776 = arith.addf %add3A_649, %select_n3A_775 : vector<16xf32>
    %div3A_777 = arith.constant 1.000000e+02 : f32
    %div3A_778 = vector.broadcast %div3A_777 : f32 to vector<16xf32>
    %div3A_779 = arith.divf %convert_element_type3A_67, %div3A_778 : vector<16xf32>
    %gt3A_780 = arith.cmpf ogt, %gather3A_705, %div3A_779 : vector<16xf32>
    %add3A_781 = arith.constant 0.00999999977 : f32
    %add3A_782 = vector.broadcast %add3A_781 : f32 to vector<16xf32>
    %add3A_783 = arith.addf %convert_element_type3A_67, %add3A_782 : vector<16xf32>
    %lt3A_784 = arith.cmpf olt, %gather3A_705, %add3A_783 : vector<16xf32>
    %and3A_785 = arith.andi %gt3A_780, %lt3A_784 : vector<16xi1>
    %lt3A_786 = arith.constant 100 : i32
    %lt3A_787 = vector.broadcast %lt3A_786 : i32 to vector<16xi32>
    %lt3A_788 = arith.cmpi slt, %add3A_57, %lt3A_787 : vector<16xi32>
    %and3A_789 = arith.andi %and3A_785, %lt3A_788 : vector<16xi1>
    %jit3A_790 = arith.constant 0.000000e+00 : f32
    %broadcast_in_dim3A_791 = vector.broadcast %jit3A_790 : f32 to vector<16xf32>
    %select_n3A_792 = arith.select %and3A_789, %gather3A_708, %broadcast_in_dim3A_791 : vector<16xi1>, vector<16xf32>
    %add3A_793 = arith.addf %add3A_666, %select_n3A_792 : vector<16xf32>
    %div3A_794 = arith.constant 1.000000e+02 : f32
    %div3A_795 = vector.broadcast %div3A_794 : f32 to vector<16xf32>
    %div3A_796 = arith.divf %convert_element_type3A_68, %div3A_795 : vector<16xf32>
    %gt3A_797 = arith.cmpf ogt, %gather3A_705, %div3A_796 : vector<16xf32>
    %add3A_798 = arith.constant 0.00999999977 : f32
    %add3A_799 = vector.broadcast %add3A_798 : f32 to vector<16xf32>
    %add3A_800 = arith.addf %convert_element_type3A_68, %add3A_799 : vector<16xf32>
    %lt3A_801 = arith.cmpf olt, %gather3A_705, %add3A_800 : vector<16xf32>
    %and3A_802 = arith.andi %gt3A_797, %lt3A_801 : vector<16xi1>
    %lt3A_803 = arith.constant 100 : i32
    %lt3A_804 = vector.broadcast %lt3A_803 : i32 to vector<16xi32>
    %lt3A_805 = arith.cmpi slt, %add3A_60, %lt3A_804 : vector<16xi32>
    %and3A_806 = arith.andi %and3A_802, %lt3A_805 : vector<16xi1>
    %jit3A_807 = arith.constant 0.000000e+00 : f32
    %broadcast_in_dim3A_808 = vector.broadcast %jit3A_807 : f32 to vector<16xf32>
    %select_n3A_809 = arith.select %and3A_806, %gather3A_708, %broadcast_in_dim3A_808 : vector<16xi1>, vector<16xf32>
    %add3A_810 = arith.addf %add3A_683, %select_n3A_809 : vector<16xf32>
    %div3A_811 = arith.constant 1.000000e+02 : f32
    %div3A_812 = vector.broadcast %div3A_811 : f32 to vector<16xf32>
    %div3A_813 = arith.divf %convert_element_type3A_69, %div3A_812 : vector<16xf32>
    %gt3A_814 = arith.cmpf ogt, %gather3A_705, %div3A_813 : vector<16xf32>
    %add3A_815 = arith.constant 0.00999999977 : f32
    %add3A_816 = vector.broadcast %add3A_815 : f32 to vector<16xf32>
    %add3A_817 = arith.addf %convert_element_type3A_69, %add3A_816 : vector<16xf32>
    %lt3A_818 = arith.cmpf olt, %gather3A_705, %add3A_817 : vector<16xf32>
    %and3A_819 = arith.andi %gt3A_814, %lt3A_818 : vector<16xi1>
    %lt3A_820 = arith.constant 100 : i32
    %lt3A_821 = vector.broadcast %lt3A_820 : i32 to vector<16xi32>
    %lt3A_822 = arith.cmpi slt, %add3A_63, %lt3A_821 : vector<16xi32>
    %and3A_823 = arith.andi %and3A_819, %lt3A_822 : vector<16xi1>
    %jit3A_824 = arith.constant 0.000000e+00 : f32
    %broadcast_in_dim3A_825 = vector.broadcast %jit3A_824 : f32 to vector<16xf32>
    %select_n3A_826 = arith.select %and3A_823, %gather3A_708, %broadcast_in_dim3A_825 : vector<16xi1>, vector<16xf32>
    %add3A_827 = arith.addf %add3A_700, %select_n3A_826 : vector<16xf32>
    %broadcast_in_dim3A_828 = arith.constant 6 : i32
    %broadcast_in_dim3A_829 = vector.broadcast %broadcast_in_dim3A_828 : i32 to vector<16xi32>
    %broadcast_in_dim3A_830 = vector.shape_cast %broadcast_in_dim3A_829 : vector<16xi32> to vector<16x1xi32>
    %gather3A_831 = vector.shape_cast %broadcast_in_dim3A_830 : vector<16x1xi32> to vector<16xi32>
    %gather3A_832 = tpu.dynamic_gather %div3A[%gather3A_831] in [0] : vector<16xf32>, vector<16xi32> -> vector<16xf32>
    %broadcast_in_dim3A_833 = vector.shape_cast %broadcast_in_dim3A_829 : vector<16xi32> to vector<16x1xi32>
    %gather3A_834 = vector.shape_cast %broadcast_in_dim3A_833 : vector<16x1xi32> to vector<16xi32>
    %gather3A_835 = tpu.dynamic_gather %select_n3A[%gather3A_834] in [0] : vector<16xf32>, vector<16xi32> -> vector<16xf32>
    %div3A_836 = arith.constant 1.000000e+02 : f32
    %div3A_837 = vector.broadcast %div3A_836 : f32 to vector<16xf32>
    %div3A_838 = arith.divf %convert_element_type3A, %div3A_837 : vector<16xf32>
    %gt3A_839 = arith.cmpf ogt, %gather3A_832, %div3A_838 : vector<16xf32>
    %add3A_840 = arith.constant 0.00999999977 : f32
    %add3A_841 = vector.broadcast %add3A_840 : f32 to vector<16xf32>
    %add3A_842 = arith.addf %convert_element_type3A, %add3A_841 : vector<16xf32>
    %lt3A_843 = arith.cmpf olt, %gather3A_832, %add3A_842 : vector<16xf32>
    %and3A_844 = arith.andi %gt3A_839, %lt3A_843 : vector<16xi1>
    %lt3A_845 = arith.constant 100 : i32
    %lt3A_846 = vector.broadcast %lt3A_845 : i32 to vector<16xi32>
    %lt3A_847 = arith.cmpi slt, %add3A_45, %lt3A_846 : vector<16xi32>
    %and3A_848 = arith.andi %and3A_844, %lt3A_847 : vector<16xi1>
    %jit3A_849 = arith.constant 0.000000e+00 : f32
    %broadcast_in_dim3A_850 = vector.broadcast %jit3A_849 : f32 to vector<16xf32>
    %select_n3A_851 = arith.select %and3A_848, %gather3A_835, %broadcast_in_dim3A_850 : vector<16xi1>, vector<16xf32>
    %add3A_852 = arith.addf %add3A_725, %select_n3A_851 : vector<16xf32>
    %div3A_853 = arith.constant 1.000000e+02 : f32
    %div3A_854 = vector.broadcast %div3A_853 : f32 to vector<16xf32>
    %div3A_855 = arith.divf %convert_element_type3A_64, %div3A_854 : vector<16xf32>
    %gt3A_856 = arith.cmpf ogt, %gather3A_832, %div3A_855 : vector<16xf32>
    %add3A_857 = arith.constant 0.00999999977 : f32
    %add3A_858 = vector.broadcast %add3A_857 : f32 to vector<16xf32>
    %add3A_859 = arith.addf %convert_element_type3A_64, %add3A_858 : vector<16xf32>
    %lt3A_860 = arith.cmpf olt, %gather3A_832, %add3A_859 : vector<16xf32>
    %and3A_861 = arith.andi %gt3A_856, %lt3A_860 : vector<16xi1>
    %lt3A_862 = arith.constant 100 : i32
    %lt3A_863 = vector.broadcast %lt3A_862 : i32 to vector<16xi32>
    %lt3A_864 = arith.cmpi slt, %add3A_48, %lt3A_863 : vector<16xi32>
    %and3A_865 = arith.andi %and3A_861, %lt3A_864 : vector<16xi1>
    %jit3A_866 = arith.constant 0.000000e+00 : f32
    %broadcast_in_dim3A_867 = vector.broadcast %jit3A_866 : f32 to vector<16xf32>
    %select_n3A_868 = arith.select %and3A_865, %gather3A_835, %broadcast_in_dim3A_867 : vector<16xi1>, vector<16xf32>
    %add3A_869 = arith.addf %add3A_742, %select_n3A_868 : vector<16xf32>
    %div3A_870 = arith.constant 1.000000e+02 : f32
    %div3A_871 = vector.broadcast %div3A_870 : f32 to vector<16xf32>
    %div3A_872 = arith.divf %convert_element_type3A_65, %div3A_871 : vector<16xf32>
    %gt3A_873 = arith.cmpf ogt, %gather3A_832, %div3A_872 : vector<16xf32>
    %add3A_874 = arith.constant 0.00999999977 : f32
    %add3A_875 = vector.broadcast %add3A_874 : f32 to vector<16xf32>
    %add3A_876 = arith.addf %convert_element_type3A_65, %add3A_875 : vector<16xf32>
    %lt3A_877 = arith.cmpf olt, %gather3A_832, %add3A_876 : vector<16xf32>
    %and3A_878 = arith.andi %gt3A_873, %lt3A_877 : vector<16xi1>
    %lt3A_879 = arith.constant 100 : i32
    %lt3A_880 = vector.broadcast %lt3A_879 : i32 to vector<16xi32>
    %lt3A_881 = arith.cmpi slt, %add3A_51, %lt3A_880 : vector<16xi32>
    %and3A_882 = arith.andi %and3A_878, %lt3A_881 : vector<16xi1>
    %jit3A_883 = arith.constant 0.000000e+00 : f32
    %broadcast_in_dim3A_884 = vector.broadcast %jit3A_883 : f32 to vector<16xf32>
    %select_n3A_885 = arith.select %and3A_882, %gather3A_835, %broadcast_in_dim3A_884 : vector<16xi1>, vector<16xf32>
    %add3A_886 = arith.addf %add3A_759, %select_n3A_885 : vector<16xf32>
    %div3A_887 = arith.constant 1.000000e+02 : f32
    %div3A_888 = vector.broadcast %div3A_887 : f32 to vector<16xf32>
    %div3A_889 = arith.divf %convert_element_type3A_66, %div3A_888 : vector<16xf32>
    %gt3A_890 = arith.cmpf ogt, %gather3A_832, %div3A_889 : vector<16xf32>
    %add3A_891 = arith.constant 0.00999999977 : f32
    %add3A_892 = vector.broadcast %add3A_891 : f32 to vector<16xf32>
    %add3A_893 = arith.addf %convert_element_type3A_66, %add3A_892 : vector<16xf32>
    %lt3A_894 = arith.cmpf olt, %gather3A_832, %add3A_893 : vector<16xf32>
    %and3A_895 = arith.andi %gt3A_890, %lt3A_894 : vector<16xi1>
    %lt3A_896 = arith.constant 100 : i32
    %lt3A_897 = vector.broadcast %lt3A_896 : i32 to vector<16xi32>
    %lt3A_898 = arith.cmpi slt, %add3A_54, %lt3A_897 : vector<16xi32>
    %and3A_899 = arith.andi %and3A_895, %lt3A_898 : vector<16xi1>
    %jit3A_900 = arith.constant 0.000000e+00 : f32
    %broadcast_in_dim3A_901 = vector.broadcast %jit3A_900 : f32 to vector<16xf32>
    %select_n3A_902 = arith.select %and3A_899, %gather3A_835, %broadcast_in_dim3A_901 : vector<16xi1>, vector<16xf32>
    %add3A_903 = arith.addf %add3A_776, %select_n3A_902 : vector<16xf32>
    %div3A_904 = arith.constant 1.000000e+02 : f32
    %div3A_905 = vector.broadcast %div3A_904 : f32 to vector<16xf32>
    %div3A_906 = arith.divf %convert_element_type3A_67, %div3A_905 : vector<16xf32>
    %gt3A_907 = arith.cmpf ogt, %gather3A_832, %div3A_906 : vector<16xf32>
    %add3A_908 = arith.constant 0.00999999977 : f32
    %add3A_909 = vector.broadcast %add3A_908 : f32 to vector<16xf32>
    %add3A_910 = arith.addf %convert_element_type3A_67, %add3A_909 : vector<16xf32>
    %lt3A_911 = arith.cmpf olt, %gather3A_832, %add3A_910 : vector<16xf32>
    %and3A_912 = arith.andi %gt3A_907, %lt3A_911 : vector<16xi1>
    %lt3A_913 = arith.constant 100 : i32
    %lt3A_914 = vector.broadcast %lt3A_913 : i32 to vector<16xi32>
    %lt3A_915 = arith.cmpi slt, %add3A_57, %lt3A_914 : vector<16xi32>
    %and3A_916 = arith.andi %and3A_912, %lt3A_915 : vector<16xi1>
    %jit3A_917 = arith.constant 0.000000e+00 : f32
    %broadcast_in_dim3A_918 = vector.broadcast %jit3A_917 : f32 to vector<16xf32>
    %select_n3A_919 = arith.select %and3A_916, %gather3A_835, %broadcast_in_dim3A_918 : vector<16xi1>, vector<16xf32>
    %add3A_920 = arith.addf %add3A_793, %select_n3A_919 : vector<16xf32>
    %div3A_921 = arith.constant 1.000000e+02 : f32
    %div3A_922 = vector.broadcast %div3A_921 : f32 to vector<16xf32>
    %div3A_923 = arith.divf %convert_element_type3A_68, %div3A_922 : vector<16xf32>
    %gt3A_924 = arith.cmpf ogt, %gather3A_832, %div3A_923 : vector<16xf32>
    %add3A_925 = arith.constant 0.00999999977 : f32
    %add3A_926 = vector.broadcast %add3A_925 : f32 to vector<16xf32>
    %add3A_927 = arith.addf %convert_element_type3A_68, %add3A_926 : vector<16xf32>
    %lt3A_928 = arith.cmpf olt, %gather3A_832, %add3A_927 : vector<16xf32>
    %and3A_929 = arith.andi %gt3A_924, %lt3A_928 : vector<16xi1>
    %lt3A_930 = arith.constant 100 : i32
    %lt3A_931 = vector.broadcast %lt3A_930 : i32 to vector<16xi32>
    %lt3A_932 = arith.cmpi slt, %add3A_60, %lt3A_931 : vector<16xi32>
    %and3A_933 = arith.andi %and3A_929, %lt3A_932 : vector<16xi1>
    %jit3A_934 = arith.constant 0.000000e+00 : f32
    %broadcast_in_dim3A_935 = vector.broadcast %jit3A_934 : f32 to vector<16xf32>
    %select_n3A_936 = arith.select %and3A_933, %gather3A_835, %broadcast_in_dim3A_935 : vector<16xi1>, vector<16xf32>
    %add3A_937 = arith.addf %add3A_810, %select_n3A_936 : vector<16xf32>
    %div3A_938 = arith.constant 1.000000e+02 : f32
    %div3A_939 = vector.broadcast %div3A_938 : f32 to vector<16xf32>
    %div3A_940 = arith.divf %convert_element_type3A_69, %div3A_939 : vector<16xf32>
    %gt3A_941 = arith.cmpf ogt, %gather3A_832, %div3A_940 : vector<16xf32>
    %add3A_942 = arith.constant 0.00999999977 : f32
    %add3A_943 = vector.broadcast %add3A_942 : f32 to vector<16xf32>
    %add3A_944 = arith.addf %convert_element_type3A_69, %add3A_943 : vector<16xf32>
    %lt3A_945 = arith.cmpf olt, %gather3A_832, %add3A_944 : vector<16xf32>
    %and3A_946 = arith.andi %gt3A_941, %lt3A_945 : vector<16xi1>
    %lt3A_947 = arith.constant 100 : i32
    %lt3A_948 = vector.broadcast %lt3A_947 : i32 to vector<16xi32>
    %lt3A_949 = arith.cmpi slt, %add3A_63, %lt3A_948 : vector<16xi32>
    %and3A_950 = arith.andi %and3A_946, %lt3A_949 : vector<16xi1>
    %jit3A_951 = arith.constant 0.000000e+00 : f32
    %broadcast_in_dim3A_952 = vector.broadcast %jit3A_951 : f32 to vector<16xf32>
    %select_n3A_953 = arith.select %and3A_950, %gather3A_835, %broadcast_in_dim3A_952 : vector<16xi1>, vector<16xf32>
    %add3A_954 = arith.addf %add3A_827, %select_n3A_953 : vector<16xf32>
    %broadcast_in_dim3A_955 = arith.constant 7 : i32
    %broadcast_in_dim3A_956 = vector.broadcast %broadcast_in_dim3A_955 : i32 to vector<16xi32>
    %broadcast_in_dim3A_957 = vector.shape_cast %broadcast_in_dim3A_956 : vector<16xi32> to vector<16x1xi32>
    %gather3A_958 = vector.shape_cast %broadcast_in_dim3A_957 : vector<16x1xi32> to vector<16xi32>
    %gather3A_959 = tpu.dynamic_gather %div3A[%gather3A_958] in [0] : vector<16xf32>, vector<16xi32> -> vector<16xf32>
    %broadcast_in_dim3A_960 = vector.shape_cast %broadcast_in_dim3A_956 : vector<16xi32> to vector<16x1xi32>
    %gather3A_961 = vector.shape_cast %broadcast_in_dim3A_960 : vector<16x1xi32> to vector<16xi32>
    %gather3A_962 = tpu.dynamic_gather %select_n3A[%gather3A_961] in [0] : vector<16xf32>, vector<16xi32> -> vector<16xf32>
    %div3A_963 = arith.constant 1.000000e+02 : f32
    %div3A_964 = vector.broadcast %div3A_963 : f32 to vector<16xf32>
    %div3A_965 = arith.divf %convert_element_type3A, %div3A_964 : vector<16xf32>
    %gt3A_966 = arith.cmpf ogt, %gather3A_959, %div3A_965 : vector<16xf32>
    %add3A_967 = arith.constant 0.00999999977 : f32
    %add3A_968 = vector.broadcast %add3A_967 : f32 to vector<16xf32>
    %add3A_969 = arith.addf %convert_element_type3A, %add3A_968 : vector<16xf32>
    %lt3A_970 = arith.cmpf olt, %gather3A_959, %add3A_969 : vector<16xf32>
    %and3A_971 = arith.andi %gt3A_966, %lt3A_970 : vector<16xi1>
    %lt3A_972 = arith.constant 100 : i32
    %lt3A_973 = vector.broadcast %lt3A_972 : i32 to vector<16xi32>
    %lt3A_974 = arith.cmpi slt, %add3A_45, %lt3A_973 : vector<16xi32>
    %and3A_975 = arith.andi %and3A_971, %lt3A_974 : vector<16xi1>
    %jit3A_976 = arith.constant 0.000000e+00 : f32
    %broadcast_in_dim3A_977 = vector.broadcast %jit3A_976 : f32 to vector<16xf32>
    %select_n3A_978 = arith.select %and3A_975, %gather3A_962, %broadcast_in_dim3A_977 : vector<16xi1>, vector<16xf32>
    %add3A_979 = arith.addf %add3A_852, %select_n3A_978 : vector<16xf32>
    %div3A_980 = arith.constant 1.000000e+02 : f32
    %div3A_981 = vector.broadcast %div3A_980 : f32 to vector<16xf32>
    %div3A_982 = arith.divf %convert_element_type3A_64, %div3A_981 : vector<16xf32>
    %gt3A_983 = arith.cmpf ogt, %gather3A_959, %div3A_982 : vector<16xf32>
    %add3A_984 = arith.constant 0.00999999977 : f32
    %add3A_985 = vector.broadcast %add3A_984 : f32 to vector<16xf32>
    %add3A_986 = arith.addf %convert_element_type3A_64, %add3A_985 : vector<16xf32>
    %lt3A_987 = arith.cmpf olt, %gather3A_959, %add3A_986 : vector<16xf32>
    %and3A_988 = arith.andi %gt3A_983, %lt3A_987 : vector<16xi1>
    %lt3A_989 = arith.constant 100 : i32
    %lt3A_990 = vector.broadcast %lt3A_989 : i32 to vector<16xi32>
    %lt3A_991 = arith.cmpi slt, %add3A_48, %lt3A_990 : vector<16xi32>
    %and3A_992 = arith.andi %and3A_988, %lt3A_991 : vector<16xi1>
    %jit3A_993 = arith.constant 0.000000e+00 : f32
    %broadcast_in_dim3A_994 = vector.broadcast %jit3A_993 : f32 to vector<16xf32>
    %select_n3A_995 = arith.select %and3A_992, %gather3A_962, %broadcast_in_dim3A_994 : vector<16xi1>, vector<16xf32>
    %add3A_996 = arith.addf %add3A_869, %select_n3A_995 : vector<16xf32>
    %div3A_997 = arith.constant 1.000000e+02 : f32
    %div3A_998 = vector.broadcast %div3A_997 : f32 to vector<16xf32>
    %div3A_999 = arith.divf %convert_element_type3A_65, %div3A_998 : vector<16xf32>
    %gt3A_1000 = arith.cmpf ogt, %gather3A_959, %div3A_999 : vector<16xf32>
    %add3A_1001 = arith.constant 0.00999999977 : f32
    %add3A_1002 = vector.broadcast %add3A_1001 : f32 to vector<16xf32>
    %add3A_1003 = arith.addf %convert_element_type3A_65, %add3A_1002 : vector<16xf32>
    %lt3A_1004 = arith.cmpf olt, %gather3A_959, %add3A_1003 : vector<16xf32>
    %and3A_1005 = arith.andi %gt3A_1000, %lt3A_1004 : vector<16xi1>
    %lt3A_1006 = arith.constant 100 : i32
    %lt3A_1007 = vector.broadcast %lt3A_1006 : i32 to vector<16xi32>
    %lt3A_1008 = arith.cmpi slt, %add3A_51, %lt3A_1007 : vector<16xi32>
    %and3A_1009 = arith.andi %and3A_1005, %lt3A_1008 : vector<16xi1>
    %jit3A_1010 = arith.constant 0.000000e+00 : f32
    %broadcast_in_dim3A_1011 = vector.broadcast %jit3A_1010 : f32 to vector<16xf32>
    %select_n3A_1012 = arith.select %and3A_1009, %gather3A_962, %broadcast_in_dim3A_1011 : vector<16xi1>, vector<16xf32>
    %add3A_1013 = arith.addf %add3A_886, %select_n3A_1012 : vector<16xf32>
    %div3A_1014 = arith.constant 1.000000e+02 : f32
    %div3A_1015 = vector.broadcast %div3A_1014 : f32 to vector<16xf32>
    %div3A_1016 = arith.divf %convert_element_type3A_66, %div3A_1015 : vector<16xf32>
    %gt3A_1017 = arith.cmpf ogt, %gather3A_959, %div3A_1016 : vector<16xf32>
    %add3A_1018 = arith.constant 0.00999999977 : f32
    %add3A_1019 = vector.broadcast %add3A_1018 : f32 to vector<16xf32>
    %add3A_1020 = arith.addf %convert_element_type3A_66, %add3A_1019 : vector<16xf32>
    %lt3A_1021 = arith.cmpf olt, %gather3A_959, %add3A_1020 : vector<16xf32>
    %and3A_1022 = arith.andi %gt3A_1017, %lt3A_1021 : vector<16xi1>
    %lt3A_1023 = arith.constant 100 : i32
    %lt3A_1024 = vector.broadcast %lt3A_1023 : i32 to vector<16xi32>
    %lt3A_1025 = arith.cmpi slt, %add3A_54, %lt3A_1024 : vector<16xi32>
    %and3A_1026 = arith.andi %and3A_1022, %lt3A_1025 : vector<16xi1>
    %jit3A_1027 = arith.constant 0.000000e+00 : f32
    %broadcast_in_dim3A_1028 = vector.broadcast %jit3A_1027 : f32 to vector<16xf32>
    %select_n3A_1029 = arith.select %and3A_1026, %gather3A_962, %broadcast_in_dim3A_1028 : vector<16xi1>, vector<16xf32>
    %add3A_1030 = arith.addf %add3A_903, %select_n3A_1029 : vector<16xf32>
    %div3A_1031 = arith.constant 1.000000e+02 : f32
    %div3A_1032 = vector.broadcast %div3A_1031 : f32 to vector<16xf32>
    %div3A_1033 = arith.divf %convert_element_type3A_67, %div3A_1032 : vector<16xf32>
    %gt3A_1034 = arith.cmpf ogt, %gather3A_959, %div3A_1033 : vector<16xf32>
    %add3A_1035 = arith.constant 0.00999999977 : f32
    %add3A_1036 = vector.broadcast %add3A_1035 : f32 to vector<16xf32>
    %add3A_1037 = arith.addf %convert_element_type3A_67, %add3A_1036 : vector<16xf32>
    %lt3A_1038 = arith.cmpf olt, %gather3A_959, %add3A_1037 : vector<16xf32>
    %and3A_1039 = arith.andi %gt3A_1034, %lt3A_1038 : vector<16xi1>
    %lt3A_1040 = arith.constant 100 : i32
    %lt3A_1041 = vector.broadcast %lt3A_1040 : i32 to vector<16xi32>
    %lt3A_1042 = arith.cmpi slt, %add3A_57, %lt3A_1041 : vector<16xi32>
    %and3A_1043 = arith.andi %and3A_1039, %lt3A_1042 : vector<16xi1>
    %jit3A_1044 = arith.constant 0.000000e+00 : f32
    %broadcast_in_dim3A_1045 = vector.broadcast %jit3A_1044 : f32 to vector<16xf32>
    %select_n3A_1046 = arith.select %and3A_1043, %gather3A_962, %broadcast_in_dim3A_1045 : vector<16xi1>, vector<16xf32>
    %add3A_1047 = arith.addf %add3A_920, %select_n3A_1046 : vector<16xf32>
    %div3A_1048 = arith.constant 1.000000e+02 : f32
    %div3A_1049 = vector.broadcast %div3A_1048 : f32 to vector<16xf32>
    %div3A_1050 = arith.divf %convert_element_type3A_68, %div3A_1049 : vector<16xf32>
    %gt3A_1051 = arith.cmpf ogt, %gather3A_959, %div3A_1050 : vector<16xf32>
    %add3A_1052 = arith.constant 0.00999999977 : f32
    %add3A_1053 = vector.broadcast %add3A_1052 : f32 to vector<16xf32>
    %add3A_1054 = arith.addf %convert_element_type3A_68, %add3A_1053 : vector<16xf32>
    %lt3A_1055 = arith.cmpf olt, %gather3A_959, %add3A_1054 : vector<16xf32>
    %and3A_1056 = arith.andi %gt3A_1051, %lt3A_1055 : vector<16xi1>
    %lt3A_1057 = arith.constant 100 : i32
    %lt3A_1058 = vector.broadcast %lt3A_1057 : i32 to vector<16xi32>
    %lt3A_1059 = arith.cmpi slt, %add3A_60, %lt3A_1058 : vector<16xi32>
    %and3A_1060 = arith.andi %and3A_1056, %lt3A_1059 : vector<16xi1>
    %jit3A_1061 = arith.constant 0.000000e+00 : f32
    %broadcast_in_dim3A_1062 = vector.broadcast %jit3A_1061 : f32 to vector<16xf32>
    %select_n3A_1063 = arith.select %and3A_1060, %gather3A_962, %broadcast_in_dim3A_1062 : vector<16xi1>, vector<16xf32>
    %add3A_1064 = arith.addf %add3A_937, %select_n3A_1063 : vector<16xf32>
    %div3A_1065 = arith.constant 1.000000e+02 : f32
    %div3A_1066 = vector.broadcast %div3A_1065 : f32 to vector<16xf32>
    %div3A_1067 = arith.divf %convert_element_type3A_69, %div3A_1066 : vector<16xf32>
    %gt3A_1068 = arith.cmpf ogt, %gather3A_959, %div3A_1067 : vector<16xf32>
    %add3A_1069 = arith.constant 0.00999999977 : f32
    %add3A_1070 = vector.broadcast %add3A_1069 : f32 to vector<16xf32>
    %add3A_1071 = arith.addf %convert_element_type3A_69, %add3A_1070 : vector<16xf32>
    %lt3A_1072 = arith.cmpf olt, %gather3A_959, %add3A_1071 : vector<16xf32>
    %and3A_1073 = arith.andi %gt3A_1068, %lt3A_1072 : vector<16xi1>
    %lt3A_1074 = arith.constant 100 : i32
    %lt3A_1075 = vector.broadcast %lt3A_1074 : i32 to vector<16xi32>
    %lt3A_1076 = arith.cmpi slt, %add3A_63, %lt3A_1075 : vector<16xi32>
    %and3A_1077 = arith.andi %and3A_1073, %lt3A_1076 : vector<16xi1>
    %jit3A_1078 = arith.constant 0.000000e+00 : f32
    %broadcast_in_dim3A_1079 = vector.broadcast %jit3A_1078 : f32 to vector<16xf32>
    %select_n3A_1080 = arith.select %and3A_1077, %gather3A_962, %broadcast_in_dim3A_1079 : vector<16xi1>, vector<16xf32>
    %add3A_1081 = arith.addf %add3A_954, %select_n3A_1080 : vector<16xf32>
    %broadcast_in_dim3A_1082 = arith.constant 8 : i32
    %broadcast_in_dim3A_1083 = vector.broadcast %broadcast_in_dim3A_1082 : i32 to vector<16xi32>
    %broadcast_in_dim3A_1084 = vector.shape_cast %broadcast_in_dim3A_1083 : vector<16xi32> to vector<16x1xi32>
    %gather3A_1085 = vector.shape_cast %broadcast_in_dim3A_1084 : vector<16x1xi32> to vector<16xi32>
    %gather3A_1086 = tpu.dynamic_gather %div3A[%gather3A_1085] in [0] : vector<16xf32>, vector<16xi32> -> vector<16xf32>
    %broadcast_in_dim3A_1087 = vector.shape_cast %broadcast_in_dim3A_1083 : vector<16xi32> to vector<16x1xi32>
    %gather3A_1088 = vector.shape_cast %broadcast_in_dim3A_1087 : vector<16x1xi32> to vector<16xi32>
    %gather3A_1089 = tpu.dynamic_gather %select_n3A[%gather3A_1088] in [0] : vector<16xf32>, vector<16xi32> -> vector<16xf32>
    %div3A_1090 = arith.constant 1.000000e+02 : f32
    %div3A_1091 = vector.broadcast %div3A_1090 : f32 to vector<16xf32>
    %div3A_1092 = arith.divf %convert_element_type3A, %div3A_1091 : vector<16xf32>
    %gt3A_1093 = arith.cmpf ogt, %gather3A_1086, %div3A_1092 : vector<16xf32>
    %add3A_1094 = arith.constant 0.00999999977 : f32
    %add3A_1095 = vector.broadcast %add3A_1094 : f32 to vector<16xf32>
    %add3A_1096 = arith.addf %convert_element_type3A, %add3A_1095 : vector<16xf32>
    %lt3A_1097 = arith.cmpf olt, %gather3A_1086, %add3A_1096 : vector<16xf32>
    %and3A_1098 = arith.andi %gt3A_1093, %lt3A_1097 : vector<16xi1>
    %lt3A_1099 = arith.constant 100 : i32
    %lt3A_1100 = vector.broadcast %lt3A_1099 : i32 to vector<16xi32>
    %lt3A_1101 = arith.cmpi slt, %add3A_45, %lt3A_1100 : vector<16xi32>
    %and3A_1102 = arith.andi %and3A_1098, %lt3A_1101 : vector<16xi1>
    %jit3A_1103 = arith.constant 0.000000e+00 : f32
    %broadcast_in_dim3A_1104 = vector.broadcast %jit3A_1103 : f32 to vector<16xf32>
    %select_n3A_1105 = arith.select %and3A_1102, %gather3A_1089, %broadcast_in_dim3A_1104 : vector<16xi1>, vector<16xf32>
    %add3A_1106 = arith.addf %add3A_979, %select_n3A_1105 : vector<16xf32>
    %div3A_1107 = arith.constant 1.000000e+02 : f32
    %div3A_1108 = vector.broadcast %div3A_1107 : f32 to vector<16xf32>
    %div3A_1109 = arith.divf %convert_element_type3A_64, %div3A_1108 : vector<16xf32>
    %gt3A_1110 = arith.cmpf ogt, %gather3A_1086, %div3A_1109 : vector<16xf32>
    %add3A_1111 = arith.constant 0.00999999977 : f32
    %add3A_1112 = vector.broadcast %add3A_1111 : f32 to vector<16xf32>
    %add3A_1113 = arith.addf %convert_element_type3A_64, %add3A_1112 : vector<16xf32>
    %lt3A_1114 = arith.cmpf olt, %gather3A_1086, %add3A_1113 : vector<16xf32>
    %and3A_1115 = arith.andi %gt3A_1110, %lt3A_1114 : vector<16xi1>
    %lt3A_1116 = arith.constant 100 : i32
    %lt3A_1117 = vector.broadcast %lt3A_1116 : i32 to vector<16xi32>
    %lt3A_1118 = arith.cmpi slt, %add3A_48, %lt3A_1117 : vector<16xi32>
    %and3A_1119 = arith.andi %and3A_1115, %lt3A_1118 : vector<16xi1>
    %jit3A_1120 = arith.constant 0.000000e+00 : f32
    %broadcast_in_dim3A_1121 = vector.broadcast %jit3A_1120 : f32 to vector<16xf32>
    %select_n3A_1122 = arith.select %and3A_1119, %gather3A_1089, %broadcast_in_dim3A_1121 : vector<16xi1>, vector<16xf32>
    %add3A_1123 = arith.addf %add3A_996, %select_n3A_1122 : vector<16xf32>
    %div3A_1124 = arith.constant 1.000000e+02 : f32
    %div3A_1125 = vector.broadcast %div3A_1124 : f32 to vector<16xf32>
    %div3A_1126 = arith.divf %convert_element_type3A_65, %div3A_1125 : vector<16xf32>
    %gt3A_1127 = arith.cmpf ogt, %gather3A_1086, %div3A_1126 : vector<16xf32>
    %add3A_1128 = arith.constant 0.00999999977 : f32
    %add3A_1129 = vector.broadcast %add3A_1128 : f32 to vector<16xf32>
    %add3A_1130 = arith.addf %convert_element_type3A_65, %add3A_1129 : vector<16xf32>
    %lt3A_1131 = arith.cmpf olt, %gather3A_1086, %add3A_1130 : vector<16xf32>
    %and3A_1132 = arith.andi %gt3A_1127, %lt3A_1131 : vector<16xi1>
    %lt3A_1133 = arith.constant 100 : i32
    %lt3A_1134 = vector.broadcast %lt3A_1133 : i32 to vector<16xi32>
    %lt3A_1135 = arith.cmpi slt, %add3A_51, %lt3A_1134 : vector<16xi32>
    %and3A_1136 = arith.andi %and3A_1132, %lt3A_1135 : vector<16xi1>
    %jit3A_1137 = arith.constant 0.000000e+00 : f32
    %broadcast_in_dim3A_1138 = vector.broadcast %jit3A_1137 : f32 to vector<16xf32>
    %select_n3A_1139 = arith.select %and3A_1136, %gather3A_1089, %broadcast_in_dim3A_1138 : vector<16xi1>, vector<16xf32>
    %add3A_1140 = arith.addf %add3A_1013, %select_n3A_1139 : vector<16xf32>
    %div3A_1141 = arith.constant 1.000000e+02 : f32
    %div3A_1142 = vector.broadcast %div3A_1141 : f32 to vector<16xf32>
    %div3A_1143 = arith.divf %convert_element_type3A_66, %div3A_1142 : vector<16xf32>
    %gt3A_1144 = arith.cmpf ogt, %gather3A_1086, %div3A_1143 : vector<16xf32>
    %add3A_1145 = arith.constant 0.00999999977 : f32
    %add3A_1146 = vector.broadcast %add3A_1145 : f32 to vector<16xf32>
    %add3A_1147 = arith.addf %convert_element_type3A_66, %add3A_1146 : vector<16xf32>
    %lt3A_1148 = arith.cmpf olt, %gather3A_1086, %add3A_1147 : vector<16xf32>
    %and3A_1149 = arith.andi %gt3A_1144, %lt3A_1148 : vector<16xi1>
    %lt3A_1150 = arith.constant 100 : i32
    %lt3A_1151 = vector.broadcast %lt3A_1150 : i32 to vector<16xi32>
    %lt3A_1152 = arith.cmpi slt, %add3A_54, %lt3A_1151 : vector<16xi32>
    %and3A_1153 = arith.andi %and3A_1149, %lt3A_1152 : vector<16xi1>
    %jit3A_1154 = arith.constant 0.000000e+00 : f32
    %broadcast_in_dim3A_1155 = vector.broadcast %jit3A_1154 : f32 to vector<16xf32>
    %select_n3A_1156 = arith.select %and3A_1153, %gather3A_1089, %broadcast_in_dim3A_1155 : vector<16xi1>, vector<16xf32>
    %add3A_1157 = arith.addf %add3A_1030, %select_n3A_1156 : vector<16xf32>
    %div3A_1158 = arith.constant 1.000000e+02 : f32
    %div3A_1159 = vector.broadcast %div3A_1158 : f32 to vector<16xf32>
    %div3A_1160 = arith.divf %convert_element_type3A_67, %div3A_1159 : vector<16xf32>
    %gt3A_1161 = arith.cmpf ogt, %gather3A_1086, %div3A_1160 : vector<16xf32>
    %add3A_1162 = arith.constant 0.00999999977 : f32
    %add3A_1163 = vector.broadcast %add3A_1162 : f32 to vector<16xf32>
    %add3A_1164 = arith.addf %convert_element_type3A_67, %add3A_1163 : vector<16xf32>
    %lt3A_1165 = arith.cmpf olt, %gather3A_1086, %add3A_1164 : vector<16xf32>
    %and3A_1166 = arith.andi %gt3A_1161, %lt3A_1165 : vector<16xi1>
    %lt3A_1167 = arith.constant 100 : i32
    %lt3A_1168 = vector.broadcast %lt3A_1167 : i32 to vector<16xi32>
    %lt3A_1169 = arith.cmpi slt, %add3A_57, %lt3A_1168 : vector<16xi32>
    %and3A_1170 = arith.andi %and3A_1166, %lt3A_1169 : vector<16xi1>
    %jit3A_1171 = arith.constant 0.000000e+00 : f32
    %broadcast_in_dim3A_1172 = vector.broadcast %jit3A_1171 : f32 to vector<16xf32>
    %select_n3A_1173 = arith.select %and3A_1170, %gather3A_1089, %broadcast_in_dim3A_1172 : vector<16xi1>, vector<16xf32>
    %add3A_1174 = arith.addf %add3A_1047, %select_n3A_1173 : vector<16xf32>
    %div3A_1175 = arith.constant 1.000000e+02 : f32
    %div3A_1176 = vector.broadcast %div3A_1175 : f32 to vector<16xf32>
    %div3A_1177 = arith.divf %convert_element_type3A_68, %div3A_1176 : vector<16xf32>
    %gt3A_1178 = arith.cmpf ogt, %gather3A_1086, %div3A_1177 : vector<16xf32>
    %add3A_1179 = arith.constant 0.00999999977 : f32
    %add3A_1180 = vector.broadcast %add3A_1179 : f32 to vector<16xf32>
    %add3A_1181 = arith.addf %convert_element_type3A_68, %add3A_1180 : vector<16xf32>
    %lt3A_1182 = arith.cmpf olt, %gather3A_1086, %add3A_1181 : vector<16xf32>
    %and3A_1183 = arith.andi %gt3A_1178, %lt3A_1182 : vector<16xi1>
    %lt3A_1184 = arith.constant 100 : i32
    %lt3A_1185 = vector.broadcast %lt3A_1184 : i32 to vector<16xi32>
    %lt3A_1186 = arith.cmpi slt, %add3A_60, %lt3A_1185 : vector<16xi32>
    %and3A_1187 = arith.andi %and3A_1183, %lt3A_1186 : vector<16xi1>
    %jit3A_1188 = arith.constant 0.000000e+00 : f32
    %broadcast_in_dim3A_1189 = vector.broadcast %jit3A_1188 : f32 to vector<16xf32>
    %select_n3A_1190 = arith.select %and3A_1187, %gather3A_1089, %broadcast_in_dim3A_1189 : vector<16xi1>, vector<16xf32>
    %add3A_1191 = arith.addf %add3A_1064, %select_n3A_1190 : vector<16xf32>
    %div3A_1192 = arith.constant 1.000000e+02 : f32
    %div3A_1193 = vector.broadcast %div3A_1192 : f32 to vector<16xf32>
    %div3A_1194 = arith.divf %convert_element_type3A_69, %div3A_1193 : vector<16xf32>
    %gt3A_1195 = arith.cmpf ogt, %gather3A_1086, %div3A_1194 : vector<16xf32>
    %add3A_1196 = arith.constant 0.00999999977 : f32
    %add3A_1197 = vector.broadcast %add3A_1196 : f32 to vector<16xf32>
    %add3A_1198 = arith.addf %convert_element_type3A_69, %add3A_1197 : vector<16xf32>
    %lt3A_1199 = arith.cmpf olt, %gather3A_1086, %add3A_1198 : vector<16xf32>
    %and3A_1200 = arith.andi %gt3A_1195, %lt3A_1199 : vector<16xi1>
    %lt3A_1201 = arith.constant 100 : i32
    %lt3A_1202 = vector.broadcast %lt3A_1201 : i32 to vector<16xi32>
    %lt3A_1203 = arith.cmpi slt, %add3A_63, %lt3A_1202 : vector<16xi32>
    %and3A_1204 = arith.andi %and3A_1200, %lt3A_1203 : vector<16xi1>
    %jit3A_1205 = arith.constant 0.000000e+00 : f32
    %broadcast_in_dim3A_1206 = vector.broadcast %jit3A_1205 : f32 to vector<16xf32>
    %select_n3A_1207 = arith.select %and3A_1204, %gather3A_1089, %broadcast_in_dim3A_1206 : vector<16xi1>, vector<16xf32>
    %add3A_1208 = arith.addf %add3A_1081, %select_n3A_1207 : vector<16xf32>
    %broadcast_in_dim3A_1209 = arith.constant 9 : i32
    %broadcast_in_dim3A_1210 = vector.broadcast %broadcast_in_dim3A_1209 : i32 to vector<16xi32>
    %broadcast_in_dim3A_1211 = vector.shape_cast %broadcast_in_dim3A_1210 : vector<16xi32> to vector<16x1xi32>
    %gather3A_1212 = vector.shape_cast %broadcast_in_dim3A_1211 : vector<16x1xi32> to vector<16xi32>
    %gather3A_1213 = tpu.dynamic_gather %div3A[%gather3A_1212] in [0] : vector<16xf32>, vector<16xi32> -> vector<16xf32>
    %broadcast_in_dim3A_1214 = vector.shape_cast %broadcast_in_dim3A_1210 : vector<16xi32> to vector<16x1xi32>
    %gather3A_1215 = vector.shape_cast %broadcast_in_dim3A_1214 : vector<16x1xi32> to vector<16xi32>
    %gather3A_1216 = tpu.dynamic_gather %select_n3A[%gather3A_1215] in [0] : vector<16xf32>, vector<16xi32> -> vector<16xf32>
    %div3A_1217 = arith.constant 1.000000e+02 : f32
    %div3A_1218 = vector.broadcast %div3A_1217 : f32 to vector<16xf32>
    %div3A_1219 = arith.divf %convert_element_type3A, %div3A_1218 : vector<16xf32>
    %gt3A_1220 = arith.cmpf ogt, %gather3A_1213, %div3A_1219 : vector<16xf32>
    %add3A_1221 = arith.constant 0.00999999977 : f32
    %add3A_1222 = vector.broadcast %add3A_1221 : f32 to vector<16xf32>
    %add3A_1223 = arith.addf %convert_element_type3A, %add3A_1222 : vector<16xf32>
    %lt3A_1224 = arith.cmpf olt, %gather3A_1213, %add3A_1223 : vector<16xf32>
    %and3A_1225 = arith.andi %gt3A_1220, %lt3A_1224 : vector<16xi1>
    %lt3A_1226 = arith.constant 100 : i32
    %lt3A_1227 = vector.broadcast %lt3A_1226 : i32 to vector<16xi32>
    %lt3A_1228 = arith.cmpi slt, %add3A_45, %lt3A_1227 : vector<16xi32>
    %and3A_1229 = arith.andi %and3A_1225, %lt3A_1228 : vector<16xi1>
    %jit3A_1230 = arith.constant 0.000000e+00 : f32
    %broadcast_in_dim3A_1231 = vector.broadcast %jit3A_1230 : f32 to vector<16xf32>
    %select_n3A_1232 = arith.select %and3A_1229, %gather3A_1216, %broadcast_in_dim3A_1231 : vector<16xi1>, vector<16xf32>
    %add3A_1233 = arith.addf %add3A_1106, %select_n3A_1232 : vector<16xf32>
    %div3A_1234 = arith.constant 1.000000e+02 : f32
    %div3A_1235 = vector.broadcast %div3A_1234 : f32 to vector<16xf32>
    %div3A_1236 = arith.divf %convert_element_type3A_64, %div3A_1235 : vector<16xf32>
    %gt3A_1237 = arith.cmpf ogt, %gather3A_1213, %div3A_1236 : vector<16xf32>
    %add3A_1238 = arith.constant 0.00999999977 : f32
    %add3A_1239 = vector.broadcast %add3A_1238 : f32 to vector<16xf32>
    %add3A_1240 = arith.addf %convert_element_type3A_64, %add3A_1239 : vector<16xf32>
    %lt3A_1241 = arith.cmpf olt, %gather3A_1213, %add3A_1240 : vector<16xf32>
    %and3A_1242 = arith.andi %gt3A_1237, %lt3A_1241 : vector<16xi1>
    %lt3A_1243 = arith.constant 100 : i32
    %lt3A_1244 = vector.broadcast %lt3A_1243 : i32 to vector<16xi32>
    %lt3A_1245 = arith.cmpi slt, %add3A_48, %lt3A_1244 : vector<16xi32>
    %and3A_1246 = arith.andi %and3A_1242, %lt3A_1245 : vector<16xi1>
    %jit3A_1247 = arith.constant 0.000000e+00 : f32
    %broadcast_in_dim3A_1248 = vector.broadcast %jit3A_1247 : f32 to vector<16xf32>
    %select_n3A_1249 = arith.select %and3A_1246, %gather3A_1216, %broadcast_in_dim3A_1248 : vector<16xi1>, vector<16xf32>
    %add3A_1250 = arith.addf %add3A_1123, %select_n3A_1249 : vector<16xf32>
    %div3A_1251 = arith.constant 1.000000e+02 : f32
    %div3A_1252 = vector.broadcast %div3A_1251 : f32 to vector<16xf32>
    %div3A_1253 = arith.divf %convert_element_type3A_65, %div3A_1252 : vector<16xf32>
    %gt3A_1254 = arith.cmpf ogt, %gather3A_1213, %div3A_1253 : vector<16xf32>
    %add3A_1255 = arith.constant 0.00999999977 : f32
    %add3A_1256 = vector.broadcast %add3A_1255 : f32 to vector<16xf32>
    %add3A_1257 = arith.addf %convert_element_type3A_65, %add3A_1256 : vector<16xf32>
    %lt3A_1258 = arith.cmpf olt, %gather3A_1213, %add3A_1257 : vector<16xf32>
    %and3A_1259 = arith.andi %gt3A_1254, %lt3A_1258 : vector<16xi1>
    %lt3A_1260 = arith.constant 100 : i32
    %lt3A_1261 = vector.broadcast %lt3A_1260 : i32 to vector<16xi32>
    %lt3A_1262 = arith.cmpi slt, %add3A_51, %lt3A_1261 : vector<16xi32>
    %and3A_1263 = arith.andi %and3A_1259, %lt3A_1262 : vector<16xi1>
    %jit3A_1264 = arith.constant 0.000000e+00 : f32
    %broadcast_in_dim3A_1265 = vector.broadcast %jit3A_1264 : f32 to vector<16xf32>
    %select_n3A_1266 = arith.select %and3A_1263, %gather3A_1216, %broadcast_in_dim3A_1265 : vector<16xi1>, vector<16xf32>
    %add3A_1267 = arith.addf %add3A_1140, %select_n3A_1266 : vector<16xf32>
    %div3A_1268 = arith.constant 1.000000e+02 : f32
    %div3A_1269 = vector.broadcast %div3A_1268 : f32 to vector<16xf32>
    %div3A_1270 = arith.divf %convert_element_type3A_66, %div3A_1269 : vector<16xf32>
    %gt3A_1271 = arith.cmpf ogt, %gather3A_1213, %div3A_1270 : vector<16xf32>
    %add3A_1272 = arith.constant 0.00999999977 : f32
    %add3A_1273 = vector.broadcast %add3A_1272 : f32 to vector<16xf32>
    %add3A_1274 = arith.addf %convert_element_type3A_66, %add3A_1273 : vector<16xf32>
    %lt3A_1275 = arith.cmpf olt, %gather3A_1213, %add3A_1274 : vector<16xf32>
    %and3A_1276 = arith.andi %gt3A_1271, %lt3A_1275 : vector<16xi1>
    %lt3A_1277 = arith.constant 100 : i32
    %lt3A_1278 = vector.broadcast %lt3A_1277 : i32 to vector<16xi32>
    %lt3A_1279 = arith.cmpi slt, %add3A_54, %lt3A_1278 : vector<16xi32>
    %and3A_1280 = arith.andi %and3A_1276, %lt3A_1279 : vector<16xi1>
    %jit3A_1281 = arith.constant 0.000000e+00 : f32
    %broadcast_in_dim3A_1282 = vector.broadcast %jit3A_1281 : f32 to vector<16xf32>
    %select_n3A_1283 = arith.select %and3A_1280, %gather3A_1216, %broadcast_in_dim3A_1282 : vector<16xi1>, vector<16xf32>
    %add3A_1284 = arith.addf %add3A_1157, %select_n3A_1283 : vector<16xf32>
    %div3A_1285 = arith.constant 1.000000e+02 : f32
    %div3A_1286 = vector.broadcast %div3A_1285 : f32 to vector<16xf32>
    %div3A_1287 = arith.divf %convert_element_type3A_67, %div3A_1286 : vector<16xf32>
    %gt3A_1288 = arith.cmpf ogt, %gather3A_1213, %div3A_1287 : vector<16xf32>
    %add3A_1289 = arith.constant 0.00999999977 : f32
    %add3A_1290 = vector.broadcast %add3A_1289 : f32 to vector<16xf32>
    %add3A_1291 = arith.addf %convert_element_type3A_67, %add3A_1290 : vector<16xf32>
    %lt3A_1292 = arith.cmpf olt, %gather3A_1213, %add3A_1291 : vector<16xf32>
    %and3A_1293 = arith.andi %gt3A_1288, %lt3A_1292 : vector<16xi1>
    %lt3A_1294 = arith.constant 100 : i32
    %lt3A_1295 = vector.broadcast %lt3A_1294 : i32 to vector<16xi32>
    %lt3A_1296 = arith.cmpi slt, %add3A_57, %lt3A_1295 : vector<16xi32>
    %and3A_1297 = arith.andi %and3A_1293, %lt3A_1296 : vector<16xi1>
    %jit3A_1298 = arith.constant 0.000000e+00 : f32
    %broadcast_in_dim3A_1299 = vector.broadcast %jit3A_1298 : f32 to vector<16xf32>
    %select_n3A_1300 = arith.select %and3A_1297, %gather3A_1216, %broadcast_in_dim3A_1299 : vector<16xi1>, vector<16xf32>
    %add3A_1301 = arith.addf %add3A_1174, %select_n3A_1300 : vector<16xf32>
    %div3A_1302 = arith.constant 1.000000e+02 : f32
    %div3A_1303 = vector.broadcast %div3A_1302 : f32 to vector<16xf32>
    %div3A_1304 = arith.divf %convert_element_type3A_68, %div3A_1303 : vector<16xf32>
    %gt3A_1305 = arith.cmpf ogt, %gather3A_1213, %div3A_1304 : vector<16xf32>
    %add3A_1306 = arith.constant 0.00999999977 : f32
    %add3A_1307 = vector.broadcast %add3A_1306 : f32 to vector<16xf32>
    %add3A_1308 = arith.addf %convert_element_type3A_68, %add3A_1307 : vector<16xf32>
    %lt3A_1309 = arith.cmpf olt, %gather3A_1213, %add3A_1308 : vector<16xf32>
    %and3A_1310 = arith.andi %gt3A_1305, %lt3A_1309 : vector<16xi1>
    %lt3A_1311 = arith.constant 100 : i32
    %lt3A_1312 = vector.broadcast %lt3A_1311 : i32 to vector<16xi32>
    %lt3A_1313 = arith.cmpi slt, %add3A_60, %lt3A_1312 : vector<16xi32>
    %and3A_1314 = arith.andi %and3A_1310, %lt3A_1313 : vector<16xi1>
    %jit3A_1315 = arith.constant 0.000000e+00 : f32
    %broadcast_in_dim3A_1316 = vector.broadcast %jit3A_1315 : f32 to vector<16xf32>
    %select_n3A_1317 = arith.select %and3A_1314, %gather3A_1216, %broadcast_in_dim3A_1316 : vector<16xi1>, vector<16xf32>
    %add3A_1318 = arith.addf %add3A_1191, %select_n3A_1317 : vector<16xf32>
    %div3A_1319 = arith.constant 1.000000e+02 : f32
    %div3A_1320 = vector.broadcast %div3A_1319 : f32 to vector<16xf32>
    %div3A_1321 = arith.divf %convert_element_type3A_69, %div3A_1320 : vector<16xf32>
    %gt3A_1322 = arith.cmpf ogt, %gather3A_1213, %div3A_1321 : vector<16xf32>
    %add3A_1323 = arith.constant 0.00999999977 : f32
    %add3A_1324 = vector.broadcast %add3A_1323 : f32 to vector<16xf32>
    %add3A_1325 = arith.addf %convert_element_type3A_69, %add3A_1324 : vector<16xf32>
    %lt3A_1326 = arith.cmpf olt, %gather3A_1213, %add3A_1325 : vector<16xf32>
    %and3A_1327 = arith.andi %gt3A_1322, %lt3A_1326 : vector<16xi1>
    %lt3A_1328 = arith.constant 100 : i32
    %lt3A_1329 = vector.broadcast %lt3A_1328 : i32 to vector<16xi32>
    %lt3A_1330 = arith.cmpi slt, %add3A_63, %lt3A_1329 : vector<16xi32>
    %and3A_1331 = arith.andi %and3A_1327, %lt3A_1330 : vector<16xi1>
    %jit3A_1332 = arith.constant 0.000000e+00 : f32
    %broadcast_in_dim3A_1333 = vector.broadcast %jit3A_1332 : f32 to vector<16xf32>
    %select_n3A_1334 = arith.select %and3A_1331, %gather3A_1216, %broadcast_in_dim3A_1333 : vector<16xi1>, vector<16xf32>
    %add3A_1335 = arith.addf %add3A_1208, %select_n3A_1334 : vector<16xf32>
    %broadcast_in_dim3A_1336 = arith.constant 10 : i32
    %broadcast_in_dim3A_1337 = vector.broadcast %broadcast_in_dim3A_1336 : i32 to vector<16xi32>
    %broadcast_in_dim3A_1338 = vector.shape_cast %broadcast_in_dim3A_1337 : vector<16xi32> to vector<16x1xi32>
    %gather3A_1339 = vector.shape_cast %broadcast_in_dim3A_1338 : vector<16x1xi32> to vector<16xi32>
    %gather3A_1340 = tpu.dynamic_gather %div3A[%gather3A_1339] in [0] : vector<16xf32>, vector<16xi32> -> vector<16xf32>
    %broadcast_in_dim3A_1341 = vector.shape_cast %broadcast_in_dim3A_1337 : vector<16xi32> to vector<16x1xi32>
    %gather3A_1342 = vector.shape_cast %broadcast_in_dim3A_1341 : vector<16x1xi32> to vector<16xi32>
    %gather3A_1343 = tpu.dynamic_gather %select_n3A[%gather3A_1342] in [0] : vector<16xf32>, vector<16xi32> -> vector<16xf32>
    %div3A_1344 = arith.constant 1.000000e+02 : f32
    %div3A_1345 = vector.broadcast %div3A_1344 : f32 to vector<16xf32>
    %div3A_1346 = arith.divf %convert_element_type3A, %div3A_1345 : vector<16xf32>
    %gt3A_1347 = arith.cmpf ogt, %gather3A_1340, %div3A_1346 : vector<16xf32>
    %add3A_1348 = arith.constant 0.00999999977 : f32
    %add3A_1349 = vector.broadcast %add3A_1348 : f32 to vector<16xf32>
    %add3A_1350 = arith.addf %convert_element_type3A, %add3A_1349 : vector<16xf32>
    %lt3A_1351 = arith.cmpf olt, %gather3A_1340, %add3A_1350 : vector<16xf32>
    %and3A_1352 = arith.andi %gt3A_1347, %lt3A_1351 : vector<16xi1>
    %lt3A_1353 = arith.constant 100 : i32
    %lt3A_1354 = vector.broadcast %lt3A_1353 : i32 to vector<16xi32>
    %lt3A_1355 = arith.cmpi slt, %add3A_45, %lt3A_1354 : vector<16xi32>
    %and3A_1356 = arith.andi %and3A_1352, %lt3A_1355 : vector<16xi1>
    %jit3A_1357 = arith.constant 0.000000e+00 : f32
    %broadcast_in_dim3A_1358 = vector.broadcast %jit3A_1357 : f32 to vector<16xf32>
    %select_n3A_1359 = arith.select %and3A_1356, %gather3A_1343, %broadcast_in_dim3A_1358 : vector<16xi1>, vector<16xf32>
    %add3A_1360 = arith.addf %add3A_1233, %select_n3A_1359 : vector<16xf32>
    %div3A_1361 = arith.constant 1.000000e+02 : f32
    %div3A_1362 = vector.broadcast %div3A_1361 : f32 to vector<16xf32>
    %div3A_1363 = arith.divf %convert_element_type3A_64, %div3A_1362 : vector<16xf32>
    %gt3A_1364 = arith.cmpf ogt, %gather3A_1340, %div3A_1363 : vector<16xf32>
    %add3A_1365 = arith.constant 0.00999999977 : f32
    %add3A_1366 = vector.broadcast %add3A_1365 : f32 to vector<16xf32>
    %add3A_1367 = arith.addf %convert_element_type3A_64, %add3A_1366 : vector<16xf32>
    %lt3A_1368 = arith.cmpf olt, %gather3A_1340, %add3A_1367 : vector<16xf32>
    %and3A_1369 = arith.andi %gt3A_1364, %lt3A_1368 : vector<16xi1>
    %lt3A_1370 = arith.constant 100 : i32
    %lt3A_1371 = vector.broadcast %lt3A_1370 : i32 to vector<16xi32>
    %lt3A_1372 = arith.cmpi slt, %add3A_48, %lt3A_1371 : vector<16xi32>
    %and3A_1373 = arith.andi %and3A_1369, %lt3A_1372 : vector<16xi1>
    %jit3A_1374 = arith.constant 0.000000e+00 : f32
    %broadcast_in_dim3A_1375 = vector.broadcast %jit3A_1374 : f32 to vector<16xf32>
    %select_n3A_1376 = arith.select %and3A_1373, %gather3A_1343, %broadcast_in_dim3A_1375 : vector<16xi1>, vector<16xf32>
    %add3A_1377 = arith.addf %add3A_1250, %select_n3A_1376 : vector<16xf32>
    %div3A_1378 = arith.constant 1.000000e+02 : f32
    %div3A_1379 = vector.broadcast %div3A_1378 : f32 to vector<16xf32>
    %div3A_1380 = arith.divf %convert_element_type3A_65, %div3A_1379 : vector<16xf32>
    %gt3A_1381 = arith.cmpf ogt, %gather3A_1340, %div3A_1380 : vector<16xf32>
    %add3A_1382 = arith.constant 0.00999999977 : f32
    %add3A_1383 = vector.broadcast %add3A_1382 : f32 to vector<16xf32>
    %add3A_1384 = arith.addf %convert_element_type3A_65, %add3A_1383 : vector<16xf32>
    %lt3A_1385 = arith.cmpf olt, %gather3A_1340, %add3A_1384 : vector<16xf32>
    %and3A_1386 = arith.andi %gt3A_1381, %lt3A_1385 : vector<16xi1>
    %lt3A_1387 = arith.constant 100 : i32
    %lt3A_1388 = vector.broadcast %lt3A_1387 : i32 to vector<16xi32>
    %lt3A_1389 = arith.cmpi slt, %add3A_51, %lt3A_1388 : vector<16xi32>
    %and3A_1390 = arith.andi %and3A_1386, %lt3A_1389 : vector<16xi1>
    %jit3A_1391 = arith.constant 0.000000e+00 : f32
    %broadcast_in_dim3A_1392 = vector.broadcast %jit3A_1391 : f32 to vector<16xf32>
    %select_n3A_1393 = arith.select %and3A_1390, %gather3A_1343, %broadcast_in_dim3A_1392 : vector<16xi1>, vector<16xf32>
    %add3A_1394 = arith.addf %add3A_1267, %select_n3A_1393 : vector<16xf32>
    %div3A_1395 = arith.constant 1.000000e+02 : f32
    %div3A_1396 = vector.broadcast %div3A_1395 : f32 to vector<16xf32>
    %div3A_1397 = arith.divf %convert_element_type3A_66, %div3A_1396 : vector<16xf32>
    %gt3A_1398 = arith.cmpf ogt, %gather3A_1340, %div3A_1397 : vector<16xf32>
    %add3A_1399 = arith.constant 0.00999999977 : f32
    %add3A_1400 = vector.broadcast %add3A_1399 : f32 to vector<16xf32>
    %add3A_1401 = arith.addf %convert_element_type3A_66, %add3A_1400 : vector<16xf32>
    %lt3A_1402 = arith.cmpf olt, %gather3A_1340, %add3A_1401 : vector<16xf32>
    %and3A_1403 = arith.andi %gt3A_1398, %lt3A_1402 : vector<16xi1>
    %lt3A_1404 = arith.constant 100 : i32
    %lt3A_1405 = vector.broadcast %lt3A_1404 : i32 to vector<16xi32>
    %lt3A_1406 = arith.cmpi slt, %add3A_54, %lt3A_1405 : vector<16xi32>
    %and3A_1407 = arith.andi %and3A_1403, %lt3A_1406 : vector<16xi1>
    %jit3A_1408 = arith.constant 0.000000e+00 : f32
    %broadcast_in_dim3A_1409 = vector.broadcast %jit3A_1408 : f32 to vector<16xf32>
    %select_n3A_1410 = arith.select %and3A_1407, %gather3A_1343, %broadcast_in_dim3A_1409 : vector<16xi1>, vector<16xf32>
    %add3A_1411 = arith.addf %add3A_1284, %select_n3A_1410 : vector<16xf32>
    %div3A_1412 = arith.constant 1.000000e+02 : f32
    %div3A_1413 = vector.broadcast %div3A_1412 : f32 to vector<16xf32>
    %div3A_1414 = arith.divf %convert_element_type3A_67, %div3A_1413 : vector<16xf32>
    %gt3A_1415 = arith.cmpf ogt, %gather3A_1340, %div3A_1414 : vector<16xf32>
    %add3A_1416 = arith.constant 0.00999999977 : f32
    %add3A_1417 = vector.broadcast %add3A_1416 : f32 to vector<16xf32>
    %add3A_1418 = arith.addf %convert_element_type3A_67, %add3A_1417 : vector<16xf32>
    %lt3A_1419 = arith.cmpf olt, %gather3A_1340, %add3A_1418 : vector<16xf32>
    %and3A_1420 = arith.andi %gt3A_1415, %lt3A_1419 : vector<16xi1>
    %lt3A_1421 = arith.constant 100 : i32
    %lt3A_1422 = vector.broadcast %lt3A_1421 : i32 to vector<16xi32>
    %lt3A_1423 = arith.cmpi slt, %add3A_57, %lt3A_1422 : vector<16xi32>
    %and3A_1424 = arith.andi %and3A_1420, %lt3A_1423 : vector<16xi1>
    %jit3A_1425 = arith.constant 0.000000e+00 : f32
    %broadcast_in_dim3A_1426 = vector.broadcast %jit3A_1425 : f32 to vector<16xf32>
    %select_n3A_1427 = arith.select %and3A_1424, %gather3A_1343, %broadcast_in_dim3A_1426 : vector<16xi1>, vector<16xf32>
    %add3A_1428 = arith.addf %add3A_1301, %select_n3A_1427 : vector<16xf32>
    %div3A_1429 = arith.constant 1.000000e+02 : f32
    %div3A_1430 = vector.broadcast %div3A_1429 : f32 to vector<16xf32>
    %div3A_1431 = arith.divf %convert_element_type3A_68, %div3A_1430 : vector<16xf32>
    %gt3A_1432 = arith.cmpf ogt, %gather3A_1340, %div3A_1431 : vector<16xf32>
    %add3A_1433 = arith.constant 0.00999999977 : f32
    %add3A_1434 = vector.broadcast %add3A_1433 : f32 to vector<16xf32>
    %add3A_1435 = arith.addf %convert_element_type3A_68, %add3A_1434 : vector<16xf32>
    %lt3A_1436 = arith.cmpf olt, %gather3A_1340, %add3A_1435 : vector<16xf32>
    %and3A_1437 = arith.andi %gt3A_1432, %lt3A_1436 : vector<16xi1>
    %lt3A_1438 = arith.constant 100 : i32
    %lt3A_1439 = vector.broadcast %lt3A_1438 : i32 to vector<16xi32>
    %lt3A_1440 = arith.cmpi slt, %add3A_60, %lt3A_1439 : vector<16xi32>
    %and3A_1441 = arith.andi %and3A_1437, %lt3A_1440 : vector<16xi1>
    %jit3A_1442 = arith.constant 0.000000e+00 : f32
    %broadcast_in_dim3A_1443 = vector.broadcast %jit3A_1442 : f32 to vector<16xf32>
    %select_n3A_1444 = arith.select %and3A_1441, %gather3A_1343, %broadcast_in_dim3A_1443 : vector<16xi1>, vector<16xf32>
    %add3A_1445 = arith.addf %add3A_1318, %select_n3A_1444 : vector<16xf32>
    %div3A_1446 = arith.constant 1.000000e+02 : f32
    %div3A_1447 = vector.broadcast %div3A_1446 : f32 to vector<16xf32>
    %div3A_1448 = arith.divf %convert_element_type3A_69, %div3A_1447 : vector<16xf32>
    %gt3A_1449 = arith.cmpf ogt, %gather3A_1340, %div3A_1448 : vector<16xf32>
    %add3A_1450 = arith.constant 0.00999999977 : f32
    %add3A_1451 = vector.broadcast %add3A_1450 : f32 to vector<16xf32>
    %add3A_1452 = arith.addf %convert_element_type3A_69, %add3A_1451 : vector<16xf32>
    %lt3A_1453 = arith.cmpf olt, %gather3A_1340, %add3A_1452 : vector<16xf32>
    %and3A_1454 = arith.andi %gt3A_1449, %lt3A_1453 : vector<16xi1>
    %lt3A_1455 = arith.constant 100 : i32
    %lt3A_1456 = vector.broadcast %lt3A_1455 : i32 to vector<16xi32>
    %lt3A_1457 = arith.cmpi slt, %add3A_63, %lt3A_1456 : vector<16xi32>
    %and3A_1458 = arith.andi %and3A_1454, %lt3A_1457 : vector<16xi1>
    %jit3A_1459 = arith.constant 0.000000e+00 : f32
    %broadcast_in_dim3A_1460 = vector.broadcast %jit3A_1459 : f32 to vector<16xf32>
    %select_n3A_1461 = arith.select %and3A_1458, %gather3A_1343, %broadcast_in_dim3A_1460 : vector<16xi1>, vector<16xf32>
    %add3A_1462 = arith.addf %add3A_1335, %select_n3A_1461 : vector<16xf32>
    %broadcast_in_dim3A_1463 = arith.constant 11 : i32
    %broadcast_in_dim3A_1464 = vector.broadcast %broadcast_in_dim3A_1463 : i32 to vector<16xi32>
    %broadcast_in_dim3A_1465 = vector.shape_cast %broadcast_in_dim3A_1464 : vector<16xi32> to vector<16x1xi32>
    %gather3A_1466 = vector.shape_cast %broadcast_in_dim3A_1465 : vector<16x1xi32> to vector<16xi32>
    %gather3A_1467 = tpu.dynamic_gather %div3A[%gather3A_1466] in [0] : vector<16xf32>, vector<16xi32> -> vector<16xf32>
    %broadcast_in_dim3A_1468 = vector.shape_cast %broadcast_in_dim3A_1464 : vector<16xi32> to vector<16x1xi32>
    %gather3A_1469 = vector.shape_cast %broadcast_in_dim3A_1468 : vector<16x1xi32> to vector<16xi32>
    %gather3A_1470 = tpu.dynamic_gather %select_n3A[%gather3A_1469] in [0] : vector<16xf32>, vector<16xi32> -> vector<16xf32>
    %div3A_1471 = arith.constant 1.000000e+02 : f32
    %div3A_1472 = vector.broadcast %div3A_1471 : f32 to vector<16xf32>
    %div3A_1473 = arith.divf %convert_element_type3A, %div3A_1472 : vector<16xf32>
    %gt3A_1474 = arith.cmpf ogt, %gather3A_1467, %div3A_1473 : vector<16xf32>
    %add3A_1475 = arith.constant 0.00999999977 : f32
    %add3A_1476 = vector.broadcast %add3A_1475 : f32 to vector<16xf32>
    %add3A_1477 = arith.addf %convert_element_type3A, %add3A_1476 : vector<16xf32>
    %lt3A_1478 = arith.cmpf olt, %gather3A_1467, %add3A_1477 : vector<16xf32>
    %and3A_1479 = arith.andi %gt3A_1474, %lt3A_1478 : vector<16xi1>
    %lt3A_1480 = arith.constant 100 : i32
    %lt3A_1481 = vector.broadcast %lt3A_1480 : i32 to vector<16xi32>
    %lt3A_1482 = arith.cmpi slt, %add3A_45, %lt3A_1481 : vector<16xi32>
    %and3A_1483 = arith.andi %and3A_1479, %lt3A_1482 : vector<16xi1>
    %jit3A_1484 = arith.constant 0.000000e+00 : f32
    %broadcast_in_dim3A_1485 = vector.broadcast %jit3A_1484 : f32 to vector<16xf32>
    %select_n3A_1486 = arith.select %and3A_1483, %gather3A_1470, %broadcast_in_dim3A_1485 : vector<16xi1>, vector<16xf32>
    %add3A_1487 = arith.addf %add3A_1360, %select_n3A_1486 : vector<16xf32>
    %div3A_1488 = arith.constant 1.000000e+02 : f32
    %div3A_1489 = vector.broadcast %div3A_1488 : f32 to vector<16xf32>
    %div3A_1490 = arith.divf %convert_element_type3A_64, %div3A_1489 : vector<16xf32>
    %gt3A_1491 = arith.cmpf ogt, %gather3A_1467, %div3A_1490 : vector<16xf32>
    %add3A_1492 = arith.constant 0.00999999977 : f32
    %add3A_1493 = vector.broadcast %add3A_1492 : f32 to vector<16xf32>
    %add3A_1494 = arith.addf %convert_element_type3A_64, %add3A_1493 : vector<16xf32>
    %lt3A_1495 = arith.cmpf olt, %gather3A_1467, %add3A_1494 : vector<16xf32>
    %and3A_1496 = arith.andi %gt3A_1491, %lt3A_1495 : vector<16xi1>
    %lt3A_1497 = arith.constant 100 : i32
    %lt3A_1498 = vector.broadcast %lt3A_1497 : i32 to vector<16xi32>
    %lt3A_1499 = arith.cmpi slt, %add3A_48, %lt3A_1498 : vector<16xi32>
    %and3A_1500 = arith.andi %and3A_1496, %lt3A_1499 : vector<16xi1>
    %jit3A_1501 = arith.constant 0.000000e+00 : f32
    %broadcast_in_dim3A_1502 = vector.broadcast %jit3A_1501 : f32 to vector<16xf32>
    %select_n3A_1503 = arith.select %and3A_1500, %gather3A_1470, %broadcast_in_dim3A_1502 : vector<16xi1>, vector<16xf32>
    %add3A_1504 = arith.addf %add3A_1377, %select_n3A_1503 : vector<16xf32>
    %div3A_1505 = arith.constant 1.000000e+02 : f32
    %div3A_1506 = vector.broadcast %div3A_1505 : f32 to vector<16xf32>
    %div3A_1507 = arith.divf %convert_element_type3A_65, %div3A_1506 : vector<16xf32>
    %gt3A_1508 = arith.cmpf ogt, %gather3A_1467, %div3A_1507 : vector<16xf32>
    %add3A_1509 = arith.constant 0.00999999977 : f32
    %add3A_1510 = vector.broadcast %add3A_1509 : f32 to vector<16xf32>
    %add3A_1511 = arith.addf %convert_element_type3A_65, %add3A_1510 : vector<16xf32>
    %lt3A_1512 = arith.cmpf olt, %gather3A_1467, %add3A_1511 : vector<16xf32>
    %and3A_1513 = arith.andi %gt3A_1508, %lt3A_1512 : vector<16xi1>
    %lt3A_1514 = arith.constant 100 : i32
    %lt3A_1515 = vector.broadcast %lt3A_1514 : i32 to vector<16xi32>
    %lt3A_1516 = arith.cmpi slt, %add3A_51, %lt3A_1515 : vector<16xi32>
    %and3A_1517 = arith.andi %and3A_1513, %lt3A_1516 : vector<16xi1>
    %jit3A_1518 = arith.constant 0.000000e+00 : f32
    %broadcast_in_dim3A_1519 = vector.broadcast %jit3A_1518 : f32 to vector<16xf32>
    %select_n3A_1520 = arith.select %and3A_1517, %gather3A_1470, %broadcast_in_dim3A_1519 : vector<16xi1>, vector<16xf32>
    %add3A_1521 = arith.addf %add3A_1394, %select_n3A_1520 : vector<16xf32>
    %div3A_1522 = arith.constant 1.000000e+02 : f32
    %div3A_1523 = vector.broadcast %div3A_1522 : f32 to vector<16xf32>
    %div3A_1524 = arith.divf %convert_element_type3A_66, %div3A_1523 : vector<16xf32>
    %gt3A_1525 = arith.cmpf ogt, %gather3A_1467, %div3A_1524 : vector<16xf32>
    %add3A_1526 = arith.constant 0.00999999977 : f32
    %add3A_1527 = vector.broadcast %add3A_1526 : f32 to vector<16xf32>
    %add3A_1528 = arith.addf %convert_element_type3A_66, %add3A_1527 : vector<16xf32>
    %lt3A_1529 = arith.cmpf olt, %gather3A_1467, %add3A_1528 : vector<16xf32>
    %and3A_1530 = arith.andi %gt3A_1525, %lt3A_1529 : vector<16xi1>
    %lt3A_1531 = arith.constant 100 : i32
    %lt3A_1532 = vector.broadcast %lt3A_1531 : i32 to vector<16xi32>
    %lt3A_1533 = arith.cmpi slt, %add3A_54, %lt3A_1532 : vector<16xi32>
    %and3A_1534 = arith.andi %and3A_1530, %lt3A_1533 : vector<16xi1>
    %jit3A_1535 = arith.constant 0.000000e+00 : f32
    %broadcast_in_dim3A_1536 = vector.broadcast %jit3A_1535 : f32 to vector<16xf32>
    %select_n3A_1537 = arith.select %and3A_1534, %gather3A_1470, %broadcast_in_dim3A_1536 : vector<16xi1>, vector<16xf32>
    %add3A_1538 = arith.addf %add3A_1411, %select_n3A_1537 : vector<16xf32>
    %div3A_1539 = arith.constant 1.000000e+02 : f32
    %div3A_1540 = vector.broadcast %div3A_1539 : f32 to vector<16xf32>
    %div3A_1541 = arith.divf %convert_element_type3A_67, %div3A_1540 : vector<16xf32>
    %gt3A_1542 = arith.cmpf ogt, %gather3A_1467, %div3A_1541 : vector<16xf32>
    %add3A_1543 = arith.constant 0.00999999977 : f32
    %add3A_1544 = vector.broadcast %add3A_1543 : f32 to vector<16xf32>
    %add3A_1545 = arith.addf %convert_element_type3A_67, %add3A_1544 : vector<16xf32>
    %lt3A_1546 = arith.cmpf olt, %gather3A_1467, %add3A_1545 : vector<16xf32>
    %and3A_1547 = arith.andi %gt3A_1542, %lt3A_1546 : vector<16xi1>
    %lt3A_1548 = arith.constant 100 : i32
    %lt3A_1549 = vector.broadcast %lt3A_1548 : i32 to vector<16xi32>
    %lt3A_1550 = arith.cmpi slt, %add3A_57, %lt3A_1549 : vector<16xi32>
    %and3A_1551 = arith.andi %and3A_1547, %lt3A_1550 : vector<16xi1>
    %jit3A_1552 = arith.constant 0.000000e+00 : f32
    %broadcast_in_dim3A_1553 = vector.broadcast %jit3A_1552 : f32 to vector<16xf32>
    %select_n3A_1554 = arith.select %and3A_1551, %gather3A_1470, %broadcast_in_dim3A_1553 : vector<16xi1>, vector<16xf32>
    %add3A_1555 = arith.addf %add3A_1428, %select_n3A_1554 : vector<16xf32>
    %div3A_1556 = arith.constant 1.000000e+02 : f32
    %div3A_1557 = vector.broadcast %div3A_1556 : f32 to vector<16xf32>
    %div3A_1558 = arith.divf %convert_element_type3A_68, %div3A_1557 : vector<16xf32>
    %gt3A_1559 = arith.cmpf ogt, %gather3A_1467, %div3A_1558 : vector<16xf32>
    %add3A_1560 = arith.constant 0.00999999977 : f32
    %add3A_1561 = vector.broadcast %add3A_1560 : f32 to vector<16xf32>
    %add3A_1562 = arith.addf %convert_element_type3A_68, %add3A_1561 : vector<16xf32>
    %lt3A_1563 = arith.cmpf olt, %gather3A_1467, %add3A_1562 : vector<16xf32>
    %and3A_1564 = arith.andi %gt3A_1559, %lt3A_1563 : vector<16xi1>
    %lt3A_1565 = arith.constant 100 : i32
    %lt3A_1566 = vector.broadcast %lt3A_1565 : i32 to vector<16xi32>
    %lt3A_1567 = arith.cmpi slt, %add3A_60, %lt3A_1566 : vector<16xi32>
    %and3A_1568 = arith.andi %and3A_1564, %lt3A_1567 : vector<16xi1>
    %jit3A_1569 = arith.constant 0.000000e+00 : f32
    %broadcast_in_dim3A_1570 = vector.broadcast %jit3A_1569 : f32 to vector<16xf32>
    %select_n3A_1571 = arith.select %and3A_1568, %gather3A_1470, %broadcast_in_dim3A_1570 : vector<16xi1>, vector<16xf32>
    %add3A_1572 = arith.addf %add3A_1445, %select_n3A_1571 : vector<16xf32>
    %div3A_1573 = arith.constant 1.000000e+02 : f32
    %div3A_1574 = vector.broadcast %div3A_1573 : f32 to vector<16xf32>
    %div3A_1575 = arith.divf %convert_element_type3A_69, %div3A_1574 : vector<16xf32>
    %gt3A_1576 = arith.cmpf ogt, %gather3A_1467, %div3A_1575 : vector<16xf32>
    %add3A_1577 = arith.constant 0.00999999977 : f32
    %add3A_1578 = vector.broadcast %add3A_1577 : f32 to vector<16xf32>
    %add3A_1579 = arith.addf %convert_element_type3A_69, %add3A_1578 : vector<16xf32>
    %lt3A_1580 = arith.cmpf olt, %gather3A_1467, %add3A_1579 : vector<16xf32>
    %and3A_1581 = arith.andi %gt3A_1576, %lt3A_1580 : vector<16xi1>
    %lt3A_1582 = arith.constant 100 : i32
    %lt3A_1583 = vector.broadcast %lt3A_1582 : i32 to vector<16xi32>
    %lt3A_1584 = arith.cmpi slt, %add3A_63, %lt3A_1583 : vector<16xi32>
    %and3A_1585 = arith.andi %and3A_1581, %lt3A_1584 : vector<16xi1>
    %jit3A_1586 = arith.constant 0.000000e+00 : f32
    %broadcast_in_dim3A_1587 = vector.broadcast %jit3A_1586 : f32 to vector<16xf32>
    %select_n3A_1588 = arith.select %and3A_1585, %gather3A_1470, %broadcast_in_dim3A_1587 : vector<16xi1>, vector<16xf32>
    %add3A_1589 = arith.addf %add3A_1462, %select_n3A_1588 : vector<16xf32>
    %broadcast_in_dim3A_1590 = arith.constant 12 : i32
    %broadcast_in_dim3A_1591 = vector.broadcast %broadcast_in_dim3A_1590 : i32 to vector<16xi32>
    %broadcast_in_dim3A_1592 = vector.shape_cast %broadcast_in_dim3A_1591 : vector<16xi32> to vector<16x1xi32>
    %gather3A_1593 = vector.shape_cast %broadcast_in_dim3A_1592 : vector<16x1xi32> to vector<16xi32>
    %gather3A_1594 = tpu.dynamic_gather %div3A[%gather3A_1593] in [0] : vector<16xf32>, vector<16xi32> -> vector<16xf32>
    %broadcast_in_dim3A_1595 = vector.shape_cast %broadcast_in_dim3A_1591 : vector<16xi32> to vector<16x1xi32>
    %gather3A_1596 = vector.shape_cast %broadcast_in_dim3A_1595 : vector<16x1xi32> to vector<16xi32>
    %gather3A_1597 = tpu.dynamic_gather %select_n3A[%gather3A_1596] in [0] : vector<16xf32>, vector<16xi32> -> vector<16xf32>
    %div3A_1598 = arith.constant 1.000000e+02 : f32
    %div3A_1599 = vector.broadcast %div3A_1598 : f32 to vector<16xf32>
    %div3A_1600 = arith.divf %convert_element_type3A, %div3A_1599 : vector<16xf32>
    %gt3A_1601 = arith.cmpf ogt, %gather3A_1594, %div3A_1600 : vector<16xf32>
    %add3A_1602 = arith.constant 0.00999999977 : f32
    %add3A_1603 = vector.broadcast %add3A_1602 : f32 to vector<16xf32>
    %add3A_1604 = arith.addf %convert_element_type3A, %add3A_1603 : vector<16xf32>
    %lt3A_1605 = arith.cmpf olt, %gather3A_1594, %add3A_1604 : vector<16xf32>
    %and3A_1606 = arith.andi %gt3A_1601, %lt3A_1605 : vector<16xi1>
    %lt3A_1607 = arith.constant 100 : i32
    %lt3A_1608 = vector.broadcast %lt3A_1607 : i32 to vector<16xi32>
    %lt3A_1609 = arith.cmpi slt, %add3A_45, %lt3A_1608 : vector<16xi32>
    %and3A_1610 = arith.andi %and3A_1606, %lt3A_1609 : vector<16xi1>
    %jit3A_1611 = arith.constant 0.000000e+00 : f32
    %broadcast_in_dim3A_1612 = vector.broadcast %jit3A_1611 : f32 to vector<16xf32>
    %select_n3A_1613 = arith.select %and3A_1610, %gather3A_1597, %broadcast_in_dim3A_1612 : vector<16xi1>, vector<16xf32>
    %add3A_1614 = arith.addf %add3A_1487, %select_n3A_1613 : vector<16xf32>
    %div3A_1615 = arith.constant 1.000000e+02 : f32
    %div3A_1616 = vector.broadcast %div3A_1615 : f32 to vector<16xf32>
    %div3A_1617 = arith.divf %convert_element_type3A_64, %div3A_1616 : vector<16xf32>
    %gt3A_1618 = arith.cmpf ogt, %gather3A_1594, %div3A_1617 : vector<16xf32>
    %add3A_1619 = arith.constant 0.00999999977 : f32
    %add3A_1620 = vector.broadcast %add3A_1619 : f32 to vector<16xf32>
    %add3A_1621 = arith.addf %convert_element_type3A_64, %add3A_1620 : vector<16xf32>
    %lt3A_1622 = arith.cmpf olt, %gather3A_1594, %add3A_1621 : vector<16xf32>
    %and3A_1623 = arith.andi %gt3A_1618, %lt3A_1622 : vector<16xi1>
    %lt3A_1624 = arith.constant 100 : i32
    %lt3A_1625 = vector.broadcast %lt3A_1624 : i32 to vector<16xi32>
    %lt3A_1626 = arith.cmpi slt, %add3A_48, %lt3A_1625 : vector<16xi32>
    %and3A_1627 = arith.andi %and3A_1623, %lt3A_1626 : vector<16xi1>
    %jit3A_1628 = arith.constant 0.000000e+00 : f32
    %broadcast_in_dim3A_1629 = vector.broadcast %jit3A_1628 : f32 to vector<16xf32>
    %select_n3A_1630 = arith.select %and3A_1627, %gather3A_1597, %broadcast_in_dim3A_1629 : vector<16xi1>, vector<16xf32>
    %add3A_1631 = arith.addf %add3A_1504, %select_n3A_1630 : vector<16xf32>
    %div3A_1632 = arith.constant 1.000000e+02 : f32
    %div3A_1633 = vector.broadcast %div3A_1632 : f32 to vector<16xf32>
    %div3A_1634 = arith.divf %convert_element_type3A_65, %div3A_1633 : vector<16xf32>
    %gt3A_1635 = arith.cmpf ogt, %gather3A_1594, %div3A_1634 : vector<16xf32>
    %add3A_1636 = arith.constant 0.00999999977 : f32
    %add3A_1637 = vector.broadcast %add3A_1636 : f32 to vector<16xf32>
    %add3A_1638 = arith.addf %convert_element_type3A_65, %add3A_1637 : vector<16xf32>
    %lt3A_1639 = arith.cmpf olt, %gather3A_1594, %add3A_1638 : vector<16xf32>
    %and3A_1640 = arith.andi %gt3A_1635, %lt3A_1639 : vector<16xi1>
    %lt3A_1641 = arith.constant 100 : i32
    %lt3A_1642 = vector.broadcast %lt3A_1641 : i32 to vector<16xi32>
    %lt3A_1643 = arith.cmpi slt, %add3A_51, %lt3A_1642 : vector<16xi32>
    %and3A_1644 = arith.andi %and3A_1640, %lt3A_1643 : vector<16xi1>
    %jit3A_1645 = arith.constant 0.000000e+00 : f32
    %broadcast_in_dim3A_1646 = vector.broadcast %jit3A_1645 : f32 to vector<16xf32>
    %select_n3A_1647 = arith.select %and3A_1644, %gather3A_1597, %broadcast_in_dim3A_1646 : vector<16xi1>, vector<16xf32>
    %add3A_1648 = arith.addf %add3A_1521, %select_n3A_1647 : vector<16xf32>
    %div3A_1649 = arith.constant 1.000000e+02 : f32
    %div3A_1650 = vector.broadcast %div3A_1649 : f32 to vector<16xf32>
    %div3A_1651 = arith.divf %convert_element_type3A_66, %div3A_1650 : vector<16xf32>
    %gt3A_1652 = arith.cmpf ogt, %gather3A_1594, %div3A_1651 : vector<16xf32>
    %add3A_1653 = arith.constant 0.00999999977 : f32
    %add3A_1654 = vector.broadcast %add3A_1653 : f32 to vector<16xf32>
    %add3A_1655 = arith.addf %convert_element_type3A_66, %add3A_1654 : vector<16xf32>
    %lt3A_1656 = arith.cmpf olt, %gather3A_1594, %add3A_1655 : vector<16xf32>
    %and3A_1657 = arith.andi %gt3A_1652, %lt3A_1656 : vector<16xi1>
    %lt3A_1658 = arith.constant 100 : i32
    %lt3A_1659 = vector.broadcast %lt3A_1658 : i32 to vector<16xi32>
    %lt3A_1660 = arith.cmpi slt, %add3A_54, %lt3A_1659 : vector<16xi32>
    %and3A_1661 = arith.andi %and3A_1657, %lt3A_1660 : vector<16xi1>
    %jit3A_1662 = arith.constant 0.000000e+00 : f32
    %broadcast_in_dim3A_1663 = vector.broadcast %jit3A_1662 : f32 to vector<16xf32>
    %select_n3A_1664 = arith.select %and3A_1661, %gather3A_1597, %broadcast_in_dim3A_1663 : vector<16xi1>, vector<16xf32>
    %add3A_1665 = arith.addf %add3A_1538, %select_n3A_1664 : vector<16xf32>
    %div3A_1666 = arith.constant 1.000000e+02 : f32
    %div3A_1667 = vector.broadcast %div3A_1666 : f32 to vector<16xf32>
    %div3A_1668 = arith.divf %convert_element_type3A_67, %div3A_1667 : vector<16xf32>
    %gt3A_1669 = arith.cmpf ogt, %gather3A_1594, %div3A_1668 : vector<16xf32>
    %add3A_1670 = arith.constant 0.00999999977 : f32
    %add3A_1671 = vector.broadcast %add3A_1670 : f32 to vector<16xf32>
    %add3A_1672 = arith.addf %convert_element_type3A_67, %add3A_1671 : vector<16xf32>
    %lt3A_1673 = arith.cmpf olt, %gather3A_1594, %add3A_1672 : vector<16xf32>
    %and3A_1674 = arith.andi %gt3A_1669, %lt3A_1673 : vector<16xi1>
    %lt3A_1675 = arith.constant 100 : i32
    %lt3A_1676 = vector.broadcast %lt3A_1675 : i32 to vector<16xi32>
    %lt3A_1677 = arith.cmpi slt, %add3A_57, %lt3A_1676 : vector<16xi32>
    %and3A_1678 = arith.andi %and3A_1674, %lt3A_1677 : vector<16xi1>
    %jit3A_1679 = arith.constant 0.000000e+00 : f32
    %broadcast_in_dim3A_1680 = vector.broadcast %jit3A_1679 : f32 to vector<16xf32>
    %select_n3A_1681 = arith.select %and3A_1678, %gather3A_1597, %broadcast_in_dim3A_1680 : vector<16xi1>, vector<16xf32>
    %add3A_1682 = arith.addf %add3A_1555, %select_n3A_1681 : vector<16xf32>
    %div3A_1683 = arith.constant 1.000000e+02 : f32
    %div3A_1684 = vector.broadcast %div3A_1683 : f32 to vector<16xf32>
    %div3A_1685 = arith.divf %convert_element_type3A_68, %div3A_1684 : vector<16xf32>
    %gt3A_1686 = arith.cmpf ogt, %gather3A_1594, %div3A_1685 : vector<16xf32>
    %add3A_1687 = arith.constant 0.00999999977 : f32
    %add3A_1688 = vector.broadcast %add3A_1687 : f32 to vector<16xf32>
    %add3A_1689 = arith.addf %convert_element_type3A_68, %add3A_1688 : vector<16xf32>
    %lt3A_1690 = arith.cmpf olt, %gather3A_1594, %add3A_1689 : vector<16xf32>
    %and3A_1691 = arith.andi %gt3A_1686, %lt3A_1690 : vector<16xi1>
    %lt3A_1692 = arith.constant 100 : i32
    %lt3A_1693 = vector.broadcast %lt3A_1692 : i32 to vector<16xi32>
    %lt3A_1694 = arith.cmpi slt, %add3A_60, %lt3A_1693 : vector<16xi32>
    %and3A_1695 = arith.andi %and3A_1691, %lt3A_1694 : vector<16xi1>
    %jit3A_1696 = arith.constant 0.000000e+00 : f32
    %broadcast_in_dim3A_1697 = vector.broadcast %jit3A_1696 : f32 to vector<16xf32>
    %select_n3A_1698 = arith.select %and3A_1695, %gather3A_1597, %broadcast_in_dim3A_1697 : vector<16xi1>, vector<16xf32>
    %add3A_1699 = arith.addf %add3A_1572, %select_n3A_1698 : vector<16xf32>
    %div3A_1700 = arith.constant 1.000000e+02 : f32
    %div3A_1701 = vector.broadcast %div3A_1700 : f32 to vector<16xf32>
    %div3A_1702 = arith.divf %convert_element_type3A_69, %div3A_1701 : vector<16xf32>
    %gt3A_1703 = arith.cmpf ogt, %gather3A_1594, %div3A_1702 : vector<16xf32>
    %add3A_1704 = arith.constant 0.00999999977 : f32
    %add3A_1705 = vector.broadcast %add3A_1704 : f32 to vector<16xf32>
    %add3A_1706 = arith.addf %convert_element_type3A_69, %add3A_1705 : vector<16xf32>
    %lt3A_1707 = arith.cmpf olt, %gather3A_1594, %add3A_1706 : vector<16xf32>
    %and3A_1708 = arith.andi %gt3A_1703, %lt3A_1707 : vector<16xi1>
    %lt3A_1709 = arith.constant 100 : i32
    %lt3A_1710 = vector.broadcast %lt3A_1709 : i32 to vector<16xi32>
    %lt3A_1711 = arith.cmpi slt, %add3A_63, %lt3A_1710 : vector<16xi32>
    %and3A_1712 = arith.andi %and3A_1708, %lt3A_1711 : vector<16xi1>
    %jit3A_1713 = arith.constant 0.000000e+00 : f32
    %broadcast_in_dim3A_1714 = vector.broadcast %jit3A_1713 : f32 to vector<16xf32>
    %select_n3A_1715 = arith.select %and3A_1712, %gather3A_1597, %broadcast_in_dim3A_1714 : vector<16xi1>, vector<16xf32>
    %add3A_1716 = arith.addf %add3A_1589, %select_n3A_1715 : vector<16xf32>
    %broadcast_in_dim3A_1717 = arith.constant 13 : i32
    %broadcast_in_dim3A_1718 = vector.broadcast %broadcast_in_dim3A_1717 : i32 to vector<16xi32>
    %broadcast_in_dim3A_1719 = vector.shape_cast %broadcast_in_dim3A_1718 : vector<16xi32> to vector<16x1xi32>
    %gather3A_1720 = vector.shape_cast %broadcast_in_dim3A_1719 : vector<16x1xi32> to vector<16xi32>
    %gather3A_1721 = tpu.dynamic_gather %div3A[%gather3A_1720] in [0] : vector<16xf32>, vector<16xi32> -> vector<16xf32>
    %broadcast_in_dim3A_1722 = vector.shape_cast %broadcast_in_dim3A_1718 : vector<16xi32> to vector<16x1xi32>
    %gather3A_1723 = vector.shape_cast %broadcast_in_dim3A_1722 : vector<16x1xi32> to vector<16xi32>
    %gather3A_1724 = tpu.dynamic_gather %select_n3A[%gather3A_1723] in [0] : vector<16xf32>, vector<16xi32> -> vector<16xf32>
    %div3A_1725 = arith.constant 1.000000e+02 : f32
    %div3A_1726 = vector.broadcast %div3A_1725 : f32 to vector<16xf32>
    %div3A_1727 = arith.divf %convert_element_type3A, %div3A_1726 : vector<16xf32>
    %gt3A_1728 = arith.cmpf ogt, %gather3A_1721, %div3A_1727 : vector<16xf32>
    %add3A_1729 = arith.constant 0.00999999977 : f32
    %add3A_1730 = vector.broadcast %add3A_1729 : f32 to vector<16xf32>
    %add3A_1731 = arith.addf %convert_element_type3A, %add3A_1730 : vector<16xf32>
    %lt3A_1732 = arith.cmpf olt, %gather3A_1721, %add3A_1731 : vector<16xf32>
    %and3A_1733 = arith.andi %gt3A_1728, %lt3A_1732 : vector<16xi1>
    %lt3A_1734 = arith.constant 100 : i32
    %lt3A_1735 = vector.broadcast %lt3A_1734 : i32 to vector<16xi32>
    %lt3A_1736 = arith.cmpi slt, %add3A_45, %lt3A_1735 : vector<16xi32>
    %and3A_1737 = arith.andi %and3A_1733, %lt3A_1736 : vector<16xi1>
    %jit3A_1738 = arith.constant 0.000000e+00 : f32
    %broadcast_in_dim3A_1739 = vector.broadcast %jit3A_1738 : f32 to vector<16xf32>
    %select_n3A_1740 = arith.select %and3A_1737, %gather3A_1724, %broadcast_in_dim3A_1739 : vector<16xi1>, vector<16xf32>
    %add3A_1741 = arith.addf %add3A_1614, %select_n3A_1740 : vector<16xf32>
    %div3A_1742 = arith.constant 1.000000e+02 : f32
    %div3A_1743 = vector.broadcast %div3A_1742 : f32 to vector<16xf32>
    %div3A_1744 = arith.divf %convert_element_type3A_64, %div3A_1743 : vector<16xf32>
    %gt3A_1745 = arith.cmpf ogt, %gather3A_1721, %div3A_1744 : vector<16xf32>
    %add3A_1746 = arith.constant 0.00999999977 : f32
    %add3A_1747 = vector.broadcast %add3A_1746 : f32 to vector<16xf32>
    %add3A_1748 = arith.addf %convert_element_type3A_64, %add3A_1747 : vector<16xf32>
    %lt3A_1749 = arith.cmpf olt, %gather3A_1721, %add3A_1748 : vector<16xf32>
    %and3A_1750 = arith.andi %gt3A_1745, %lt3A_1749 : vector<16xi1>
    %lt3A_1751 = arith.constant 100 : i32
    %lt3A_1752 = vector.broadcast %lt3A_1751 : i32 to vector<16xi32>
    %lt3A_1753 = arith.cmpi slt, %add3A_48, %lt3A_1752 : vector<16xi32>
    %and3A_1754 = arith.andi %and3A_1750, %lt3A_1753 : vector<16xi1>
    %jit3A_1755 = arith.constant 0.000000e+00 : f32
    %broadcast_in_dim3A_1756 = vector.broadcast %jit3A_1755 : f32 to vector<16xf32>
    %select_n3A_1757 = arith.select %and3A_1754, %gather3A_1724, %broadcast_in_dim3A_1756 : vector<16xi1>, vector<16xf32>
    %add3A_1758 = arith.addf %add3A_1631, %select_n3A_1757 : vector<16xf32>
    %div3A_1759 = arith.constant 1.000000e+02 : f32
    %div3A_1760 = vector.broadcast %div3A_1759 : f32 to vector<16xf32>
    %div3A_1761 = arith.divf %convert_element_type3A_65, %div3A_1760 : vector<16xf32>
    %gt3A_1762 = arith.cmpf ogt, %gather3A_1721, %div3A_1761 : vector<16xf32>
    %add3A_1763 = arith.constant 0.00999999977 : f32
    %add3A_1764 = vector.broadcast %add3A_1763 : f32 to vector<16xf32>
    %add3A_1765 = arith.addf %convert_element_type3A_65, %add3A_1764 : vector<16xf32>
    %lt3A_1766 = arith.cmpf olt, %gather3A_1721, %add3A_1765 : vector<16xf32>
    %and3A_1767 = arith.andi %gt3A_1762, %lt3A_1766 : vector<16xi1>
    %lt3A_1768 = arith.constant 100 : i32
    %lt3A_1769 = vector.broadcast %lt3A_1768 : i32 to vector<16xi32>
    %lt3A_1770 = arith.cmpi slt, %add3A_51, %lt3A_1769 : vector<16xi32>
    %and3A_1771 = arith.andi %and3A_1767, %lt3A_1770 : vector<16xi1>
    %jit3A_1772 = arith.constant 0.000000e+00 : f32
    %broadcast_in_dim3A_1773 = vector.broadcast %jit3A_1772 : f32 to vector<16xf32>
    %select_n3A_1774 = arith.select %and3A_1771, %gather3A_1724, %broadcast_in_dim3A_1773 : vector<16xi1>, vector<16xf32>
    %add3A_1775 = arith.addf %add3A_1648, %select_n3A_1774 : vector<16xf32>
    %div3A_1776 = arith.constant 1.000000e+02 : f32
    %div3A_1777 = vector.broadcast %div3A_1776 : f32 to vector<16xf32>
    %div3A_1778 = arith.divf %convert_element_type3A_66, %div3A_1777 : vector<16xf32>
    %gt3A_1779 = arith.cmpf ogt, %gather3A_1721, %div3A_1778 : vector<16xf32>
    %add3A_1780 = arith.constant 0.00999999977 : f32
    %add3A_1781 = vector.broadcast %add3A_1780 : f32 to vector<16xf32>
    %add3A_1782 = arith.addf %convert_element_type3A_66, %add3A_1781 : vector<16xf32>
    %lt3A_1783 = arith.cmpf olt, %gather3A_1721, %add3A_1782 : vector<16xf32>
    %and3A_1784 = arith.andi %gt3A_1779, %lt3A_1783 : vector<16xi1>
    %lt3A_1785 = arith.constant 100 : i32
    %lt3A_1786 = vector.broadcast %lt3A_1785 : i32 to vector<16xi32>
    %lt3A_1787 = arith.cmpi slt, %add3A_54, %lt3A_1786 : vector<16xi32>
    %and3A_1788 = arith.andi %and3A_1784, %lt3A_1787 : vector<16xi1>
    %jit3A_1789 = arith.constant 0.000000e+00 : f32
    %broadcast_in_dim3A_1790 = vector.broadcast %jit3A_1789 : f32 to vector<16xf32>
    %select_n3A_1791 = arith.select %and3A_1788, %gather3A_1724, %broadcast_in_dim3A_1790 : vector<16xi1>, vector<16xf32>
    %add3A_1792 = arith.addf %add3A_1665, %select_n3A_1791 : vector<16xf32>
    %div3A_1793 = arith.constant 1.000000e+02 : f32
    %div3A_1794 = vector.broadcast %div3A_1793 : f32 to vector<16xf32>
    %div3A_1795 = arith.divf %convert_element_type3A_67, %div3A_1794 : vector<16xf32>
    %gt3A_1796 = arith.cmpf ogt, %gather3A_1721, %div3A_1795 : vector<16xf32>
    %add3A_1797 = arith.constant 0.00999999977 : f32
    %add3A_1798 = vector.broadcast %add3A_1797 : f32 to vector<16xf32>
    %add3A_1799 = arith.addf %convert_element_type3A_67, %add3A_1798 : vector<16xf32>
    %lt3A_1800 = arith.cmpf olt, %gather3A_1721, %add3A_1799 : vector<16xf32>
    %and3A_1801 = arith.andi %gt3A_1796, %lt3A_1800 : vector<16xi1>
    %lt3A_1802 = arith.constant 100 : i32
    %lt3A_1803 = vector.broadcast %lt3A_1802 : i32 to vector<16xi32>
    %lt3A_1804 = arith.cmpi slt, %add3A_57, %lt3A_1803 : vector<16xi32>
    %and3A_1805 = arith.andi %and3A_1801, %lt3A_1804 : vector<16xi1>
    %jit3A_1806 = arith.constant 0.000000e+00 : f32
    %broadcast_in_dim3A_1807 = vector.broadcast %jit3A_1806 : f32 to vector<16xf32>
    %select_n3A_1808 = arith.select %and3A_1805, %gather3A_1724, %broadcast_in_dim3A_1807 : vector<16xi1>, vector<16xf32>
    %add3A_1809 = arith.addf %add3A_1682, %select_n3A_1808 : vector<16xf32>
    %div3A_1810 = arith.constant 1.000000e+02 : f32
    %div3A_1811 = vector.broadcast %div3A_1810 : f32 to vector<16xf32>
    %div3A_1812 = arith.divf %convert_element_type3A_68, %div3A_1811 : vector<16xf32>
    %gt3A_1813 = arith.cmpf ogt, %gather3A_1721, %div3A_1812 : vector<16xf32>
    %add3A_1814 = arith.constant 0.00999999977 : f32
    %add3A_1815 = vector.broadcast %add3A_1814 : f32 to vector<16xf32>
    %add3A_1816 = arith.addf %convert_element_type3A_68, %add3A_1815 : vector<16xf32>
    %lt3A_1817 = arith.cmpf olt, %gather3A_1721, %add3A_1816 : vector<16xf32>
    %and3A_1818 = arith.andi %gt3A_1813, %lt3A_1817 : vector<16xi1>
    %lt3A_1819 = arith.constant 100 : i32
    %lt3A_1820 = vector.broadcast %lt3A_1819 : i32 to vector<16xi32>
    %lt3A_1821 = arith.cmpi slt, %add3A_60, %lt3A_1820 : vector<16xi32>
    %and3A_1822 = arith.andi %and3A_1818, %lt3A_1821 : vector<16xi1>
    %jit3A_1823 = arith.constant 0.000000e+00 : f32
    %broadcast_in_dim3A_1824 = vector.broadcast %jit3A_1823 : f32 to vector<16xf32>
    %select_n3A_1825 = arith.select %and3A_1822, %gather3A_1724, %broadcast_in_dim3A_1824 : vector<16xi1>, vector<16xf32>
    %add3A_1826 = arith.addf %add3A_1699, %select_n3A_1825 : vector<16xf32>
    %div3A_1827 = arith.constant 1.000000e+02 : f32
    %div3A_1828 = vector.broadcast %div3A_1827 : f32 to vector<16xf32>
    %div3A_1829 = arith.divf %convert_element_type3A_69, %div3A_1828 : vector<16xf32>
    %gt3A_1830 = arith.cmpf ogt, %gather3A_1721, %div3A_1829 : vector<16xf32>
    %add3A_1831 = arith.constant 0.00999999977 : f32
    %add3A_1832 = vector.broadcast %add3A_1831 : f32 to vector<16xf32>
    %add3A_1833 = arith.addf %convert_element_type3A_69, %add3A_1832 : vector<16xf32>
    %lt3A_1834 = arith.cmpf olt, %gather3A_1721, %add3A_1833 : vector<16xf32>
    %and3A_1835 = arith.andi %gt3A_1830, %lt3A_1834 : vector<16xi1>
    %lt3A_1836 = arith.constant 100 : i32
    %lt3A_1837 = vector.broadcast %lt3A_1836 : i32 to vector<16xi32>
    %lt3A_1838 = arith.cmpi slt, %add3A_63, %lt3A_1837 : vector<16xi32>
    %and3A_1839 = arith.andi %and3A_1835, %lt3A_1838 : vector<16xi1>
    %jit3A_1840 = arith.constant 0.000000e+00 : f32
    %broadcast_in_dim3A_1841 = vector.broadcast %jit3A_1840 : f32 to vector<16xf32>
    %select_n3A_1842 = arith.select %and3A_1839, %gather3A_1724, %broadcast_in_dim3A_1841 : vector<16xi1>, vector<16xf32>
    %add3A_1843 = arith.addf %add3A_1716, %select_n3A_1842 : vector<16xf32>
    %broadcast_in_dim3A_1844 = arith.constant 14 : i32
    %broadcast_in_dim3A_1845 = vector.broadcast %broadcast_in_dim3A_1844 : i32 to vector<16xi32>
    %broadcast_in_dim3A_1846 = vector.shape_cast %broadcast_in_dim3A_1845 : vector<16xi32> to vector<16x1xi32>
    %gather3A_1847 = vector.shape_cast %broadcast_in_dim3A_1846 : vector<16x1xi32> to vector<16xi32>
    %gather3A_1848 = tpu.dynamic_gather %div3A[%gather3A_1847] in [0] : vector<16xf32>, vector<16xi32> -> vector<16xf32>
    %broadcast_in_dim3A_1849 = vector.shape_cast %broadcast_in_dim3A_1845 : vector<16xi32> to vector<16x1xi32>
    %gather3A_1850 = vector.shape_cast %broadcast_in_dim3A_1849 : vector<16x1xi32> to vector<16xi32>
    %gather3A_1851 = tpu.dynamic_gather %select_n3A[%gather3A_1850] in [0] : vector<16xf32>, vector<16xi32> -> vector<16xf32>
    %div3A_1852 = arith.constant 1.000000e+02 : f32
    %div3A_1853 = vector.broadcast %div3A_1852 : f32 to vector<16xf32>
    %div3A_1854 = arith.divf %convert_element_type3A, %div3A_1853 : vector<16xf32>
    %gt3A_1855 = arith.cmpf ogt, %gather3A_1848, %div3A_1854 : vector<16xf32>
    %add3A_1856 = arith.constant 0.00999999977 : f32
    %add3A_1857 = vector.broadcast %add3A_1856 : f32 to vector<16xf32>
    %add3A_1858 = arith.addf %convert_element_type3A, %add3A_1857 : vector<16xf32>
    %lt3A_1859 = arith.cmpf olt, %gather3A_1848, %add3A_1858 : vector<16xf32>
    %and3A_1860 = arith.andi %gt3A_1855, %lt3A_1859 : vector<16xi1>
    %lt3A_1861 = arith.constant 100 : i32
    %lt3A_1862 = vector.broadcast %lt3A_1861 : i32 to vector<16xi32>
    %lt3A_1863 = arith.cmpi slt, %add3A_45, %lt3A_1862 : vector<16xi32>
    %and3A_1864 = arith.andi %and3A_1860, %lt3A_1863 : vector<16xi1>
    %jit3A_1865 = arith.constant 0.000000e+00 : f32
    %broadcast_in_dim3A_1866 = vector.broadcast %jit3A_1865 : f32 to vector<16xf32>
    %select_n3A_1867 = arith.select %and3A_1864, %gather3A_1851, %broadcast_in_dim3A_1866 : vector<16xi1>, vector<16xf32>
    %add3A_1868 = arith.addf %add3A_1741, %select_n3A_1867 : vector<16xf32>
    %div3A_1869 = arith.constant 1.000000e+02 : f32
    %div3A_1870 = vector.broadcast %div3A_1869 : f32 to vector<16xf32>
    %div3A_1871 = arith.divf %convert_element_type3A_64, %div3A_1870 : vector<16xf32>
    %gt3A_1872 = arith.cmpf ogt, %gather3A_1848, %div3A_1871 : vector<16xf32>
    %add3A_1873 = arith.constant 0.00999999977 : f32
    %add3A_1874 = vector.broadcast %add3A_1873 : f32 to vector<16xf32>
    %add3A_1875 = arith.addf %convert_element_type3A_64, %add3A_1874 : vector<16xf32>
    %lt3A_1876 = arith.cmpf olt, %gather3A_1848, %add3A_1875 : vector<16xf32>
    %and3A_1877 = arith.andi %gt3A_1872, %lt3A_1876 : vector<16xi1>
    %lt3A_1878 = arith.constant 100 : i32
    %lt3A_1879 = vector.broadcast %lt3A_1878 : i32 to vector<16xi32>
    %lt3A_1880 = arith.cmpi slt, %add3A_48, %lt3A_1879 : vector<16xi32>
    %and3A_1881 = arith.andi %and3A_1877, %lt3A_1880 : vector<16xi1>
    %jit3A_1882 = arith.constant 0.000000e+00 : f32
    %broadcast_in_dim3A_1883 = vector.broadcast %jit3A_1882 : f32 to vector<16xf32>
    %select_n3A_1884 = arith.select %and3A_1881, %gather3A_1851, %broadcast_in_dim3A_1883 : vector<16xi1>, vector<16xf32>
    %add3A_1885 = arith.addf %add3A_1758, %select_n3A_1884 : vector<16xf32>
    %div3A_1886 = arith.constant 1.000000e+02 : f32
    %div3A_1887 = vector.broadcast %div3A_1886 : f32 to vector<16xf32>
    %div3A_1888 = arith.divf %convert_element_type3A_65, %div3A_1887 : vector<16xf32>
    %gt3A_1889 = arith.cmpf ogt, %gather3A_1848, %div3A_1888 : vector<16xf32>
    %add3A_1890 = arith.constant 0.00999999977 : f32
    %add3A_1891 = vector.broadcast %add3A_1890 : f32 to vector<16xf32>
    %add3A_1892 = arith.addf %convert_element_type3A_65, %add3A_1891 : vector<16xf32>
    %lt3A_1893 = arith.cmpf olt, %gather3A_1848, %add3A_1892 : vector<16xf32>
    %and3A_1894 = arith.andi %gt3A_1889, %lt3A_1893 : vector<16xi1>
    %lt3A_1895 = arith.constant 100 : i32
    %lt3A_1896 = vector.broadcast %lt3A_1895 : i32 to vector<16xi32>
    %lt3A_1897 = arith.cmpi slt, %add3A_51, %lt3A_1896 : vector<16xi32>
    %and3A_1898 = arith.andi %and3A_1894, %lt3A_1897 : vector<16xi1>
    %jit3A_1899 = arith.constant 0.000000e+00 : f32
    %broadcast_in_dim3A_1900 = vector.broadcast %jit3A_1899 : f32 to vector<16xf32>
    %select_n3A_1901 = arith.select %and3A_1898, %gather3A_1851, %broadcast_in_dim3A_1900 : vector<16xi1>, vector<16xf32>
    %add3A_1902 = arith.addf %add3A_1775, %select_n3A_1901 : vector<16xf32>
    %div3A_1903 = arith.constant 1.000000e+02 : f32
    %div3A_1904 = vector.broadcast %div3A_1903 : f32 to vector<16xf32>
    %div3A_1905 = arith.divf %convert_element_type3A_66, %div3A_1904 : vector<16xf32>
    %gt3A_1906 = arith.cmpf ogt, %gather3A_1848, %div3A_1905 : vector<16xf32>
    %add3A_1907 = arith.constant 0.00999999977 : f32
    %add3A_1908 = vector.broadcast %add3A_1907 : f32 to vector<16xf32>
    %add3A_1909 = arith.addf %convert_element_type3A_66, %add3A_1908 : vector<16xf32>
    %lt3A_1910 = arith.cmpf olt, %gather3A_1848, %add3A_1909 : vector<16xf32>
    %and3A_1911 = arith.andi %gt3A_1906, %lt3A_1910 : vector<16xi1>
    %lt3A_1912 = arith.constant 100 : i32
    %lt3A_1913 = vector.broadcast %lt3A_1912 : i32 to vector<16xi32>
    %lt3A_1914 = arith.cmpi slt, %add3A_54, %lt3A_1913 : vector<16xi32>
    %and3A_1915 = arith.andi %and3A_1911, %lt3A_1914 : vector<16xi1>
    %jit3A_1916 = arith.constant 0.000000e+00 : f32
    %broadcast_in_dim3A_1917 = vector.broadcast %jit3A_1916 : f32 to vector<16xf32>
    %select_n3A_1918 = arith.select %and3A_1915, %gather3A_1851, %broadcast_in_dim3A_1917 : vector<16xi1>, vector<16xf32>
    %add3A_1919 = arith.addf %add3A_1792, %select_n3A_1918 : vector<16xf32>
    %div3A_1920 = arith.constant 1.000000e+02 : f32
    %div3A_1921 = vector.broadcast %div3A_1920 : f32 to vector<16xf32>
    %div3A_1922 = arith.divf %convert_element_type3A_67, %div3A_1921 : vector<16xf32>
    %gt3A_1923 = arith.cmpf ogt, %gather3A_1848, %div3A_1922 : vector<16xf32>
    %add3A_1924 = arith.constant 0.00999999977 : f32
    %add3A_1925 = vector.broadcast %add3A_1924 : f32 to vector<16xf32>
    %add3A_1926 = arith.addf %convert_element_type3A_67, %add3A_1925 : vector<16xf32>
    %lt3A_1927 = arith.cmpf olt, %gather3A_1848, %add3A_1926 : vector<16xf32>
    %and3A_1928 = arith.andi %gt3A_1923, %lt3A_1927 : vector<16xi1>
    %lt3A_1929 = arith.constant 100 : i32
    %lt3A_1930 = vector.broadcast %lt3A_1929 : i32 to vector<16xi32>
    %lt3A_1931 = arith.cmpi slt, %add3A_57, %lt3A_1930 : vector<16xi32>
    %and3A_1932 = arith.andi %and3A_1928, %lt3A_1931 : vector<16xi1>
    %jit3A_1933 = arith.constant 0.000000e+00 : f32
    %broadcast_in_dim3A_1934 = vector.broadcast %jit3A_1933 : f32 to vector<16xf32>
    %select_n3A_1935 = arith.select %and3A_1932, %gather3A_1851, %broadcast_in_dim3A_1934 : vector<16xi1>, vector<16xf32>
    %add3A_1936 = arith.addf %add3A_1809, %select_n3A_1935 : vector<16xf32>
    %div3A_1937 = arith.constant 1.000000e+02 : f32
    %div3A_1938 = vector.broadcast %div3A_1937 : f32 to vector<16xf32>
    %div3A_1939 = arith.divf %convert_element_type3A_68, %div3A_1938 : vector<16xf32>
    %gt3A_1940 = arith.cmpf ogt, %gather3A_1848, %div3A_1939 : vector<16xf32>
    %add3A_1941 = arith.constant 0.00999999977 : f32
    %add3A_1942 = vector.broadcast %add3A_1941 : f32 to vector<16xf32>
    %add3A_1943 = arith.addf %convert_element_type3A_68, %add3A_1942 : vector<16xf32>
    %lt3A_1944 = arith.cmpf olt, %gather3A_1848, %add3A_1943 : vector<16xf32>
    %and3A_1945 = arith.andi %gt3A_1940, %lt3A_1944 : vector<16xi1>
    %lt3A_1946 = arith.constant 100 : i32
    %lt3A_1947 = vector.broadcast %lt3A_1946 : i32 to vector<16xi32>
    %lt3A_1948 = arith.cmpi slt, %add3A_60, %lt3A_1947 : vector<16xi32>
    %and3A_1949 = arith.andi %and3A_1945, %lt3A_1948 : vector<16xi1>
    %jit3A_1950 = arith.constant 0.000000e+00 : f32
    %broadcast_in_dim3A_1951 = vector.broadcast %jit3A_1950 : f32 to vector<16xf32>
    %select_n3A_1952 = arith.select %and3A_1949, %gather3A_1851, %broadcast_in_dim3A_1951 : vector<16xi1>, vector<16xf32>
    %add3A_1953 = arith.addf %add3A_1826, %select_n3A_1952 : vector<16xf32>
    %div3A_1954 = arith.constant 1.000000e+02 : f32
    %div3A_1955 = vector.broadcast %div3A_1954 : f32 to vector<16xf32>
    %div3A_1956 = arith.divf %convert_element_type3A_69, %div3A_1955 : vector<16xf32>
    %gt3A_1957 = arith.cmpf ogt, %gather3A_1848, %div3A_1956 : vector<16xf32>
    %add3A_1958 = arith.constant 0.00999999977 : f32
    %add3A_1959 = vector.broadcast %add3A_1958 : f32 to vector<16xf32>
    %add3A_1960 = arith.addf %convert_element_type3A_69, %add3A_1959 : vector<16xf32>
    %lt3A_1961 = arith.cmpf olt, %gather3A_1848, %add3A_1960 : vector<16xf32>
    %and3A_1962 = arith.andi %gt3A_1957, %lt3A_1961 : vector<16xi1>
    %lt3A_1963 = arith.constant 100 : i32
    %lt3A_1964 = vector.broadcast %lt3A_1963 : i32 to vector<16xi32>
    %lt3A_1965 = arith.cmpi slt, %add3A_63, %lt3A_1964 : vector<16xi32>
    %and3A_1966 = arith.andi %and3A_1962, %lt3A_1965 : vector<16xi1>
    %jit3A_1967 = arith.constant 0.000000e+00 : f32
    %broadcast_in_dim3A_1968 = vector.broadcast %jit3A_1967 : f32 to vector<16xf32>
    %select_n3A_1969 = arith.select %and3A_1966, %gather3A_1851, %broadcast_in_dim3A_1968 : vector<16xi1>, vector<16xf32>
    %add3A_1970 = arith.addf %add3A_1843, %select_n3A_1969 : vector<16xf32>
    %broadcast_in_dim3A_1971 = arith.constant 15 : i32
    %broadcast_in_dim3A_1972 = vector.broadcast %broadcast_in_dim3A_1971 : i32 to vector<16xi32>
    %broadcast_in_dim3A_1973 = vector.shape_cast %broadcast_in_dim3A_1972 : vector<16xi32> to vector<16x1xi32>
    %gather3A_1974 = vector.shape_cast %broadcast_in_dim3A_1973 : vector<16x1xi32> to vector<16xi32>
    %gather3A_1975 = tpu.dynamic_gather %div3A[%gather3A_1974] in [0] : vector<16xf32>, vector<16xi32> -> vector<16xf32>
    %broadcast_in_dim3A_1976 = vector.shape_cast %broadcast_in_dim3A_1972 : vector<16xi32> to vector<16x1xi32>
    %gather3A_1977 = vector.shape_cast %broadcast_in_dim3A_1976 : vector<16x1xi32> to vector<16xi32>
    %gather3A_1978 = tpu.dynamic_gather %select_n3A[%gather3A_1977] in [0] : vector<16xf32>, vector<16xi32> -> vector<16xf32>
    %div3A_1979 = arith.constant 1.000000e+02 : f32
    %div3A_1980 = vector.broadcast %div3A_1979 : f32 to vector<16xf32>
    %div3A_1981 = arith.divf %convert_element_type3A, %div3A_1980 : vector<16xf32>
    %gt3A_1982 = arith.cmpf ogt, %gather3A_1975, %div3A_1981 : vector<16xf32>
    %add3A_1983 = arith.constant 0.00999999977 : f32
    %add3A_1984 = vector.broadcast %add3A_1983 : f32 to vector<16xf32>
    %add3A_1985 = arith.addf %convert_element_type3A, %add3A_1984 : vector<16xf32>
    %lt3A_1986 = arith.cmpf olt, %gather3A_1975, %add3A_1985 : vector<16xf32>
    %and3A_1987 = arith.andi %gt3A_1982, %lt3A_1986 : vector<16xi1>
    %lt3A_1988 = arith.constant 100 : i32
    %lt3A_1989 = vector.broadcast %lt3A_1988 : i32 to vector<16xi32>
    %lt3A_1990 = arith.cmpi slt, %add3A_45, %lt3A_1989 : vector<16xi32>
    %and3A_1991 = arith.andi %and3A_1987, %lt3A_1990 : vector<16xi1>
    %jit3A_1992 = arith.constant 0.000000e+00 : f32
    %broadcast_in_dim3A_1993 = vector.broadcast %jit3A_1992 : f32 to vector<16xf32>
    %select_n3A_1994 = arith.select %and3A_1991, %gather3A_1978, %broadcast_in_dim3A_1993 : vector<16xi1>, vector<16xf32>
    %add3A_1995 = arith.addf %add3A_1868, %select_n3A_1994 : vector<16xf32>
    %div3A_1996 = arith.constant 1.000000e+02 : f32
    %div3A_1997 = vector.broadcast %div3A_1996 : f32 to vector<16xf32>
    %div3A_1998 = arith.divf %convert_element_type3A_64, %div3A_1997 : vector<16xf32>
    %gt3A_1999 = arith.cmpf ogt, %gather3A_1975, %div3A_1998 : vector<16xf32>
    %add3A_2000 = arith.constant 0.00999999977 : f32
    %add3A_2001 = vector.broadcast %add3A_2000 : f32 to vector<16xf32>
    %add3A_2002 = arith.addf %convert_element_type3A_64, %add3A_2001 : vector<16xf32>
    %lt3A_2003 = arith.cmpf olt, %gather3A_1975, %add3A_2002 : vector<16xf32>
    %and3A_2004 = arith.andi %gt3A_1999, %lt3A_2003 : vector<16xi1>
    %lt3A_2005 = arith.constant 100 : i32
    %lt3A_2006 = vector.broadcast %lt3A_2005 : i32 to vector<16xi32>
    %lt3A_2007 = arith.cmpi slt, %add3A_48, %lt3A_2006 : vector<16xi32>
    %and3A_2008 = arith.andi %and3A_2004, %lt3A_2007 : vector<16xi1>
    %jit3A_2009 = arith.constant 0.000000e+00 : f32
    %broadcast_in_dim3A_2010 = vector.broadcast %jit3A_2009 : f32 to vector<16xf32>
    %select_n3A_2011 = arith.select %and3A_2008, %gather3A_1978, %broadcast_in_dim3A_2010 : vector<16xi1>, vector<16xf32>
    %add3A_2012 = arith.addf %add3A_1885, %select_n3A_2011 : vector<16xf32>
    %div3A_2013 = arith.constant 1.000000e+02 : f32
    %div3A_2014 = vector.broadcast %div3A_2013 : f32 to vector<16xf32>
    %div3A_2015 = arith.divf %convert_element_type3A_65, %div3A_2014 : vector<16xf32>
    %gt3A_2016 = arith.cmpf ogt, %gather3A_1975, %div3A_2015 : vector<16xf32>
    %add3A_2017 = arith.constant 0.00999999977 : f32
    %add3A_2018 = vector.broadcast %add3A_2017 : f32 to vector<16xf32>
    %add3A_2019 = arith.addf %convert_element_type3A_65, %add3A_2018 : vector<16xf32>
    %lt3A_2020 = arith.cmpf olt, %gather3A_1975, %add3A_2019 : vector<16xf32>
    %and3A_2021 = arith.andi %gt3A_2016, %lt3A_2020 : vector<16xi1>
    %lt3A_2022 = arith.constant 100 : i32
    %lt3A_2023 = vector.broadcast %lt3A_2022 : i32 to vector<16xi32>
    %lt3A_2024 = arith.cmpi slt, %add3A_51, %lt3A_2023 : vector<16xi32>
    %and3A_2025 = arith.andi %and3A_2021, %lt3A_2024 : vector<16xi1>
    %jit3A_2026 = arith.constant 0.000000e+00 : f32
    %broadcast_in_dim3A_2027 = vector.broadcast %jit3A_2026 : f32 to vector<16xf32>
    %select_n3A_2028 = arith.select %and3A_2025, %gather3A_1978, %broadcast_in_dim3A_2027 : vector<16xi1>, vector<16xf32>
    %add3A_2029 = arith.addf %add3A_1902, %select_n3A_2028 : vector<16xf32>
    %div3A_2030 = arith.constant 1.000000e+02 : f32
    %div3A_2031 = vector.broadcast %div3A_2030 : f32 to vector<16xf32>
    %div3A_2032 = arith.divf %convert_element_type3A_66, %div3A_2031 : vector<16xf32>
    %gt3A_2033 = arith.cmpf ogt, %gather3A_1975, %div3A_2032 : vector<16xf32>
    %add3A_2034 = arith.constant 0.00999999977 : f32
    %add3A_2035 = vector.broadcast %add3A_2034 : f32 to vector<16xf32>
    %add3A_2036 = arith.addf %convert_element_type3A_66, %add3A_2035 : vector<16xf32>
    %lt3A_2037 = arith.cmpf olt, %gather3A_1975, %add3A_2036 : vector<16xf32>
    %and3A_2038 = arith.andi %gt3A_2033, %lt3A_2037 : vector<16xi1>
    %lt3A_2039 = arith.constant 100 : i32
    %lt3A_2040 = vector.broadcast %lt3A_2039 : i32 to vector<16xi32>
    %lt3A_2041 = arith.cmpi slt, %add3A_54, %lt3A_2040 : vector<16xi32>
    %and3A_2042 = arith.andi %and3A_2038, %lt3A_2041 : vector<16xi1>
    %jit3A_2043 = arith.constant 0.000000e+00 : f32
    %broadcast_in_dim3A_2044 = vector.broadcast %jit3A_2043 : f32 to vector<16xf32>
    %select_n3A_2045 = arith.select %and3A_2042, %gather3A_1978, %broadcast_in_dim3A_2044 : vector<16xi1>, vector<16xf32>
    %add3A_2046 = arith.addf %add3A_1919, %select_n3A_2045 : vector<16xf32>
    %div3A_2047 = arith.constant 1.000000e+02 : f32
    %div3A_2048 = vector.broadcast %div3A_2047 : f32 to vector<16xf32>
    %div3A_2049 = arith.divf %convert_element_type3A_67, %div3A_2048 : vector<16xf32>
    %gt3A_2050 = arith.cmpf ogt, %gather3A_1975, %div3A_2049 : vector<16xf32>
    %add3A_2051 = arith.constant 0.00999999977 : f32
    %add3A_2052 = vector.broadcast %add3A_2051 : f32 to vector<16xf32>
    %add3A_2053 = arith.addf %convert_element_type3A_67, %add3A_2052 : vector<16xf32>
    %lt3A_2054 = arith.cmpf olt, %gather3A_1975, %add3A_2053 : vector<16xf32>
    %and3A_2055 = arith.andi %gt3A_2050, %lt3A_2054 : vector<16xi1>
    %lt3A_2056 = arith.constant 100 : i32
    %lt3A_2057 = vector.broadcast %lt3A_2056 : i32 to vector<16xi32>
    %lt3A_2058 = arith.cmpi slt, %add3A_57, %lt3A_2057 : vector<16xi32>
    %and3A_2059 = arith.andi %and3A_2055, %lt3A_2058 : vector<16xi1>
    %jit3A_2060 = arith.constant 0.000000e+00 : f32
    %broadcast_in_dim3A_2061 = vector.broadcast %jit3A_2060 : f32 to vector<16xf32>
    %select_n3A_2062 = arith.select %and3A_2059, %gather3A_1978, %broadcast_in_dim3A_2061 : vector<16xi1>, vector<16xf32>
    %add3A_2063 = arith.addf %add3A_1936, %select_n3A_2062 : vector<16xf32>
    %div3A_2064 = arith.constant 1.000000e+02 : f32
    %div3A_2065 = vector.broadcast %div3A_2064 : f32 to vector<16xf32>
    %div3A_2066 = arith.divf %convert_element_type3A_68, %div3A_2065 : vector<16xf32>
    %gt3A_2067 = arith.cmpf ogt, %gather3A_1975, %div3A_2066 : vector<16xf32>
    %add3A_2068 = arith.constant 0.00999999977 : f32
    %add3A_2069 = vector.broadcast %add3A_2068 : f32 to vector<16xf32>
    %add3A_2070 = arith.addf %convert_element_type3A_68, %add3A_2069 : vector<16xf32>
    %lt3A_2071 = arith.cmpf olt, %gather3A_1975, %add3A_2070 : vector<16xf32>
    %and3A_2072 = arith.andi %gt3A_2067, %lt3A_2071 : vector<16xi1>
    %lt3A_2073 = arith.constant 100 : i32
    %lt3A_2074 = vector.broadcast %lt3A_2073 : i32 to vector<16xi32>
    %lt3A_2075 = arith.cmpi slt, %add3A_60, %lt3A_2074 : vector<16xi32>
    %and3A_2076 = arith.andi %and3A_2072, %lt3A_2075 : vector<16xi1>
    %jit3A_2077 = arith.constant 0.000000e+00 : f32
    %broadcast_in_dim3A_2078 = vector.broadcast %jit3A_2077 : f32 to vector<16xf32>
    %select_n3A_2079 = arith.select %and3A_2076, %gather3A_1978, %broadcast_in_dim3A_2078 : vector<16xi1>, vector<16xf32>
    %add3A_2080 = arith.addf %add3A_1953, %select_n3A_2079 : vector<16xf32>
    %div3A_2081 = arith.constant 1.000000e+02 : f32
    %div3A_2082 = vector.broadcast %div3A_2081 : f32 to vector<16xf32>
    %div3A_2083 = arith.divf %convert_element_type3A_69, %div3A_2082 : vector<16xf32>
    %gt3A_2084 = arith.cmpf ogt, %gather3A_1975, %div3A_2083 : vector<16xf32>
    %add3A_2085 = arith.constant 0.00999999977 : f32
    %add3A_2086 = vector.broadcast %add3A_2085 : f32 to vector<16xf32>
    %add3A_2087 = arith.addf %convert_element_type3A_69, %add3A_2086 : vector<16xf32>
    %lt3A_2088 = arith.cmpf olt, %gather3A_1975, %add3A_2087 : vector<16xf32>
    %and3A_2089 = arith.andi %gt3A_2084, %lt3A_2088 : vector<16xi1>
    %lt3A_2090 = arith.constant 100 : i32
    %lt3A_2091 = vector.broadcast %lt3A_2090 : i32 to vector<16xi32>
    %lt3A_2092 = arith.cmpi slt, %add3A_63, %lt3A_2091 : vector<16xi32>
    %and3A_2093 = arith.andi %and3A_2089, %lt3A_2092 : vector<16xi1>
    %jit3A_2094 = arith.constant 0.000000e+00 : f32
    %broadcast_in_dim3A_2095 = vector.broadcast %jit3A_2094 : f32 to vector<16xf32>
    %select_n3A_2096 = arith.select %and3A_2093, %gather3A_1978, %broadcast_in_dim3A_2095 : vector<16xi1>, vector<16xf32>
    %add3A_2097 = arith.addf %add3A_1970, %select_n3A_2096 : vector<16xf32>
    %mul3A_2098 = arith.mulf %div3A, %select_n3A : vector<16xf32>
    %xor3A = arith.constant 1 : i32
    %xor3A_2099 = vector.broadcast %xor3A : i32 to vector<16xi32>
    %xor3A_2100 = arith.xori %iota3A, %xor3A_2099 : vector<16xi32>
    %broadcast_in_dim3A_2101 = vector.shape_cast %xor3A_2100 : vector<16xi32> to vector<16x1xi32>
    %gather3A_2102 = vector.shape_cast %broadcast_in_dim3A_2101 : vector<16x1xi32> to vector<16xi32>
    %gather3A_2103 = tpu.dynamic_gather %mul3A_2098[%gather3A_2102] in [0] : vector<16xf32>, vector<16xi32> -> vector<16xf32>
    %add3A_2104 = arith.addf %mul3A_2098, %gather3A_2103 : vector<16xf32>
    %xor3A_2105 = arith.constant 2 : i32
    %xor3A_2106 = vector.broadcast %xor3A_2105 : i32 to vector<16xi32>
    %xor3A_2107 = arith.xori %iota3A, %xor3A_2106 : vector<16xi32>
    %broadcast_in_dim3A_2108 = vector.shape_cast %xor3A_2107 : vector<16xi32> to vector<16x1xi32>
    %gather3A_2109 = vector.shape_cast %broadcast_in_dim3A_2108 : vector<16x1xi32> to vector<16xi32>
    %gather3A_2110 = tpu.dynamic_gather %add3A_2104[%gather3A_2109] in [0] : vector<16xf32>, vector<16xi32> -> vector<16xf32>
    %add3A_2111 = arith.addf %add3A_2104, %gather3A_2110 : vector<16xf32>
    %xor3A_2112 = arith.constant 4 : i32
    %xor3A_2113 = vector.broadcast %xor3A_2112 : i32 to vector<16xi32>
    %xor3A_2114 = arith.xori %iota3A, %xor3A_2113 : vector<16xi32>
    %broadcast_in_dim3A_2115 = vector.shape_cast %xor3A_2114 : vector<16xi32> to vector<16x1xi32>
    %gather3A_2116 = vector.shape_cast %broadcast_in_dim3A_2115 : vector<16x1xi32> to vector<16xi32>
    %gather3A_2117 = tpu.dynamic_gather %add3A_2111[%gather3A_2116] in [0] : vector<16xf32>, vector<16xi32> -> vector<16xf32>
    %add3A_2118 = arith.addf %add3A_2111, %gather3A_2117 : vector<16xf32>
    %xor3A_2119 = arith.constant 8 : i32
    %xor3A_2120 = vector.broadcast %xor3A_2119 : i32 to vector<16xi32>
    %xor3A_2121 = arith.xori %iota3A, %xor3A_2120 : vector<16xi32>
    %broadcast_in_dim3A_2122 = vector.shape_cast %xor3A_2121 : vector<16xi32> to vector<16x1xi32>
    %gather3A_2123 = vector.shape_cast %broadcast_in_dim3A_2122 : vector<16x1xi32> to vector<16xi32>
    %gather3A_2124 = tpu.dynamic_gather %add3A_2118[%gather3A_2123] in [0] : vector<16xf32>, vector<16xi32> -> vector<16xf32>
    %add3A_2125 = arith.addf %add3A_2118, %gather3A_2124 : vector<16xf32>
    %xor3A_2126 = arith.constant 1 : i32
    %xor3A_2127 = vector.broadcast %xor3A_2126 : i32 to vector<16xi32>
    %xor3A_2128 = arith.xori %iota3A, %xor3A_2127 : vector<16xi32>
    %broadcast_in_dim3A_2129 = vector.shape_cast %xor3A_2128 : vector<16xi32> to vector<16x1xi32>
    %gather3A_2130 = vector.shape_cast %broadcast_in_dim3A_2129 : vector<16x1xi32> to vector<16xi32>
    %gather3A_2131 = tpu.dynamic_gather %select_n3A[%gather3A_2130] in [0] : vector<16xf32>, vector<16xi32> -> vector<16xf32>
    %add3A_2132 = arith.addf %select_n3A, %gather3A_2131 : vector<16xf32>
    %xor3A_2133 = arith.constant 2 : i32
    %xor3A_2134 = vector.broadcast %xor3A_2133 : i32 to vector<16xi32>
    %xor3A_2135 = arith.xori %iota3A, %xor3A_2134 : vector<16xi32>
    %broadcast_in_dim3A_2136 = vector.shape_cast %xor3A_2135 : vector<16xi32> to vector<16x1xi32>
    %gather3A_2137 = vector.shape_cast %broadcast_in_dim3A_2136 : vector<16x1xi32> to vector<16xi32>
    %gather3A_2138 = tpu.dynamic_gather %add3A_2132[%gather3A_2137] in [0] : vector<16xf32>, vector<16xi32> -> vector<16xf32>
    %add3A_2139 = arith.addf %add3A_2132, %gather3A_2138 : vector<16xf32>
    %xor3A_2140 = arith.constant 4 : i32
    %xor3A_2141 = vector.broadcast %xor3A_2140 : i32 to vector<16xi32>
    %xor3A_2142 = arith.xori %iota3A, %xor3A_2141 : vector<16xi32>
    %broadcast_in_dim3A_2143 = vector.shape_cast %xor3A_2142 : vector<16xi32> to vector<16x1xi32>
    %gather3A_2144 = vector.shape_cast %broadcast_in_dim3A_2143 : vector<16x1xi32> to vector<16xi32>
    %gather3A_2145 = tpu.dynamic_gather %add3A_2139[%gather3A_2144] in [0] : vector<16xf32>, vector<16xi32> -> vector<16xf32>
    %add3A_2146 = arith.addf %add3A_2139, %gather3A_2145 : vector<16xf32>
    %xor3A_2147 = arith.constant 8 : i32
    %xor3A_2148 = vector.broadcast %xor3A_2147 : i32 to vector<16xi32>
    %xor3A_2149 = arith.xori %iota3A, %xor3A_2148 : vector<16xi32>
    %broadcast_in_dim3A_2150 = vector.shape_cast %xor3A_2149 : vector<16xi32> to vector<16x1xi32>
    %gather3A_2151 = vector.shape_cast %broadcast_in_dim3A_2150 : vector<16x1xi32> to vector<16xi32>
    %gather3A_2152 = tpu.dynamic_gather %add3A_2146[%gather3A_2151] in [0] : vector<16xf32>, vector<16xi32> -> vector<16xf32>
    %add3A_2153 = arith.addf %add3A_2146, %gather3A_2152 : vector<16xf32>
    %eq3A = arith.constant 0 : i32
    %eq3A_2154 = vector.broadcast %eq3A : i32 to vector<16xi32>
    %eq3A_2155 = arith.cmpi eq, %iota3A, %eq3A_2154 : vector<16xi32>
    %eq3A_2156 = arith.constant 1 : i32
    %eq3A_2157 = vector.broadcast %eq3A_2156 : i32 to vector<16xi32>
    %eq3A_2158 = arith.cmpi eq, %iota3A, %eq3A_2157 : vector<16xi32>
    %jit3A_2159 = arith.constant 0.000000e+00 : f32
    %broadcast_in_dim3A_2160 = vector.broadcast %jit3A_2159 : f32 to vector<16xf32>
    %select_n3A_2161 = arith.select %eq3A_2158, %add3A_2153, %broadcast_in_dim3A_2160 : vector<16xi1>, vector<16xf32>
    %select_n3A_2162 = arith.select %eq3A_2155, %add3A_2125, %select_n3A_2161 : vector<16xi1>, vector<16xf32>
    %swap3A_2163 = arith.constant 0 : index
    %swap3A_2164 = tpu.vector_load %arg12[%swap3A_2163] {strides = array<i32>} : memref<128xf32, #tpu.memory_space<vmem>>, vector<16xf32>,
    %swap3A_2165 = vector.shape_cast %swap3A_2164 : vector<16xf32> to vector<16xf32>
    %swap3A_2166 = vector.shape_cast %add3A_1995 : vector<16xf32> to vector<16xf32>
    tpu.vector_store %arg12[%swap3A_2163], %swap3A_2166 {strides = array<i32>} : memref<128xf32, #tpu.memory_space<vmem>>, vector<16xf32>,
    %swap3A_2167 = arith.constant 16 : index
    %swap3A_2168 = tpu.vector_load %arg12[%swap3A_2167] {strides = array<i32>} : memref<128xf32, #tpu.memory_space<vmem>>, vector<16xf32>,
    %swap3A_2169 = vector.shape_cast %swap3A_2168 : vector<16xf32> to vector<16xf32>
    %swap3A_2170 = vector.shape_cast %add3A_2012 : vector<16xf32> to vector<16xf32>
    tpu.vector_store %arg12[%swap3A_2167], %swap3A_2170 {strides = array<i32>} : memref<128xf32, #tpu.memory_space<vmem>>, vector<16xf32>,
    %swap3A_2171 = arith.constant 32 : index
    %swap3A_2172 = tpu.vector_load %arg12[%swap3A_2171] {strides = array<i32>} : memref<128xf32, #tpu.memory_space<vmem>>, vector<16xf32>,
    %swap3A_2173 = vector.shape_cast %swap3A_2172 : vector<16xf32> to vector<16xf32>
    %swap3A_2174 = vector.shape_cast %add3A_2029 : vector<16xf32> to vector<16xf32>
    tpu.vector_store %arg12[%swap3A_2171], %swap3A_2174 {strides = array<i32>} : memref<128xf32, #tpu.memory_space<vmem>>, vector<16xf32>,
    %swap3A_2175 = arith.constant 48 : index
    %swap3A_2176 = tpu.vector_load %arg12[%swap3A_2175] {strides = array<i32>} : memref<128xf32, #tpu.memory_space<vmem>>, vector<16xf32>,
    %swap3A_2177 = vector.shape_cast %swap3A_2176 : vector<16xf32> to vector<16xf32>
    %swap3A_2178 = vector.shape_cast %add3A_2046 : vector<16xf32> to vector<16xf32>
    tpu.vector_store %arg12[%swap3A_2175], %swap3A_2178 {strides = array<i32>} : memref<128xf32, #tpu.memory_space<vmem>>, vector<16xf32>,
    %swap3A_2179 = arith.constant 64 : index
    %swap3A_2180 = tpu.vector_load %arg12[%swap3A_2179] {strides = array<i32>} : memref<128xf32, #tpu.memory_space<vmem>>, vector<16xf32>,
    %swap3A_2181 = vector.shape_cast %swap3A_2180 : vector<16xf32> to vector<16xf32>
    %swap3A_2182 = vector.shape_cast %add3A_2063 : vector<16xf32> to vector<16xf32>
    tpu.vector_store %arg12[%swap3A_2179], %swap3A_2182 {strides = array<i32>} : memref<128xf32, #tpu.memory_space<vmem>>, vector<16xf32>,
    %swap3A_2183 = arith.constant 80 : index
    %swap3A_2184 = tpu.vector_load %arg12[%swap3A_2183] {strides = array<i32>} : memref<128xf32, #tpu.memory_space<vmem>>, vector<16xf32>,
    %swap3A_2185 = vector.shape_cast %swap3A_2184 : vector<16xf32> to vector<16xf32>
    %swap3A_2186 = vector.shape_cast %add3A_2080 : vector<16xf32> to vector<16xf32>
    tpu.vector_store %arg12[%swap3A_2183], %swap3A_2186 {strides = array<i32>} : memref<128xf32, #tpu.memory_space<vmem>>, vector<16xf32>,
    %swap3A_2187 = arith.constant 96 : index
    %swap3A_2188 = tpu.vector_load %arg12[%swap3A_2187] {strides = array<i32>} : memref<128xf32, #tpu.memory_space<vmem>>, vector<16xf32>,
    %swap3A_2189 = vector.shape_cast %swap3A_2188 : vector<16xf32> to vector<16xf32>
    %swap3A_2190 = vector.shape_cast %add3A_2097 : vector<16xf32> to vector<16xf32>
    tpu.vector_store %arg12[%swap3A_2187], %swap3A_2190 {strides = array<i32>} : memref<128xf32, #tpu.memory_space<vmem>>, vector<16xf32>,
    %swap3A_2191 = arith.constant 112 : index
    %swap3A_2192 = tpu.vector_load %arg12[%swap3A_2191] {strides = array<i32>} : memref<128xf32, #tpu.memory_space<vmem>>, vector<16xf32>,
    %swap3A_2193 = vector.shape_cast %swap3A_2192 : vector<16xf32> to vector<16xf32>
    %swap3A_2194 = vector.shape_cast %select_n3A_2162 : vector<16xf32> to vector<16xf32>
    tpu.vector_store %arg12[%swap3A_2191], %swap3A_2194 {strides = array<i32>} : memref<128xf32, #tpu.memory_space<vmem>>, vector<16xf32>,
    "tpu.region"() ({
      %run_scoped3A = tpu.sem_alloc : memref<!tpu.dma_semaphore, #tpu.memory_space<semaphore_mem>>
      %dma_start3A_2199 = arith.constant 0 : i32
      %dma_start3A_2200 = tpu.memref_slice %arg14[%arg1, %dma_start3A_2199] : memref<16x128xf32, #tpu.memory_space<vmem_shared>> -> memref<1x128xf32, #tpu.memory_space<vmem_shared>>
      %dma_start3A_2201 = tpu.memref_squeeze %dma_start3A_2200 : memref<1x128xf32, #tpu.memory_space<vmem_shared>> -> memref<128xf32, #tpu.memory_space<vmem_shared>>
      %dma_start3A_2202 = arith.constant 0 : i32
      %dma_start3A_2203 = tpu.memref_slice %arg14[%arg1, %dma_start3A_2202] : memref<16x128xf32, #tpu.memory_space<vmem_shared>> -> memref<1x128xf32, #tpu.memory_space<vmem_shared>>
      %dma_start3A_2204 = tpu.memref_squeeze %dma_start3A_2203 : memref<1x128xf32, #tpu.memory_space<vmem_shared>> -> memref<128xf32, #tpu.memory_space<vmem_shared>>
      tpu.enqueue_dma source(%arg12 : memref<128xf32, #tpu.memory_space<vmem>>) target(%dma_start3A_2204 : memref<128xf32, #tpu.memory_space<vmem_shared>>) target_semaphore(%run_scoped3A : memref<!tpu.dma_semaphore, #tpu.memory_space<semaphore_mem>>)
      %dma_wait3A_2205 = arith.constant 0 : i32
      %dma_wait3A_2206 = tpu.memref_slice %arg14[%arg1, %dma_wait3A_2205] : memref<16x128xf32, #tpu.memory_space<vmem_shared>> -> memref<1x128xf32, #tpu.memory_space<vmem_shared>>
      %dma_wait3A_2207 = tpu.memref_squeeze %dma_wait3A_2206 : memref<1x128xf32, #tpu.memory_space<vmem_shared>> -> memref<128xf32, #tpu.memory_space<vmem_shared>>
      %dma_wait3A_2208 = arith.constant 0 : i32
      %dma_wait3A_2209 = tpu.memref_slice %arg14[%arg1, %dma_wait3A_2208] : memref<16x128xf32, #tpu.memory_space<vmem_shared>> -> memref<1x128xf32, #tpu.memory_space<vmem_shared>>
      %dma_wait3A_2210 = tpu.memref_squeeze %dma_wait3A_2209 : memref<1x128xf32, #tpu.memory_space<vmem_shared>> -> memref<128xf32, #tpu.memory_space<vmem_shared>>
      tpu.wait_dma2 semaphore(%run_scoped3A : memref<!tpu.dma_semaphore, #tpu.memory_space<semaphore_mem>>) src(%arg12 : memref<128xf32, #tpu.memory_space<vmem>>) dst(%dma_wait3A_2210 : memref<128xf32, #tpu.memory_space<vmem_shared>>)
      tpu.yield
    }) : () -> ()
    %barrier3A = arith.constant 0 : index
    tpu.barrier barrier_id(%barrier3A)
    %eq3A_2195 = arith.constant 0 : i32
    %eq3A_2196 = arith.cmpi eq, %arg1, %eq3A_2195 : i32
    %convert_element_type3A_2197 = arith.extui %eq3A_2196 : i1 to i32
    %cond3A = arith.constant 0 : i32
    %cond3A_2198 = arith.cmpi ne, %convert_element_type3A_2197, %cond3A : i32
    scf.if %cond3A_2198 {
      "tpu.region"() ({
        %run_scoped3A = tpu.sem_alloc : memref<!tpu.dma_semaphore, #tpu.memory_space<semaphore_mem>>
        tpu.enqueue_dma source(%arg14 : memref<16x128xf32, #tpu.memory_space<vmem_shared>>) target(%arg13 : memref<16x128xf32, #tpu.memory_space<vmem>>) target_semaphore(%run_scoped3A : memref<!tpu.dma_semaphore, #tpu.memory_space<semaphore_mem>>)
        tpu.wait_dma2 semaphore(%run_scoped3A : memref<!tpu.dma_semaphore, #tpu.memory_space<semaphore_mem>>) src(%arg14 : memref<16x128xf32, #tpu.memory_space<vmem_shared>>) dst(%arg13 : memref<16x128xf32, #tpu.memory_space<vmem>>)
        tpu.yield
      }) : () -> ()
      %get3A_2199 = arith.constant 0 : i32
      %get3A_2200 = arith.index_cast %get3A_2199 : i32 to index
      %get3A_2201 = arith.constant 0 : index
      %get3A_2202 = tpu.vector_load %arg13[%get3A_2200, %get3A_2201] {strides = array<i32>} : memref<16x128xf32, #tpu.memory_space<vmem>>, vector<1x16xf32>,
      %get3A_2203 = vector.shape_cast %get3A_2202 : vector<1x16xf32> to vector<16xf32>
      %get3A_2204 = arith.constant 1 : i32
      %get3A_2205 = arith.index_cast %get3A_2204 : i32 to index
      %get3A_2206 = arith.constant 0 : index
      %get3A_2207 = tpu.vector_load %arg13[%get3A_2205, %get3A_2206] {strides = array<i32>} : memref<16x128xf32, #tpu.memory_space<vmem>>, vector<1x16xf32>,
      %get3A_2208 = vector.shape_cast %get3A_2207 : vector<1x16xf32> to vector<16xf32>
      %add3A_2209 = arith.addf %get3A_2203, %get3A_2208 : vector<16xf32>
      %get3A_2210 = arith.constant 2 : i32
      %get3A_2211 = arith.index_cast %get3A_2210 : i32 to index
      %get3A_2212 = arith.constant 0 : index
      %get3A_2213 = tpu.vector_load %arg13[%get3A_2211, %get3A_2212] {strides = array<i32>} : memref<16x128xf32, #tpu.memory_space<vmem>>, vector<1x16xf32>,
      %get3A_2214 = vector.shape_cast %get3A_2213 : vector<1x16xf32> to vector<16xf32>
      %add3A_2215 = arith.addf %add3A_2209, %get3A_2214 : vector<16xf32>
      %get3A_2216 = arith.constant 3 : i32
      %get3A_2217 = arith.index_cast %get3A_2216 : i32 to index
      %get3A_2218 = arith.constant 0 : index
      %get3A_2219 = tpu.vector_load %arg13[%get3A_2217, %get3A_2218] {strides = array<i32>} : memref<16x128xf32, #tpu.memory_space<vmem>>, vector<1x16xf32>,
      %get3A_2220 = vector.shape_cast %get3A_2219 : vector<1x16xf32> to vector<16xf32>
      %add3A_2221 = arith.addf %add3A_2215, %get3A_2220 : vector<16xf32>
      %get3A_2222 = arith.constant 4 : i32
      %get3A_2223 = arith.index_cast %get3A_2222 : i32 to index
      %get3A_2224 = arith.constant 0 : index
      %get3A_2225 = tpu.vector_load %arg13[%get3A_2223, %get3A_2224] {strides = array<i32>} : memref<16x128xf32, #tpu.memory_space<vmem>>, vector<1x16xf32>,
      %get3A_2226 = vector.shape_cast %get3A_2225 : vector<1x16xf32> to vector<16xf32>
      %add3A_2227 = arith.addf %add3A_2221, %get3A_2226 : vector<16xf32>
      %get3A_2228 = arith.constant 5 : i32
      %get3A_2229 = arith.index_cast %get3A_2228 : i32 to index
      %get3A_2230 = arith.constant 0 : index
      %get3A_2231 = tpu.vector_load %arg13[%get3A_2229, %get3A_2230] {strides = array<i32>} : memref<16x128xf32, #tpu.memory_space<vmem>>, vector<1x16xf32>,
      %get3A_2232 = vector.shape_cast %get3A_2231 : vector<1x16xf32> to vector<16xf32>
      %add3A_2233 = arith.addf %add3A_2227, %get3A_2232 : vector<16xf32>
      %get3A_2234 = arith.constant 6 : i32
      %get3A_2235 = arith.index_cast %get3A_2234 : i32 to index
      %get3A_2236 = arith.constant 0 : index
      %get3A_2237 = tpu.vector_load %arg13[%get3A_2235, %get3A_2236] {strides = array<i32>} : memref<16x128xf32, #tpu.memory_space<vmem>>, vector<1x16xf32>,
      %get3A_2238 = vector.shape_cast %get3A_2237 : vector<1x16xf32> to vector<16xf32>
      %add3A_2239 = arith.addf %add3A_2233, %get3A_2238 : vector<16xf32>
      %get3A_2240 = arith.constant 7 : i32
      %get3A_2241 = arith.index_cast %get3A_2240 : i32 to index
      %get3A_2242 = arith.constant 0 : index
      %get3A_2243 = tpu.vector_load %arg13[%get3A_2241, %get3A_2242] {strides = array<i32>} : memref<16x128xf32, #tpu.memory_space<vmem>>, vector<1x16xf32>,
      %get3A_2244 = vector.shape_cast %get3A_2243 : vector<1x16xf32> to vector<16xf32>
      %add3A_2245 = arith.addf %add3A_2239, %get3A_2244 : vector<16xf32>
      %get3A_2246 = arith.constant 8 : i32
      %get3A_2247 = arith.index_cast %get3A_2246 : i32 to index
      %get3A_2248 = arith.constant 0 : index
      %get3A_2249 = tpu.vector_load %arg13[%get3A_2247, %get3A_2248] {strides = array<i32>} : memref<16x128xf32, #tpu.memory_space<vmem>>, vector<1x16xf32>,
      %get3A_2250 = vector.shape_cast %get3A_2249 : vector<1x16xf32> to vector<16xf32>
      %add3A_2251 = arith.addf %add3A_2245, %get3A_2250 : vector<16xf32>
      %get3A_2252 = arith.constant 9 : i32
      %get3A_2253 = arith.index_cast %get3A_2252 : i32 to index
      %get3A_2254 = arith.constant 0 : index
      %get3A_2255 = tpu.vector_load %arg13[%get3A_2253, %get3A_2254] {strides = array<i32>} : memref<16x128xf32, #tpu.memory_space<vmem>>, vector<1x16xf32>,
      %get3A_2256 = vector.shape_cast %get3A_2255 : vector<1x16xf32> to vector<16xf32>
      %add3A_2257 = arith.addf %add3A_2251, %get3A_2256 : vector<16xf32>
      %get3A_2258 = arith.constant 10 : i32
      %get3A_2259 = arith.index_cast %get3A_2258 : i32 to index
      %get3A_2260 = arith.constant 0 : index
      %get3A_2261 = tpu.vector_load %arg13[%get3A_2259, %get3A_2260] {strides = array<i32>} : memref<16x128xf32, #tpu.memory_space<vmem>>, vector<1x16xf32>,
      %get3A_2262 = vector.shape_cast %get3A_2261 : vector<1x16xf32> to vector<16xf32>
      %add3A_2263 = arith.addf %add3A_2257, %get3A_2262 : vector<16xf32>
      %get3A_2264 = arith.constant 11 : i32
      %get3A_2265 = arith.index_cast %get3A_2264 : i32 to index
      %get3A_2266 = arith.constant 0 : index
      %get3A_2267 = tpu.vector_load %arg13[%get3A_2265, %get3A_2266] {strides = array<i32>} : memref<16x128xf32, #tpu.memory_space<vmem>>, vector<1x16xf32>,
      %get3A_2268 = vector.shape_cast %get3A_2267 : vector<1x16xf32> to vector<16xf32>
      %add3A_2269 = arith.addf %add3A_2263, %get3A_2268 : vector<16xf32>
      %get3A_2270 = arith.constant 12 : i32
      %get3A_2271 = arith.index_cast %get3A_2270 : i32 to index
      %get3A_2272 = arith.constant 0 : index
      %get3A_2273 = tpu.vector_load %arg13[%get3A_2271, %get3A_2272] {strides = array<i32>} : memref<16x128xf32, #tpu.memory_space<vmem>>, vector<1x16xf32>,
      %get3A_2274 = vector.shape_cast %get3A_2273 : vector<1x16xf32> to vector<16xf32>
      %add3A_2275 = arith.addf %add3A_2269, %get3A_2274 : vector<16xf32>
      %get3A_2276 = arith.constant 13 : i32
      %get3A_2277 = arith.index_cast %get3A_2276 : i32 to index
      %get3A_2278 = arith.constant 0 : index
      %get3A_2279 = tpu.vector_load %arg13[%get3A_2277, %get3A_2278] {strides = array<i32>} : memref<16x128xf32, #tpu.memory_space<vmem>>, vector<1x16xf32>,
      %get3A_2280 = vector.shape_cast %get3A_2279 : vector<1x16xf32> to vector<16xf32>
      %add3A_2281 = arith.addf %add3A_2275, %get3A_2280 : vector<16xf32>
      %get3A_2282 = arith.constant 14 : i32
      %get3A_2283 = arith.index_cast %get3A_2282 : i32 to index
      %get3A_2284 = arith.constant 0 : index
      %get3A_2285 = tpu.vector_load %arg13[%get3A_2283, %get3A_2284] {strides = array<i32>} : memref<16x128xf32, #tpu.memory_space<vmem>>, vector<1x16xf32>,
      %get3A_2286 = vector.shape_cast %get3A_2285 : vector<1x16xf32> to vector<16xf32>
      %add3A_2287 = arith.addf %add3A_2281, %get3A_2286 : vector<16xf32>
      %get3A_2288 = arith.constant 15 : i32
      %get3A_2289 = arith.index_cast %get3A_2288 : i32 to index
      %get3A_2290 = arith.constant 0 : index
      %get3A_2291 = tpu.vector_load %arg13[%get3A_2289, %get3A_2290] {strides = array<i32>} : memref<16x128xf32, #tpu.memory_space<vmem>>, vector<1x16xf32>,
      %get3A_2292 = vector.shape_cast %get3A_2291 : vector<1x16xf32> to vector<16xf32>
      %add3A_2293 = arith.addf %add3A_2287, %get3A_2292 : vector<16xf32>
      %swap3A_2294 = arith.constant 0 : index
      %swap3A_2295 = tpu.vector_load %arg12[%swap3A_2294] {strides = array<i32>} : memref<128xf32, #tpu.memory_space<vmem>>, vector<16xf32>,
      %swap3A_2296 = vector.shape_cast %swap3A_2295 : vector<16xf32> to vector<16xf32>
      %swap3A_2297 = vector.shape_cast %add3A_2293 : vector<16xf32> to vector<16xf32>
      tpu.vector_store %arg12[%swap3A_2294], %swap3A_2297 {strides = array<i32>} : memref<128xf32, #tpu.memory_space<vmem>>, vector<16xf32>,
      %get3A_2298 = arith.constant 0 : i32
      %get3A_2299 = arith.index_cast %get3A_2298 : i32 to index
      %get3A_2300 = arith.constant 16 : index
      %get3A_2301 = tpu.vector_load %arg13[%get3A_2299, %get3A_2300] {strides = array<i32>} : memref<16x128xf32, #tpu.memory_space<vmem>>, vector<1x16xf32>,
      %get3A_2302 = vector.shape_cast %get3A_2301 : vector<1x16xf32> to vector<16xf32>
      %get3A_2303 = arith.constant 1 : i32
      %get3A_2304 = arith.index_cast %get3A_2303 : i32 to index
      %get3A_2305 = arith.constant 16 : index
      %get3A_2306 = tpu.vector_load %arg13[%get3A_2304, %get3A_2305] {strides = array<i32>} : memref<16x128xf32, #tpu.memory_space<vmem>>, vector<1x16xf32>,
      %get3A_2307 = vector.shape_cast %get3A_2306 : vector<1x16xf32> to vector<16xf32>
      %add3A_2308 = arith.addf %get3A_2302, %get3A_2307 : vector<16xf32>
      %get3A_2309 = arith.constant 2 : i32
      %get3A_2310 = arith.index_cast %get3A_2309 : i32 to index
      %get3A_2311 = arith.constant 16 : index
      %get3A_2312 = tpu.vector_load %arg13[%get3A_2310, %get3A_2311] {strides = array<i32>} : memref<16x128xf32, #tpu.memory_space<vmem>>, vector<1x16xf32>,
      %get3A_2313 = vector.shape_cast %get3A_2312 : vector<1x16xf32> to vector<16xf32>
      %add3A_2314 = arith.addf %add3A_2308, %get3A_2313 : vector<16xf32>
      %get3A_2315 = arith.constant 3 : i32
      %get3A_2316 = arith.index_cast %get3A_2315 : i32 to index
      %get3A_2317 = arith.constant 16 : index
      %get3A_2318 = tpu.vector_load %arg13[%get3A_2316, %get3A_2317] {strides = array<i32>} : memref<16x128xf32, #tpu.memory_space<vmem>>, vector<1x16xf32>,
      %get3A_2319 = vector.shape_cast %get3A_2318 : vector<1x16xf32> to vector<16xf32>
      %add3A_2320 = arith.addf %add3A_2314, %get3A_2319 : vector<16xf32>
      %get3A_2321 = arith.constant 4 : i32
      %get3A_2322 = arith.index_cast %get3A_2321 : i32 to index
      %get3A_2323 = arith.constant 16 : index
      %get3A_2324 = tpu.vector_load %arg13[%get3A_2322, %get3A_2323] {strides = array<i32>} : memref<16x128xf32, #tpu.memory_space<vmem>>, vector<1x16xf32>,
      %get3A_2325 = vector.shape_cast %get3A_2324 : vector<1x16xf32> to vector<16xf32>
      %add3A_2326 = arith.addf %add3A_2320, %get3A_2325 : vector<16xf32>
      %get3A_2327 = arith.constant 5 : i32
      %get3A_2328 = arith.index_cast %get3A_2327 : i32 to index
      %get3A_2329 = arith.constant 16 : index
      %get3A_2330 = tpu.vector_load %arg13[%get3A_2328, %get3A_2329] {strides = array<i32>} : memref<16x128xf32, #tpu.memory_space<vmem>>, vector<1x16xf32>,
      %get3A_2331 = vector.shape_cast %get3A_2330 : vector<1x16xf32> to vector<16xf32>
      %add3A_2332 = arith.addf %add3A_2326, %get3A_2331 : vector<16xf32>
      %get3A_2333 = arith.constant 6 : i32
      %get3A_2334 = arith.index_cast %get3A_2333 : i32 to index
      %get3A_2335 = arith.constant 16 : index
      %get3A_2336 = tpu.vector_load %arg13[%get3A_2334, %get3A_2335] {strides = array<i32>} : memref<16x128xf32, #tpu.memory_space<vmem>>, vector<1x16xf32>,
      %get3A_2337 = vector.shape_cast %get3A_2336 : vector<1x16xf32> to vector<16xf32>
      %add3A_2338 = arith.addf %add3A_2332, %get3A_2337 : vector<16xf32>
      %get3A_2339 = arith.constant 7 : i32
      %get3A_2340 = arith.index_cast %get3A_2339 : i32 to index
      %get3A_2341 = arith.constant 16 : index
      %get3A_2342 = tpu.vector_load %arg13[%get3A_2340, %get3A_2341] {strides = array<i32>} : memref<16x128xf32, #tpu.memory_space<vmem>>, vector<1x16xf32>,
      %get3A_2343 = vector.shape_cast %get3A_2342 : vector<1x16xf32> to vector<16xf32>
      %add3A_2344 = arith.addf %add3A_2338, %get3A_2343 : vector<16xf32>
      %get3A_2345 = arith.constant 8 : i32
      %get3A_2346 = arith.index_cast %get3A_2345 : i32 to index
      %get3A_2347 = arith.constant 16 : index
      %get3A_2348 = tpu.vector_load %arg13[%get3A_2346, %get3A_2347] {strides = array<i32>} : memref<16x128xf32, #tpu.memory_space<vmem>>, vector<1x16xf32>,
      %get3A_2349 = vector.shape_cast %get3A_2348 : vector<1x16xf32> to vector<16xf32>
      %add3A_2350 = arith.addf %add3A_2344, %get3A_2349 : vector<16xf32>
      %get3A_2351 = arith.constant 9 : i32
      %get3A_2352 = arith.index_cast %get3A_2351 : i32 to index
      %get3A_2353 = arith.constant 16 : index
      %get3A_2354 = tpu.vector_load %arg13[%get3A_2352, %get3A_2353] {strides = array<i32>} : memref<16x128xf32, #tpu.memory_space<vmem>>, vector<1x16xf32>,
      %get3A_2355 = vector.shape_cast %get3A_2354 : vector<1x16xf32> to vector<16xf32>
      %add3A_2356 = arith.addf %add3A_2350, %get3A_2355 : vector<16xf32>
      %get3A_2357 = arith.constant 10 : i32
      %get3A_2358 = arith.index_cast %get3A_2357 : i32 to index
      %get3A_2359 = arith.constant 16 : index
      %get3A_2360 = tpu.vector_load %arg13[%get3A_2358, %get3A_2359] {strides = array<i32>} : memref<16x128xf32, #tpu.memory_space<vmem>>, vector<1x16xf32>,
      %get3A_2361 = vector.shape_cast %get3A_2360 : vector<1x16xf32> to vector<16xf32>
      %add3A_2362 = arith.addf %add3A_2356, %get3A_2361 : vector<16xf32>
      %get3A_2363 = arith.constant 11 : i32
      %get3A_2364 = arith.index_cast %get3A_2363 : i32 to index
      %get3A_2365 = arith.constant 16 : index
      %get3A_2366 = tpu.vector_load %arg13[%get3A_2364, %get3A_2365] {strides = array<i32>} : memref<16x128xf32, #tpu.memory_space<vmem>>, vector<1x16xf32>,
      %get3A_2367 = vector.shape_cast %get3A_2366 : vector<1x16xf32> to vector<16xf32>
      %add3A_2368 = arith.addf %add3A_2362, %get3A_2367 : vector<16xf32>
      %get3A_2369 = arith.constant 12 : i32
      %get3A_2370 = arith.index_cast %get3A_2369 : i32 to index
      %get3A_2371 = arith.constant 16 : index
      %get3A_2372 = tpu.vector_load %arg13[%get3A_2370, %get3A_2371] {strides = array<i32>} : memref<16x128xf32, #tpu.memory_space<vmem>>, vector<1x16xf32>,
      %get3A_2373 = vector.shape_cast %get3A_2372 : vector<1x16xf32> to vector<16xf32>
      %add3A_2374 = arith.addf %add3A_2368, %get3A_2373 : vector<16xf32>
      %get3A_2375 = arith.constant 13 : i32
      %get3A_2376 = arith.index_cast %get3A_2375 : i32 to index
      %get3A_2377 = arith.constant 16 : index
      %get3A_2378 = tpu.vector_load %arg13[%get3A_2376, %get3A_2377] {strides = array<i32>} : memref<16x128xf32, #tpu.memory_space<vmem>>, vector<1x16xf32>,
      %get3A_2379 = vector.shape_cast %get3A_2378 : vector<1x16xf32> to vector<16xf32>
      %add3A_2380 = arith.addf %add3A_2374, %get3A_2379 : vector<16xf32>
      %get3A_2381 = arith.constant 14 : i32
      %get3A_2382 = arith.index_cast %get3A_2381 : i32 to index
      %get3A_2383 = arith.constant 16 : index
      %get3A_2384 = tpu.vector_load %arg13[%get3A_2382, %get3A_2383] {strides = array<i32>} : memref<16x128xf32, #tpu.memory_space<vmem>>, vector<1x16xf32>,
      %get3A_2385 = vector.shape_cast %get3A_2384 : vector<1x16xf32> to vector<16xf32>
      %add3A_2386 = arith.addf %add3A_2380, %get3A_2385 : vector<16xf32>
      %get3A_2387 = arith.constant 15 : i32
      %get3A_2388 = arith.index_cast %get3A_2387 : i32 to index
      %get3A_2389 = arith.constant 16 : index
      %get3A_2390 = tpu.vector_load %arg13[%get3A_2388, %get3A_2389] {strides = array<i32>} : memref<16x128xf32, #tpu.memory_space<vmem>>, vector<1x16xf32>,
      %get3A_2391 = vector.shape_cast %get3A_2390 : vector<1x16xf32> to vector<16xf32>
      %add3A_2392 = arith.addf %add3A_2386, %get3A_2391 : vector<16xf32>
      %swap3A_2393 = arith.constant 16 : index
      %swap3A_2394 = tpu.vector_load %arg12[%swap3A_2393] {strides = array<i32>} : memref<128xf32, #tpu.memory_space<vmem>>, vector<16xf32>,
      %swap3A_2395 = vector.shape_cast %swap3A_2394 : vector<16xf32> to vector<16xf32>
      %swap3A_2396 = vector.shape_cast %add3A_2392 : vector<16xf32> to vector<16xf32>
      tpu.vector_store %arg12[%swap3A_2393], %swap3A_2396 {strides = array<i32>} : memref<128xf32, #tpu.memory_space<vmem>>, vector<16xf32>,
      %get3A_2397 = arith.constant 0 : i32
      %get3A_2398 = arith.index_cast %get3A_2397 : i32 to index
      %get3A_2399 = arith.constant 32 : index
      %get3A_2400 = tpu.vector_load %arg13[%get3A_2398, %get3A_2399] {strides = array<i32>} : memref<16x128xf32, #tpu.memory_space<vmem>>, vector<1x16xf32>,
      %get3A_2401 = vector.shape_cast %get3A_2400 : vector<1x16xf32> to vector<16xf32>
      %get3A_2402 = arith.constant 1 : i32
      %get3A_2403 = arith.index_cast %get3A_2402 : i32 to index
      %get3A_2404 = arith.constant 32 : index
      %get3A_2405 = tpu.vector_load %arg13[%get3A_2403, %get3A_2404] {strides = array<i32>} : memref<16x128xf32, #tpu.memory_space<vmem>>, vector<1x16xf32>,
      %get3A_2406 = vector.shape_cast %get3A_2405 : vector<1x16xf32> to vector<16xf32>
      %add3A_2407 = arith.addf %get3A_2401, %get3A_2406 : vector<16xf32>
      %get3A_2408 = arith.constant 2 : i32
      %get3A_2409 = arith.index_cast %get3A_2408 : i32 to index
      %get3A_2410 = arith.constant 32 : index
      %get3A_2411 = tpu.vector_load %arg13[%get3A_2409, %get3A_2410] {strides = array<i32>} : memref<16x128xf32, #tpu.memory_space<vmem>>, vector<1x16xf32>,
      %get3A_2412 = vector.shape_cast %get3A_2411 : vector<1x16xf32> to vector<16xf32>
      %add3A_2413 = arith.addf %add3A_2407, %get3A_2412 : vector<16xf32>
      %get3A_2414 = arith.constant 3 : i32
      %get3A_2415 = arith.index_cast %get3A_2414 : i32 to index
      %get3A_2416 = arith.constant 32 : index
      %get3A_2417 = tpu.vector_load %arg13[%get3A_2415, %get3A_2416] {strides = array<i32>} : memref<16x128xf32, #tpu.memory_space<vmem>>, vector<1x16xf32>,
      %get3A_2418 = vector.shape_cast %get3A_2417 : vector<1x16xf32> to vector<16xf32>
      %add3A_2419 = arith.addf %add3A_2413, %get3A_2418 : vector<16xf32>
      %get3A_2420 = arith.constant 4 : i32
      %get3A_2421 = arith.index_cast %get3A_2420 : i32 to index
      %get3A_2422 = arith.constant 32 : index
      %get3A_2423 = tpu.vector_load %arg13[%get3A_2421, %get3A_2422] {strides = array<i32>} : memref<16x128xf32, #tpu.memory_space<vmem>>, vector<1x16xf32>,
      %get3A_2424 = vector.shape_cast %get3A_2423 : vector<1x16xf32> to vector<16xf32>
      %add3A_2425 = arith.addf %add3A_2419, %get3A_2424 : vector<16xf32>
      %get3A_2426 = arith.constant 5 : i32
      %get3A_2427 = arith.index_cast %get3A_2426 : i32 to index
      %get3A_2428 = arith.constant 32 : index
      %get3A_2429 = tpu.vector_load %arg13[%get3A_2427, %get3A_2428] {strides = array<i32>} : memref<16x128xf32, #tpu.memory_space<vmem>>, vector<1x16xf32>,
      %get3A_2430 = vector.shape_cast %get3A_2429 : vector<1x16xf32> to vector<16xf32>
      %add3A_2431 = arith.addf %add3A_2425, %get3A_2430 : vector<16xf32>
      %get3A_2432 = arith.constant 6 : i32
      %get3A_2433 = arith.index_cast %get3A_2432 : i32 to index
      %get3A_2434 = arith.constant 32 : index
      %get3A_2435 = tpu.vector_load %arg13[%get3A_2433, %get3A_2434] {strides = array<i32>} : memref<16x128xf32, #tpu.memory_space<vmem>>, vector<1x16xf32>,
      %get3A_2436 = vector.shape_cast %get3A_2435 : vector<1x16xf32> to vector<16xf32>
      %add3A_2437 = arith.addf %add3A_2431, %get3A_2436 : vector<16xf32>
      %get3A_2438 = arith.constant 7 : i32
      %get3A_2439 = arith.index_cast %get3A_2438 : i32 to index
      %get3A_2440 = arith.constant 32 : index
      %get3A_2441 = tpu.vector_load %arg13[%get3A_2439, %get3A_2440] {strides = array<i32>} : memref<16x128xf32, #tpu.memory_space<vmem>>, vector<1x16xf32>,
      %get3A_2442 = vector.shape_cast %get3A_2441 : vector<1x16xf32> to vector<16xf32>
      %add3A_2443 = arith.addf %add3A_2437, %get3A_2442 : vector<16xf32>
      %get3A_2444 = arith.constant 8 : i32
      %get3A_2445 = arith.index_cast %get3A_2444 : i32 to index
      %get3A_2446 = arith.constant 32 : index
      %get3A_2447 = tpu.vector_load %arg13[%get3A_2445, %get3A_2446] {strides = array<i32>} : memref<16x128xf32, #tpu.memory_space<vmem>>, vector<1x16xf32>,
      %get3A_2448 = vector.shape_cast %get3A_2447 : vector<1x16xf32> to vector<16xf32>
      %add3A_2449 = arith.addf %add3A_2443, %get3A_2448 : vector<16xf32>
      %get3A_2450 = arith.constant 9 : i32
      %get3A_2451 = arith.index_cast %get3A_2450 : i32 to index
      %get3A_2452 = arith.constant 32 : index
      %get3A_2453 = tpu.vector_load %arg13[%get3A_2451, %get3A_2452] {strides = array<i32>} : memref<16x128xf32, #tpu.memory_space<vmem>>, vector<1x16xf32>,
      %get3A_2454 = vector.shape_cast %get3A_2453 : vector<1x16xf32> to vector<16xf32>
      %add3A_2455 = arith.addf %add3A_2449, %get3A_2454 : vector<16xf32>
      %get3A_2456 = arith.constant 10 : i32
      %get3A_2457 = arith.index_cast %get3A_2456 : i32 to index
      %get3A_2458 = arith.constant 32 : index
      %get3A_2459 = tpu.vector_load %arg13[%get3A_2457, %get3A_2458] {strides = array<i32>} : memref<16x128xf32, #tpu.memory_space<vmem>>, vector<1x16xf32>,
      %get3A_2460 = vector.shape_cast %get3A_2459 : vector<1x16xf32> to vector<16xf32>
      %add3A_2461 = arith.addf %add3A_2455, %get3A_2460 : vector<16xf32>
      %get3A_2462 = arith.constant 11 : i32
      %get3A_2463 = arith.index_cast %get3A_2462 : i32 to index
      %get3A_2464 = arith.constant 32 : index
      %get3A_2465 = tpu.vector_load %arg13[%get3A_2463, %get3A_2464] {strides = array<i32>} : memref<16x128xf32, #tpu.memory_space<vmem>>, vector<1x16xf32>,
      %get3A_2466 = vector.shape_cast %get3A_2465 : vector<1x16xf32> to vector<16xf32>
      %add3A_2467 = arith.addf %add3A_2461, %get3A_2466 : vector<16xf32>
      %get3A_2468 = arith.constant 12 : i32
      %get3A_2469 = arith.index_cast %get3A_2468 : i32 to index
      %get3A_2470 = arith.constant 32 : index
      %get3A_2471 = tpu.vector_load %arg13[%get3A_2469, %get3A_2470] {strides = array<i32>} : memref<16x128xf32, #tpu.memory_space<vmem>>, vector<1x16xf32>,
      %get3A_2472 = vector.shape_cast %get3A_2471 : vector<1x16xf32> to vector<16xf32>
      %add3A_2473 = arith.addf %add3A_2467, %get3A_2472 : vector<16xf32>
      %get3A_2474 = arith.constant 13 : i32
      %get3A_2475 = arith.index_cast %get3A_2474 : i32 to index
      %get3A_2476 = arith.constant 32 : index
      %get3A_2477 = tpu.vector_load %arg13[%get3A_2475, %get3A_2476] {strides = array<i32>} : memref<16x128xf32, #tpu.memory_space<vmem>>, vector<1x16xf32>,
      %get3A_2478 = vector.shape_cast %get3A_2477 : vector<1x16xf32> to vector<16xf32>
      %add3A_2479 = arith.addf %add3A_2473, %get3A_2478 : vector<16xf32>
      %get3A_2480 = arith.constant 14 : i32
      %get3A_2481 = arith.index_cast %get3A_2480 : i32 to index
      %get3A_2482 = arith.constant 32 : index
      %get3A_2483 = tpu.vector_load %arg13[%get3A_2481, %get3A_2482] {strides = array<i32>} : memref<16x128xf32, #tpu.memory_space<vmem>>, vector<1x16xf32>,
      %get3A_2484 = vector.shape_cast %get3A_2483 : vector<1x16xf32> to vector<16xf32>
      %add3A_2485 = arith.addf %add3A_2479, %get3A_2484 : vector<16xf32>
      %get3A_2486 = arith.constant 15 : i32
      %get3A_2487 = arith.index_cast %get3A_2486 : i32 to index
      %get3A_2488 = arith.constant 32 : index
      %get3A_2489 = tpu.vector_load %arg13[%get3A_2487, %get3A_2488] {strides = array<i32>} : memref<16x128xf32, #tpu.memory_space<vmem>>, vector<1x16xf32>,
      %get3A_2490 = vector.shape_cast %get3A_2489 : vector<1x16xf32> to vector<16xf32>
      %add3A_2491 = arith.addf %add3A_2485, %get3A_2490 : vector<16xf32>
      %swap3A_2492 = arith.constant 32 : index
      %swap3A_2493 = tpu.vector_load %arg12[%swap3A_2492] {strides = array<i32>} : memref<128xf32, #tpu.memory_space<vmem>>, vector<16xf32>,
      %swap3A_2494 = vector.shape_cast %swap3A_2493 : vector<16xf32> to vector<16xf32>
      %swap3A_2495 = vector.shape_cast %add3A_2491 : vector<16xf32> to vector<16xf32>
      tpu.vector_store %arg12[%swap3A_2492], %swap3A_2495 {strides = array<i32>} : memref<128xf32, #tpu.memory_space<vmem>>, vector<16xf32>,
      %get3A_2496 = arith.constant 0 : i32
      %get3A_2497 = arith.index_cast %get3A_2496 : i32 to index
      %get3A_2498 = arith.constant 48 : index
      %get3A_2499 = tpu.vector_load %arg13[%get3A_2497, %get3A_2498] {strides = array<i32>} : memref<16x128xf32, #tpu.memory_space<vmem>>, vector<1x16xf32>,
      %get3A_2500 = vector.shape_cast %get3A_2499 : vector<1x16xf32> to vector<16xf32>
      %get3A_2501 = arith.constant 1 : i32
      %get3A_2502 = arith.index_cast %get3A_2501 : i32 to index
      %get3A_2503 = arith.constant 48 : index
      %get3A_2504 = tpu.vector_load %arg13[%get3A_2502, %get3A_2503] {strides = array<i32>} : memref<16x128xf32, #tpu.memory_space<vmem>>, vector<1x16xf32>,
      %get3A_2505 = vector.shape_cast %get3A_2504 : vector<1x16xf32> to vector<16xf32>
      %add3A_2506 = arith.addf %get3A_2500, %get3A_2505 : vector<16xf32>
      %get3A_2507 = arith.constant 2 : i32
      %get3A_2508 = arith.index_cast %get3A_2507 : i32 to index
      %get3A_2509 = arith.constant 48 : index
      %get3A_2510 = tpu.vector_load %arg13[%get3A_2508, %get3A_2509] {strides = array<i32>} : memref<16x128xf32, #tpu.memory_space<vmem>>, vector<1x16xf32>,
      %get3A_2511 = vector.shape_cast %get3A_2510 : vector<1x16xf32> to vector<16xf32>
      %add3A_2512 = arith.addf %add3A_2506, %get3A_2511 : vector<16xf32>
      %get3A_2513 = arith.constant 3 : i32
      %get3A_2514 = arith.index_cast %get3A_2513 : i32 to index
      %get3A_2515 = arith.constant 48 : index
      %get3A_2516 = tpu.vector_load %arg13[%get3A_2514, %get3A_2515] {strides = array<i32>} : memref<16x128xf32, #tpu.memory_space<vmem>>, vector<1x16xf32>,
      %get3A_2517 = vector.shape_cast %get3A_2516 : vector<1x16xf32> to vector<16xf32>
      %add3A_2518 = arith.addf %add3A_2512, %get3A_2517 : vector<16xf32>
      %get3A_2519 = arith.constant 4 : i32
      %get3A_2520 = arith.index_cast %get3A_2519 : i32 to index
      %get3A_2521 = arith.constant 48 : index
      %get3A_2522 = tpu.vector_load %arg13[%get3A_2520, %get3A_2521] {strides = array<i32>} : memref<16x128xf32, #tpu.memory_space<vmem>>, vector<1x16xf32>,
      %get3A_2523 = vector.shape_cast %get3A_2522 : vector<1x16xf32> to vector<16xf32>
      %add3A_2524 = arith.addf %add3A_2518, %get3A_2523 : vector<16xf32>
      %get3A_2525 = arith.constant 5 : i32
      %get3A_2526 = arith.index_cast %get3A_2525 : i32 to index
      %get3A_2527 = arith.constant 48 : index
      %get3A_2528 = tpu.vector_load %arg13[%get3A_2526, %get3A_2527] {strides = array<i32>} : memref<16x128xf32, #tpu.memory_space<vmem>>, vector<1x16xf32>,
      %get3A_2529 = vector.shape_cast %get3A_2528 : vector<1x16xf32> to vector<16xf32>
      %add3A_2530 = arith.addf %add3A_2524, %get3A_2529 : vector<16xf32>
      %get3A_2531 = arith.constant 6 : i32
      %get3A_2532 = arith.index_cast %get3A_2531 : i32 to index
      %get3A_2533 = arith.constant 48 : index
      %get3A_2534 = tpu.vector_load %arg13[%get3A_2532, %get3A_2533] {strides = array<i32>} : memref<16x128xf32, #tpu.memory_space<vmem>>, vector<1x16xf32>,
      %get3A_2535 = vector.shape_cast %get3A_2534 : vector<1x16xf32> to vector<16xf32>
      %add3A_2536 = arith.addf %add3A_2530, %get3A_2535 : vector<16xf32>
      %get3A_2537 = arith.constant 7 : i32
      %get3A_2538 = arith.index_cast %get3A_2537 : i32 to index
      %get3A_2539 = arith.constant 48 : index
      %get3A_2540 = tpu.vector_load %arg13[%get3A_2538, %get3A_2539] {strides = array<i32>} : memref<16x128xf32, #tpu.memory_space<vmem>>, vector<1x16xf32>,
      %get3A_2541 = vector.shape_cast %get3A_2540 : vector<1x16xf32> to vector<16xf32>
      %add3A_2542 = arith.addf %add3A_2536, %get3A_2541 : vector<16xf32>
      %get3A_2543 = arith.constant 8 : i32
      %get3A_2544 = arith.index_cast %get3A_2543 : i32 to index
      %get3A_2545 = arith.constant 48 : index
      %get3A_2546 = tpu.vector_load %arg13[%get3A_2544, %get3A_2545] {strides = array<i32>} : memref<16x128xf32, #tpu.memory_space<vmem>>, vector<1x16xf32>,
      %get3A_2547 = vector.shape_cast %get3A_2546 : vector<1x16xf32> to vector<16xf32>
      %add3A_2548 = arith.addf %add3A_2542, %get3A_2547 : vector<16xf32>
      %get3A_2549 = arith.constant 9 : i32
      %get3A_2550 = arith.index_cast %get3A_2549 : i32 to index
      %get3A_2551 = arith.constant 48 : index
      %get3A_2552 = tpu.vector_load %arg13[%get3A_2550, %get3A_2551] {strides = array<i32>} : memref<16x128xf32, #tpu.memory_space<vmem>>, vector<1x16xf32>,
      %get3A_2553 = vector.shape_cast %get3A_2552 : vector<1x16xf32> to vector<16xf32>
      %add3A_2554 = arith.addf %add3A_2548, %get3A_2553 : vector<16xf32>
      %get3A_2555 = arith.constant 10 : i32
      %get3A_2556 = arith.index_cast %get3A_2555 : i32 to index
      %get3A_2557 = arith.constant 48 : index
      %get3A_2558 = tpu.vector_load %arg13[%get3A_2556, %get3A_2557] {strides = array<i32>} : memref<16x128xf32, #tpu.memory_space<vmem>>, vector<1x16xf32>,
      %get3A_2559 = vector.shape_cast %get3A_2558 : vector<1x16xf32> to vector<16xf32>
      %add3A_2560 = arith.addf %add3A_2554, %get3A_2559 : vector<16xf32>
      %get3A_2561 = arith.constant 11 : i32
      %get3A_2562 = arith.index_cast %get3A_2561 : i32 to index
      %get3A_2563 = arith.constant 48 : index
      %get3A_2564 = tpu.vector_load %arg13[%get3A_2562, %get3A_2563] {strides = array<i32>} : memref<16x128xf32, #tpu.memory_space<vmem>>, vector<1x16xf32>,
      %get3A_2565 = vector.shape_cast %get3A_2564 : vector<1x16xf32> to vector<16xf32>
      %add3A_2566 = arith.addf %add3A_2560, %get3A_2565 : vector<16xf32>
      %get3A_2567 = arith.constant 12 : i32
      %get3A_2568 = arith.index_cast %get3A_2567 : i32 to index
      %get3A_2569 = arith.constant 48 : index
      %get3A_2570 = tpu.vector_load %arg13[%get3A_2568, %get3A_2569] {strides = array<i32>} : memref<16x128xf32, #tpu.memory_space<vmem>>, vector<1x16xf32>,
      %get3A_2571 = vector.shape_cast %get3A_2570 : vector<1x16xf32> to vector<16xf32>
      %add3A_2572 = arith.addf %add3A_2566, %get3A_2571 : vector<16xf32>
      %get3A_2573 = arith.constant 13 : i32
      %get3A_2574 = arith.index_cast %get3A_2573 : i32 to index
      %get3A_2575 = arith.constant 48 : index
      %get3A_2576 = tpu.vector_load %arg13[%get3A_2574, %get3A_2575] {strides = array<i32>} : memref<16x128xf32, #tpu.memory_space<vmem>>, vector<1x16xf32>,
      %get3A_2577 = vector.shape_cast %get3A_2576 : vector<1x16xf32> to vector<16xf32>
      %add3A_2578 = arith.addf %add3A_2572, %get3A_2577 : vector<16xf32>
      %get3A_2579 = arith.constant 14 : i32
      %get3A_2580 = arith.index_cast %get3A_2579 : i32 to index
      %get3A_2581 = arith.constant 48 : index
      %get3A_2582 = tpu.vector_load %arg13[%get3A_2580, %get3A_2581] {strides = array<i32>} : memref<16x128xf32, #tpu.memory_space<vmem>>, vector<1x16xf32>,
      %get3A_2583 = vector.shape_cast %get3A_2582 : vector<1x16xf32> to vector<16xf32>
      %add3A_2584 = arith.addf %add3A_2578, %get3A_2583 : vector<16xf32>
      %get3A_2585 = arith.constant 15 : i32
      %get3A_2586 = arith.index_cast %get3A_2585 : i32 to index
      %get3A_2587 = arith.constant 48 : index
      %get3A_2588 = tpu.vector_load %arg13[%get3A_2586, %get3A_2587] {strides = array<i32>} : memref<16x128xf32, #tpu.memory_space<vmem>>, vector<1x16xf32>,
      %get3A_2589 = vector.shape_cast %get3A_2588 : vector<1x16xf32> to vector<16xf32>
      %add3A_2590 = arith.addf %add3A_2584, %get3A_2589 : vector<16xf32>
      %swap3A_2591 = arith.constant 48 : index
      %swap3A_2592 = tpu.vector_load %arg12[%swap3A_2591] {strides = array<i32>} : memref<128xf32, #tpu.memory_space<vmem>>, vector<16xf32>,
      %swap3A_2593 = vector.shape_cast %swap3A_2592 : vector<16xf32> to vector<16xf32>
      %swap3A_2594 = vector.shape_cast %add3A_2590 : vector<16xf32> to vector<16xf32>
      tpu.vector_store %arg12[%swap3A_2591], %swap3A_2594 {strides = array<i32>} : memref<128xf32, #tpu.memory_space<vmem>>, vector<16xf32>,
      %get3A_2595 = arith.constant 0 : i32
      %get3A_2596 = arith.index_cast %get3A_2595 : i32 to index
      %get3A_2597 = arith.constant 64 : index
      %get3A_2598 = tpu.vector_load %arg13[%get3A_2596, %get3A_2597] {strides = array<i32>} : memref<16x128xf32, #tpu.memory_space<vmem>>, vector<1x16xf32>,
      %get3A_2599 = vector.shape_cast %get3A_2598 : vector<1x16xf32> to vector<16xf32>
      %get3A_2600 = arith.constant 1 : i32
      %get3A_2601 = arith.index_cast %get3A_2600 : i32 to index
      %get3A_2602 = arith.constant 64 : index
      %get3A_2603 = tpu.vector_load %arg13[%get3A_2601, %get3A_2602] {strides = array<i32>} : memref<16x128xf32, #tpu.memory_space<vmem>>, vector<1x16xf32>,
      %get3A_2604 = vector.shape_cast %get3A_2603 : vector<1x16xf32> to vector<16xf32>
      %add3A_2605 = arith.addf %get3A_2599, %get3A_2604 : vector<16xf32>
      %get3A_2606 = arith.constant 2 : i32
      %get3A_2607 = arith.index_cast %get3A_2606 : i32 to index
      %get3A_2608 = arith.constant 64 : index
      %get3A_2609 = tpu.vector_load %arg13[%get3A_2607, %get3A_2608] {strides = array<i32>} : memref<16x128xf32, #tpu.memory_space<vmem>>, vector<1x16xf32>,
      %get3A_2610 = vector.shape_cast %get3A_2609 : vector<1x16xf32> to vector<16xf32>
      %add3A_2611 = arith.addf %add3A_2605, %get3A_2610 : vector<16xf32>
      %get3A_2612 = arith.constant 3 : i32
      %get3A_2613 = arith.index_cast %get3A_2612 : i32 to index
      %get3A_2614 = arith.constant 64 : index
      %get3A_2615 = tpu.vector_load %arg13[%get3A_2613, %get3A_2614] {strides = array<i32>} : memref<16x128xf32, #tpu.memory_space<vmem>>, vector<1x16xf32>,
      %get3A_2616 = vector.shape_cast %get3A_2615 : vector<1x16xf32> to vector<16xf32>
      %add3A_2617 = arith.addf %add3A_2611, %get3A_2616 : vector<16xf32>
      %get3A_2618 = arith.constant 4 : i32
      %get3A_2619 = arith.index_cast %get3A_2618 : i32 to index
      %get3A_2620 = arith.constant 64 : index
      %get3A_2621 = tpu.vector_load %arg13[%get3A_2619, %get3A_2620] {strides = array<i32>} : memref<16x128xf32, #tpu.memory_space<vmem>>, vector<1x16xf32>,
      %get3A_2622 = vector.shape_cast %get3A_2621 : vector<1x16xf32> to vector<16xf32>
      %add3A_2623 = arith.addf %add3A_2617, %get3A_2622 : vector<16xf32>
      %get3A_2624 = arith.constant 5 : i32
      %get3A_2625 = arith.index_cast %get3A_2624 : i32 to index
      %get3A_2626 = arith.constant 64 : index
      %get3A_2627 = tpu.vector_load %arg13[%get3A_2625, %get3A_2626] {strides = array<i32>} : memref<16x128xf32, #tpu.memory_space<vmem>>, vector<1x16xf32>,
      %get3A_2628 = vector.shape_cast %get3A_2627 : vector<1x16xf32> to vector<16xf32>
      %add3A_2629 = arith.addf %add3A_2623, %get3A_2628 : vector<16xf32>
      %get3A_2630 = arith.constant 6 : i32
      %get3A_2631 = arith.index_cast %get3A_2630 : i32 to index
      %get3A_2632 = arith.constant 64 : index
      %get3A_2633 = tpu.vector_load %arg13[%get3A_2631, %get3A_2632] {strides = array<i32>} : memref<16x128xf32, #tpu.memory_space<vmem>>, vector<1x16xf32>,
      %get3A_2634 = vector.shape_cast %get3A_2633 : vector<1x16xf32> to vector<16xf32>
      %add3A_2635 = arith.addf %add3A_2629, %get3A_2634 : vector<16xf32>
      %get3A_2636 = arith.constant 7 : i32
      %get3A_2637 = arith.index_cast %get3A_2636 : i32 to index
      %get3A_2638 = arith.constant 64 : index
      %get3A_2639 = tpu.vector_load %arg13[%get3A_2637, %get3A_2638] {strides = array<i32>} : memref<16x128xf32, #tpu.memory_space<vmem>>, vector<1x16xf32>,
      %get3A_2640 = vector.shape_cast %get3A_2639 : vector<1x16xf32> to vector<16xf32>
      %add3A_2641 = arith.addf %add3A_2635, %get3A_2640 : vector<16xf32>
      %get3A_2642 = arith.constant 8 : i32
      %get3A_2643 = arith.index_cast %get3A_2642 : i32 to index
      %get3A_2644 = arith.constant 64 : index
      %get3A_2645 = tpu.vector_load %arg13[%get3A_2643, %get3A_2644] {strides = array<i32>} : memref<16x128xf32, #tpu.memory_space<vmem>>, vector<1x16xf32>,
      %get3A_2646 = vector.shape_cast %get3A_2645 : vector<1x16xf32> to vector<16xf32>
      %add3A_2647 = arith.addf %add3A_2641, %get3A_2646 : vector<16xf32>
      %get3A_2648 = arith.constant 9 : i32
      %get3A_2649 = arith.index_cast %get3A_2648 : i32 to index
      %get3A_2650 = arith.constant 64 : index
      %get3A_2651 = tpu.vector_load %arg13[%get3A_2649, %get3A_2650] {strides = array<i32>} : memref<16x128xf32, #tpu.memory_space<vmem>>, vector<1x16xf32>,
      %get3A_2652 = vector.shape_cast %get3A_2651 : vector<1x16xf32> to vector<16xf32>
      %add3A_2653 = arith.addf %add3A_2647, %get3A_2652 : vector<16xf32>
      %get3A_2654 = arith.constant 10 : i32
      %get3A_2655 = arith.index_cast %get3A_2654 : i32 to index
      %get3A_2656 = arith.constant 64 : index
      %get3A_2657 = tpu.vector_load %arg13[%get3A_2655, %get3A_2656] {strides = array<i32>} : memref<16x128xf32, #tpu.memory_space<vmem>>, vector<1x16xf32>,
      %get3A_2658 = vector.shape_cast %get3A_2657 : vector<1x16xf32> to vector<16xf32>
      %add3A_2659 = arith.addf %add3A_2653, %get3A_2658 : vector<16xf32>
      %get3A_2660 = arith.constant 11 : i32
      %get3A_2661 = arith.index_cast %get3A_2660 : i32 to index
      %get3A_2662 = arith.constant 64 : index
      %get3A_2663 = tpu.vector_load %arg13[%get3A_2661, %get3A_2662] {strides = array<i32>} : memref<16x128xf32, #tpu.memory_space<vmem>>, vector<1x16xf32>,
      %get3A_2664 = vector.shape_cast %get3A_2663 : vector<1x16xf32> to vector<16xf32>
      %add3A_2665 = arith.addf %add3A_2659, %get3A_2664 : vector<16xf32>
      %get3A_2666 = arith.constant 12 : i32
      %get3A_2667 = arith.index_cast %get3A_2666 : i32 to index
      %get3A_2668 = arith.constant 64 : index
      %get3A_2669 = tpu.vector_load %arg13[%get3A_2667, %get3A_2668] {strides = array<i32>} : memref<16x128xf32, #tpu.memory_space<vmem>>, vector<1x16xf32>,
      %get3A_2670 = vector.shape_cast %get3A_2669 : vector<1x16xf32> to vector<16xf32>
      %add3A_2671 = arith.addf %add3A_2665, %get3A_2670 : vector<16xf32>
      %get3A_2672 = arith.constant 13 : i32
      %get3A_2673 = arith.index_cast %get3A_2672 : i32 to index
      %get3A_2674 = arith.constant 64 : index
      %get3A_2675 = tpu.vector_load %arg13[%get3A_2673, %get3A_2674] {strides = array<i32>} : memref<16x128xf32, #tpu.memory_space<vmem>>, vector<1x16xf32>,
      %get3A_2676 = vector.shape_cast %get3A_2675 : vector<1x16xf32> to vector<16xf32>
      %add3A_2677 = arith.addf %add3A_2671, %get3A_2676 : vector<16xf32>
      %get3A_2678 = arith.constant 14 : i32
      %get3A_2679 = arith.index_cast %get3A_2678 : i32 to index
      %get3A_2680 = arith.constant 64 : index
      %get3A_2681 = tpu.vector_load %arg13[%get3A_2679, %get3A_2680] {strides = array<i32>} : memref<16x128xf32, #tpu.memory_space<vmem>>, vector<1x16xf32>,
      %get3A_2682 = vector.shape_cast %get3A_2681 : vector<1x16xf32> to vector<16xf32>
      %add3A_2683 = arith.addf %add3A_2677, %get3A_2682 : vector<16xf32>
      %get3A_2684 = arith.constant 15 : i32
      %get3A_2685 = arith.index_cast %get3A_2684 : i32 to index
      %get3A_2686 = arith.constant 64 : index
      %get3A_2687 = tpu.vector_load %arg13[%get3A_2685, %get3A_2686] {strides = array<i32>} : memref<16x128xf32, #tpu.memory_space<vmem>>, vector<1x16xf32>,
      %get3A_2688 = vector.shape_cast %get3A_2687 : vector<1x16xf32> to vector<16xf32>
      %add3A_2689 = arith.addf %add3A_2683, %get3A_2688 : vector<16xf32>
      %swap3A_2690 = arith.constant 64 : index
      %swap3A_2691 = tpu.vector_load %arg12[%swap3A_2690] {strides = array<i32>} : memref<128xf32, #tpu.memory_space<vmem>>, vector<16xf32>,
      %swap3A_2692 = vector.shape_cast %swap3A_2691 : vector<16xf32> to vector<16xf32>
      %swap3A_2693 = vector.shape_cast %add3A_2689 : vector<16xf32> to vector<16xf32>
      tpu.vector_store %arg12[%swap3A_2690], %swap3A_2693 {strides = array<i32>} : memref<128xf32, #tpu.memory_space<vmem>>, vector<16xf32>,
      %get3A_2694 = arith.constant 0 : i32
      %get3A_2695 = arith.index_cast %get3A_2694 : i32 to index
      %get3A_2696 = arith.constant 80 : index
      %get3A_2697 = tpu.vector_load %arg13[%get3A_2695, %get3A_2696] {strides = array<i32>} : memref<16x128xf32, #tpu.memory_space<vmem>>, vector<1x16xf32>,
      %get3A_2698 = vector.shape_cast %get3A_2697 : vector<1x16xf32> to vector<16xf32>
      %get3A_2699 = arith.constant 1 : i32
      %get3A_2700 = arith.index_cast %get3A_2699 : i32 to index
      %get3A_2701 = arith.constant 80 : index
      %get3A_2702 = tpu.vector_load %arg13[%get3A_2700, %get3A_2701] {strides = array<i32>} : memref<16x128xf32, #tpu.memory_space<vmem>>, vector<1x16xf32>,
      %get3A_2703 = vector.shape_cast %get3A_2702 : vector<1x16xf32> to vector<16xf32>
      %add3A_2704 = arith.addf %get3A_2698, %get3A_2703 : vector<16xf32>
      %get3A_2705 = arith.constant 2 : i32
      %get3A_2706 = arith.index_cast %get3A_2705 : i32 to index
      %get3A_2707 = arith.constant 80 : index
      %get3A_2708 = tpu.vector_load %arg13[%get3A_2706, %get3A_2707] {strides = array<i32>} : memref<16x128xf32, #tpu.memory_space<vmem>>, vector<1x16xf32>,
      %get3A_2709 = vector.shape_cast %get3A_2708 : vector<1x16xf32> to vector<16xf32>
      %add3A_2710 = arith.addf %add3A_2704, %get3A_2709 : vector<16xf32>
      %get3A_2711 = arith.constant 3 : i32
      %get3A_2712 = arith.index_cast %get3A_2711 : i32 to index
      %get3A_2713 = arith.constant 80 : index
      %get3A_2714 = tpu.vector_load %arg13[%get3A_2712, %get3A_2713] {strides = array<i32>} : memref<16x128xf32, #tpu.memory_space<vmem>>, vector<1x16xf32>,
      %get3A_2715 = vector.shape_cast %get3A_2714 : vector<1x16xf32> to vector<16xf32>
      %add3A_2716 = arith.addf %add3A_2710, %get3A_2715 : vector<16xf32>
      %get3A_2717 = arith.constant 4 : i32
      %get3A_2718 = arith.index_cast %get3A_2717 : i32 to index
      %get3A_2719 = arith.constant 80 : index
      %get3A_2720 = tpu.vector_load %arg13[%get3A_2718, %get3A_2719] {strides = array<i32>} : memref<16x128xf32, #tpu.memory_space<vmem>>, vector<1x16xf32>,
      %get3A_2721 = vector.shape_cast %get3A_2720 : vector<1x16xf32> to vector<16xf32>
      %add3A_2722 = arith.addf %add3A_2716, %get3A_2721 : vector<16xf32>
      %get3A_2723 = arith.constant 5 : i32
      %get3A_2724 = arith.index_cast %get3A_2723 : i32 to index
      %get3A_2725 = arith.constant 80 : index
      %get3A_2726 = tpu.vector_load %arg13[%get3A_2724, %get3A_2725] {strides = array<i32>} : memref<16x128xf32, #tpu.memory_space<vmem>>, vector<1x16xf32>,
      %get3A_2727 = vector.shape_cast %get3A_2726 : vector<1x16xf32> to vector<16xf32>
      %add3A_2728 = arith.addf %add3A_2722, %get3A_2727 : vector<16xf32>
      %get3A_2729 = arith.constant 6 : i32
      %get3A_2730 = arith.index_cast %get3A_2729 : i32 to index
      %get3A_2731 = arith.constant 80 : index
      %get3A_2732 = tpu.vector_load %arg13[%get3A_2730, %get3A_2731] {strides = array<i32>} : memref<16x128xf32, #tpu.memory_space<vmem>>, vector<1x16xf32>,
      %get3A_2733 = vector.shape_cast %get3A_2732 : vector<1x16xf32> to vector<16xf32>
      %add3A_2734 = arith.addf %add3A_2728, %get3A_2733 : vector<16xf32>
      %get3A_2735 = arith.constant 7 : i32
      %get3A_2736 = arith.index_cast %get3A_2735 : i32 to index
      %get3A_2737 = arith.constant 80 : index
      %get3A_2738 = tpu.vector_load %arg13[%get3A_2736, %get3A_2737] {strides = array<i32>} : memref<16x128xf32, #tpu.memory_space<vmem>>, vector<1x16xf32>,
      %get3A_2739 = vector.shape_cast %get3A_2738 : vector<1x16xf32> to vector<16xf32>
      %add3A_2740 = arith.addf %add3A_2734, %get3A_2739 : vector<16xf32>
      %get3A_2741 = arith.constant 8 : i32
      %get3A_2742 = arith.index_cast %get3A_2741 : i32 to index
      %get3A_2743 = arith.constant 80 : index
      %get3A_2744 = tpu.vector_load %arg13[%get3A_2742, %get3A_2743] {strides = array<i32>} : memref<16x128xf32, #tpu.memory_space<vmem>>, vector<1x16xf32>,
      %get3A_2745 = vector.shape_cast %get3A_2744 : vector<1x16xf32> to vector<16xf32>
      %add3A_2746 = arith.addf %add3A_2740, %get3A_2745 : vector<16xf32>
      %get3A_2747 = arith.constant 9 : i32
      %get3A_2748 = arith.index_cast %get3A_2747 : i32 to index
      %get3A_2749 = arith.constant 80 : index
      %get3A_2750 = tpu.vector_load %arg13[%get3A_2748, %get3A_2749] {strides = array<i32>} : memref<16x128xf32, #tpu.memory_space<vmem>>, vector<1x16xf32>,
      %get3A_2751 = vector.shape_cast %get3A_2750 : vector<1x16xf32> to vector<16xf32>
      %add3A_2752 = arith.addf %add3A_2746, %get3A_2751 : vector<16xf32>
      %get3A_2753 = arith.constant 10 : i32
      %get3A_2754 = arith.index_cast %get3A_2753 : i32 to index
      %get3A_2755 = arith.constant 80 : index
      %get3A_2756 = tpu.vector_load %arg13[%get3A_2754, %get3A_2755] {strides = array<i32>} : memref<16x128xf32, #tpu.memory_space<vmem>>, vector<1x16xf32>,
      %get3A_2757 = vector.shape_cast %get3A_2756 : vector<1x16xf32> to vector<16xf32>
      %add3A_2758 = arith.addf %add3A_2752, %get3A_2757 : vector<16xf32>
      %get3A_2759 = arith.constant 11 : i32
      %get3A_2760 = arith.index_cast %get3A_2759 : i32 to index
      %get3A_2761 = arith.constant 80 : index
      %get3A_2762 = tpu.vector_load %arg13[%get3A_2760, %get3A_2761] {strides = array<i32>} : memref<16x128xf32, #tpu.memory_space<vmem>>, vector<1x16xf32>,
      %get3A_2763 = vector.shape_cast %get3A_2762 : vector<1x16xf32> to vector<16xf32>
      %add3A_2764 = arith.addf %add3A_2758, %get3A_2763 : vector<16xf32>
      %get3A_2765 = arith.constant 12 : i32
      %get3A_2766 = arith.index_cast %get3A_2765 : i32 to index
      %get3A_2767 = arith.constant 80 : index
      %get3A_2768 = tpu.vector_load %arg13[%get3A_2766, %get3A_2767] {strides = array<i32>} : memref<16x128xf32, #tpu.memory_space<vmem>>, vector<1x16xf32>,
      %get3A_2769 = vector.shape_cast %get3A_2768 : vector<1x16xf32> to vector<16xf32>
      %add3A_2770 = arith.addf %add3A_2764, %get3A_2769 : vector<16xf32>
      %get3A_2771 = arith.constant 13 : i32
      %get3A_2772 = arith.index_cast %get3A_2771 : i32 to index
      %get3A_2773 = arith.constant 80 : index
      %get3A_2774 = tpu.vector_load %arg13[%get3A_2772, %get3A_2773] {strides = array<i32>} : memref<16x128xf32, #tpu.memory_space<vmem>>, vector<1x16xf32>,
      %get3A_2775 = vector.shape_cast %get3A_2774 : vector<1x16xf32> to vector<16xf32>
      %add3A_2776 = arith.addf %add3A_2770, %get3A_2775 : vector<16xf32>
      %get3A_2777 = arith.constant 14 : i32
      %get3A_2778 = arith.index_cast %get3A_2777 : i32 to index
      %get3A_2779 = arith.constant 80 : index
      %get3A_2780 = tpu.vector_load %arg13[%get3A_2778, %get3A_2779] {strides = array<i32>} : memref<16x128xf32, #tpu.memory_space<vmem>>, vector<1x16xf32>,
      %get3A_2781 = vector.shape_cast %get3A_2780 : vector<1x16xf32> to vector<16xf32>
      %add3A_2782 = arith.addf %add3A_2776, %get3A_2781 : vector<16xf32>
      %get3A_2783 = arith.constant 15 : i32
      %get3A_2784 = arith.index_cast %get3A_2783 : i32 to index
      %get3A_2785 = arith.constant 80 : index
      %get3A_2786 = tpu.vector_load %arg13[%get3A_2784, %get3A_2785] {strides = array<i32>} : memref<16x128xf32, #tpu.memory_space<vmem>>, vector<1x16xf32>,
      %get3A_2787 = vector.shape_cast %get3A_2786 : vector<1x16xf32> to vector<16xf32>
      %add3A_2788 = arith.addf %add3A_2782, %get3A_2787 : vector<16xf32>
      %swap3A_2789 = arith.constant 80 : index
      %swap3A_2790 = tpu.vector_load %arg12[%swap3A_2789] {strides = array<i32>} : memref<128xf32, #tpu.memory_space<vmem>>, vector<16xf32>,
      %swap3A_2791 = vector.shape_cast %swap3A_2790 : vector<16xf32> to vector<16xf32>
      %swap3A_2792 = vector.shape_cast %add3A_2788 : vector<16xf32> to vector<16xf32>
      tpu.vector_store %arg12[%swap3A_2789], %swap3A_2792 {strides = array<i32>} : memref<128xf32, #tpu.memory_space<vmem>>, vector<16xf32>,
      %get3A_2793 = arith.constant 0 : i32
      %get3A_2794 = arith.index_cast %get3A_2793 : i32 to index
      %get3A_2795 = arith.constant 96 : index
      %get3A_2796 = tpu.vector_load %arg13[%get3A_2794, %get3A_2795] {strides = array<i32>} : memref<16x128xf32, #tpu.memory_space<vmem>>, vector<1x16xf32>,
      %get3A_2797 = vector.shape_cast %get3A_2796 : vector<1x16xf32> to vector<16xf32>
      %get3A_2798 = arith.constant 1 : i32
      %get3A_2799 = arith.index_cast %get3A_2798 : i32 to index
      %get3A_2800 = arith.constant 96 : index
      %get3A_2801 = tpu.vector_load %arg13[%get3A_2799, %get3A_2800] {strides = array<i32>} : memref<16x128xf32, #tpu.memory_space<vmem>>, vector<1x16xf32>,
      %get3A_2802 = vector.shape_cast %get3A_2801 : vector<1x16xf32> to vector<16xf32>
      %add3A_2803 = arith.addf %get3A_2797, %get3A_2802 : vector<16xf32>
      %get3A_2804 = arith.constant 2 : i32
      %get3A_2805 = arith.index_cast %get3A_2804 : i32 to index
      %get3A_2806 = arith.constant 96 : index
      %get3A_2807 = tpu.vector_load %arg13[%get3A_2805, %get3A_2806] {strides = array<i32>} : memref<16x128xf32, #tpu.memory_space<vmem>>, vector<1x16xf32>,
      %get3A_2808 = vector.shape_cast %get3A_2807 : vector<1x16xf32> to vector<16xf32>
      %add3A_2809 = arith.addf %add3A_2803, %get3A_2808 : vector<16xf32>
      %get3A_2810 = arith.constant 3 : i32
      %get3A_2811 = arith.index_cast %get3A_2810 : i32 to index
      %get3A_2812 = arith.constant 96 : index
      %get3A_2813 = tpu.vector_load %arg13[%get3A_2811, %get3A_2812] {strides = array<i32>} : memref<16x128xf32, #tpu.memory_space<vmem>>, vector<1x16xf32>,
      %get3A_2814 = vector.shape_cast %get3A_2813 : vector<1x16xf32> to vector<16xf32>
      %add3A_2815 = arith.addf %add3A_2809, %get3A_2814 : vector<16xf32>
      %get3A_2816 = arith.constant 4 : i32
      %get3A_2817 = arith.index_cast %get3A_2816 : i32 to index
      %get3A_2818 = arith.constant 96 : index
      %get3A_2819 = tpu.vector_load %arg13[%get3A_2817, %get3A_2818] {strides = array<i32>} : memref<16x128xf32, #tpu.memory_space<vmem>>, vector<1x16xf32>,
      %get3A_2820 = vector.shape_cast %get3A_2819 : vector<1x16xf32> to vector<16xf32>
      %add3A_2821 = arith.addf %add3A_2815, %get3A_2820 : vector<16xf32>
      %get3A_2822 = arith.constant 5 : i32
      %get3A_2823 = arith.index_cast %get3A_2822 : i32 to index
      %get3A_2824 = arith.constant 96 : index
      %get3A_2825 = tpu.vector_load %arg13[%get3A_2823, %get3A_2824] {strides = array<i32>} : memref<16x128xf32, #tpu.memory_space<vmem>>, vector<1x16xf32>,
      %get3A_2826 = vector.shape_cast %get3A_2825 : vector<1x16xf32> to vector<16xf32>
      %add3A_2827 = arith.addf %add3A_2821, %get3A_2826 : vector<16xf32>
      %get3A_2828 = arith.constant 6 : i32
      %get3A_2829 = arith.index_cast %get3A_2828 : i32 to index
      %get3A_2830 = arith.constant 96 : index
      %get3A_2831 = tpu.vector_load %arg13[%get3A_2829, %get3A_2830] {strides = array<i32>} : memref<16x128xf32, #tpu.memory_space<vmem>>, vector<1x16xf32>,
      %get3A_2832 = vector.shape_cast %get3A_2831 : vector<1x16xf32> to vector<16xf32>
      %add3A_2833 = arith.addf %add3A_2827, %get3A_2832 : vector<16xf32>
      %get3A_2834 = arith.constant 7 : i32
      %get3A_2835 = arith.index_cast %get3A_2834 : i32 to index
      %get3A_2836 = arith.constant 96 : index
      %get3A_2837 = tpu.vector_load %arg13[%get3A_2835, %get3A_2836] {strides = array<i32>} : memref<16x128xf32, #tpu.memory_space<vmem>>, vector<1x16xf32>,
      %get3A_2838 = vector.shape_cast %get3A_2837 : vector<1x16xf32> to vector<16xf32>
      %add3A_2839 = arith.addf %add3A_2833, %get3A_2838 : vector<16xf32>
      %get3A_2840 = arith.constant 8 : i32
      %get3A_2841 = arith.index_cast %get3A_2840 : i32 to index
      %get3A_2842 = arith.constant 96 : index
      %get3A_2843 = tpu.vector_load %arg13[%get3A_2841, %get3A_2842] {strides = array<i32>} : memref<16x128xf32, #tpu.memory_space<vmem>>, vector<1x16xf32>,
      %get3A_2844 = vector.shape_cast %get3A_2843 : vector<1x16xf32> to vector<16xf32>
      %add3A_2845 = arith.addf %add3A_2839, %get3A_2844 : vector<16xf32>
      %get3A_2846 = arith.constant 9 : i32
      %get3A_2847 = arith.index_cast %get3A_2846 : i32 to index
      %get3A_2848 = arith.constant 96 : index
      %get3A_2849 = tpu.vector_load %arg13[%get3A_2847, %get3A_2848] {strides = array<i32>} : memref<16x128xf32, #tpu.memory_space<vmem>>, vector<1x16xf32>,
      %get3A_2850 = vector.shape_cast %get3A_2849 : vector<1x16xf32> to vector<16xf32>
      %add3A_2851 = arith.addf %add3A_2845, %get3A_2850 : vector<16xf32>
      %get3A_2852 = arith.constant 10 : i32
      %get3A_2853 = arith.index_cast %get3A_2852 : i32 to index
      %get3A_2854 = arith.constant 96 : index
      %get3A_2855 = tpu.vector_load %arg13[%get3A_2853, %get3A_2854] {strides = array<i32>} : memref<16x128xf32, #tpu.memory_space<vmem>>, vector<1x16xf32>,
      %get3A_2856 = vector.shape_cast %get3A_2855 : vector<1x16xf32> to vector<16xf32>
      %add3A_2857 = arith.addf %add3A_2851, %get3A_2856 : vector<16xf32>
      %get3A_2858 = arith.constant 11 : i32
      %get3A_2859 = arith.index_cast %get3A_2858 : i32 to index
      %get3A_2860 = arith.constant 96 : index
      %get3A_2861 = tpu.vector_load %arg13[%get3A_2859, %get3A_2860] {strides = array<i32>} : memref<16x128xf32, #tpu.memory_space<vmem>>, vector<1x16xf32>,
      %get3A_2862 = vector.shape_cast %get3A_2861 : vector<1x16xf32> to vector<16xf32>
      %add3A_2863 = arith.addf %add3A_2857, %get3A_2862 : vector<16xf32>
      %get3A_2864 = arith.constant 12 : i32
      %get3A_2865 = arith.index_cast %get3A_2864 : i32 to index
      %get3A_2866 = arith.constant 96 : index
      %get3A_2867 = tpu.vector_load %arg13[%get3A_2865, %get3A_2866] {strides = array<i32>} : memref<16x128xf32, #tpu.memory_space<vmem>>, vector<1x16xf32>,
      %get3A_2868 = vector.shape_cast %get3A_2867 : vector<1x16xf32> to vector<16xf32>
      %add3A_2869 = arith.addf %add3A_2863, %get3A_2868 : vector<16xf32>
      %get3A_2870 = arith.constant 13 : i32
      %get3A_2871 = arith.index_cast %get3A_2870 : i32 to index
      %get3A_2872 = arith.constant 96 : index
      %get3A_2873 = tpu.vector_load %arg13[%get3A_2871, %get3A_2872] {strides = array<i32>} : memref<16x128xf32, #tpu.memory_space<vmem>>, vector<1x16xf32>,
      %get3A_2874 = vector.shape_cast %get3A_2873 : vector<1x16xf32> to vector<16xf32>
      %add3A_2875 = arith.addf %add3A_2869, %get3A_2874 : vector<16xf32>
      %get3A_2876 = arith.constant 14 : i32
      %get3A_2877 = arith.index_cast %get3A_2876 : i32 to index
      %get3A_2878 = arith.constant 96 : index
      %get3A_2879 = tpu.vector_load %arg13[%get3A_2877, %get3A_2878] {strides = array<i32>} : memref<16x128xf32, #tpu.memory_space<vmem>>, vector<1x16xf32>,
      %get3A_2880 = vector.shape_cast %get3A_2879 : vector<1x16xf32> to vector<16xf32>
      %add3A_2881 = arith.addf %add3A_2875, %get3A_2880 : vector<16xf32>
      %get3A_2882 = arith.constant 15 : i32
      %get3A_2883 = arith.index_cast %get3A_2882 : i32 to index
      %get3A_2884 = arith.constant 96 : index
      %get3A_2885 = tpu.vector_load %arg13[%get3A_2883, %get3A_2884] {strides = array<i32>} : memref<16x128xf32, #tpu.memory_space<vmem>>, vector<1x16xf32>,
      %get3A_2886 = vector.shape_cast %get3A_2885 : vector<1x16xf32> to vector<16xf32>
      %add3A_2887 = arith.addf %add3A_2881, %get3A_2886 : vector<16xf32>
      %swap3A_2888 = arith.constant 96 : index
      %swap3A_2889 = tpu.vector_load %arg12[%swap3A_2888] {strides = array<i32>} : memref<128xf32, #tpu.memory_space<vmem>>, vector<16xf32>,
      %swap3A_2890 = vector.shape_cast %swap3A_2889 : vector<16xf32> to vector<16xf32>
      %swap3A_2891 = vector.shape_cast %add3A_2887 : vector<16xf32> to vector<16xf32>
      tpu.vector_store %arg12[%swap3A_2888], %swap3A_2891 {strides = array<i32>} : memref<128xf32, #tpu.memory_space<vmem>>, vector<16xf32>,
      %get3A_2892 = arith.constant 0 : i32
      %get3A_2893 = arith.index_cast %get3A_2892 : i32 to index
      %get3A_2894 = arith.constant 112 : index
      %get3A_2895 = tpu.vector_load %arg13[%get3A_2893, %get3A_2894] {strides = array<i32>} : memref<16x128xf32, #tpu.memory_space<vmem>>, vector<1x16xf32>,
      %get3A_2896 = vector.shape_cast %get3A_2895 : vector<1x16xf32> to vector<16xf32>
      %get3A_2897 = arith.constant 1 : i32
      %get3A_2898 = arith.index_cast %get3A_2897 : i32 to index
      %get3A_2899 = arith.constant 112 : index
      %get3A_2900 = tpu.vector_load %arg13[%get3A_2898, %get3A_2899] {strides = array<i32>} : memref<16x128xf32, #tpu.memory_space<vmem>>, vector<1x16xf32>,
      %get3A_2901 = vector.shape_cast %get3A_2900 : vector<1x16xf32> to vector<16xf32>
      %add3A_2902 = arith.addf %get3A_2896, %get3A_2901 : vector<16xf32>
      %get3A_2903 = arith.constant 2 : i32
      %get3A_2904 = arith.index_cast %get3A_2903 : i32 to index
      %get3A_2905 = arith.constant 112 : index
      %get3A_2906 = tpu.vector_load %arg13[%get3A_2904, %get3A_2905] {strides = array<i32>} : memref<16x128xf32, #tpu.memory_space<vmem>>, vector<1x16xf32>,
      %get3A_2907 = vector.shape_cast %get3A_2906 : vector<1x16xf32> to vector<16xf32>
      %add3A_2908 = arith.addf %add3A_2902, %get3A_2907 : vector<16xf32>
      %get3A_2909 = arith.constant 3 : i32
      %get3A_2910 = arith.index_cast %get3A_2909 : i32 to index
      %get3A_2911 = arith.constant 112 : index
      %get3A_2912 = tpu.vector_load %arg13[%get3A_2910, %get3A_2911] {strides = array<i32>} : memref<16x128xf32, #tpu.memory_space<vmem>>, vector<1x16xf32>,
      %get3A_2913 = vector.shape_cast %get3A_2912 : vector<1x16xf32> to vector<16xf32>
      %add3A_2914 = arith.addf %add3A_2908, %get3A_2913 : vector<16xf32>
      %get3A_2915 = arith.constant 4 : i32
      %get3A_2916 = arith.index_cast %get3A_2915 : i32 to index
      %get3A_2917 = arith.constant 112 : index
      %get3A_2918 = tpu.vector_load %arg13[%get3A_2916, %get3A_2917] {strides = array<i32>} : memref<16x128xf32, #tpu.memory_space<vmem>>, vector<1x16xf32>,
      %get3A_2919 = vector.shape_cast %get3A_2918 : vector<1x16xf32> to vector<16xf32>
      %add3A_2920 = arith.addf %add3A_2914, %get3A_2919 : vector<16xf32>
      %get3A_2921 = arith.constant 5 : i32
      %get3A_2922 = arith.index_cast %get3A_2921 : i32 to index
      %get3A_2923 = arith.constant 112 : index
      %get3A_2924 = tpu.vector_load %arg13[%get3A_2922, %get3A_2923] {strides = array<i32>} : memref<16x128xf32, #tpu.memory_space<vmem>>, vector<1x16xf32>,
      %get3A_2925 = vector.shape_cast %get3A_2924 : vector<1x16xf32> to vector<16xf32>
      %add3A_2926 = arith.addf %add3A_2920, %get3A_2925 : vector<16xf32>
      %get3A_2927 = arith.constant 6 : i32
      %get3A_2928 = arith.index_cast %get3A_2927 : i32 to index
      %get3A_2929 = arith.constant 112 : index
      %get3A_2930 = tpu.vector_load %arg13[%get3A_2928, %get3A_2929] {strides = array<i32>} : memref<16x128xf32, #tpu.memory_space<vmem>>, vector<1x16xf32>,
      %get3A_2931 = vector.shape_cast %get3A_2930 : vector<1x16xf32> to vector<16xf32>
      %add3A_2932 = arith.addf %add3A_2926, %get3A_2931 : vector<16xf32>
      %get3A_2933 = arith.constant 7 : i32
      %get3A_2934 = arith.index_cast %get3A_2933 : i32 to index
      %get3A_2935 = arith.constant 112 : index
      %get3A_2936 = tpu.vector_load %arg13[%get3A_2934, %get3A_2935] {strides = array<i32>} : memref<16x128xf32, #tpu.memory_space<vmem>>, vector<1x16xf32>,
      %get3A_2937 = vector.shape_cast %get3A_2936 : vector<1x16xf32> to vector<16xf32>
      %add3A_2938 = arith.addf %add3A_2932, %get3A_2937 : vector<16xf32>
      %get3A_2939 = arith.constant 8 : i32
      %get3A_2940 = arith.index_cast %get3A_2939 : i32 to index
      %get3A_2941 = arith.constant 112 : index
      %get3A_2942 = tpu.vector_load %arg13[%get3A_2940, %get3A_2941] {strides = array<i32>} : memref<16x128xf32, #tpu.memory_space<vmem>>, vector<1x16xf32>,
      %get3A_2943 = vector.shape_cast %get3A_2942 : vector<1x16xf32> to vector<16xf32>
      %add3A_2944 = arith.addf %add3A_2938, %get3A_2943 : vector<16xf32>
      %get3A_2945 = arith.constant 9 : i32
      %get3A_2946 = arith.index_cast %get3A_2945 : i32 to index
      %get3A_2947 = arith.constant 112 : index
      %get3A_2948 = tpu.vector_load %arg13[%get3A_2946, %get3A_2947] {strides = array<i32>} : memref<16x128xf32, #tpu.memory_space<vmem>>, vector<1x16xf32>,
      %get3A_2949 = vector.shape_cast %get3A_2948 : vector<1x16xf32> to vector<16xf32>
      %add3A_2950 = arith.addf %add3A_2944, %get3A_2949 : vector<16xf32>
      %get3A_2951 = arith.constant 10 : i32
      %get3A_2952 = arith.index_cast %get3A_2951 : i32 to index
      %get3A_2953 = arith.constant 112 : index
      %get3A_2954 = tpu.vector_load %arg13[%get3A_2952, %get3A_2953] {strides = array<i32>} : memref<16x128xf32, #tpu.memory_space<vmem>>, vector<1x16xf32>,
      %get3A_2955 = vector.shape_cast %get3A_2954 : vector<1x16xf32> to vector<16xf32>
      %add3A_2956 = arith.addf %add3A_2950, %get3A_2955 : vector<16xf32>
      %get3A_2957 = arith.constant 11 : i32
      %get3A_2958 = arith.index_cast %get3A_2957 : i32 to index
      %get3A_2959 = arith.constant 112 : index
      %get3A_2960 = tpu.vector_load %arg13[%get3A_2958, %get3A_2959] {strides = array<i32>} : memref<16x128xf32, #tpu.memory_space<vmem>>, vector<1x16xf32>,
      %get3A_2961 = vector.shape_cast %get3A_2960 : vector<1x16xf32> to vector<16xf32>
      %add3A_2962 = arith.addf %add3A_2956, %get3A_2961 : vector<16xf32>
      %get3A_2963 = arith.constant 12 : i32
      %get3A_2964 = arith.index_cast %get3A_2963 : i32 to index
      %get3A_2965 = arith.constant 112 : index
      %get3A_2966 = tpu.vector_load %arg13[%get3A_2964, %get3A_2965] {strides = array<i32>} : memref<16x128xf32, #tpu.memory_space<vmem>>, vector<1x16xf32>,
      %get3A_2967 = vector.shape_cast %get3A_2966 : vector<1x16xf32> to vector<16xf32>
      %add3A_2968 = arith.addf %add3A_2962, %get3A_2967 : vector<16xf32>
      %get3A_2969 = arith.constant 13 : i32
      %get3A_2970 = arith.index_cast %get3A_2969 : i32 to index
      %get3A_2971 = arith.constant 112 : index
      %get3A_2972 = tpu.vector_load %arg13[%get3A_2970, %get3A_2971] {strides = array<i32>} : memref<16x128xf32, #tpu.memory_space<vmem>>, vector<1x16xf32>,
      %get3A_2973 = vector.shape_cast %get3A_2972 : vector<1x16xf32> to vector<16xf32>
      %add3A_2974 = arith.addf %add3A_2968, %get3A_2973 : vector<16xf32>
      %get3A_2975 = arith.constant 14 : i32
      %get3A_2976 = arith.index_cast %get3A_2975 : i32 to index
      %get3A_2977 = arith.constant 112 : index
      %get3A_2978 = tpu.vector_load %arg13[%get3A_2976, %get3A_2977] {strides = array<i32>} : memref<16x128xf32, #tpu.memory_space<vmem>>, vector<1x16xf32>,
      %get3A_2979 = vector.shape_cast %get3A_2978 : vector<1x16xf32> to vector<16xf32>
      %add3A_2980 = arith.addf %add3A_2974, %get3A_2979 : vector<16xf32>
      %get3A_2981 = arith.constant 15 : i32
      %get3A_2982 = arith.index_cast %get3A_2981 : i32 to index
      %get3A_2983 = arith.constant 112 : index
      %get3A_2984 = tpu.vector_load %arg13[%get3A_2982, %get3A_2983] {strides = array<i32>} : memref<16x128xf32, #tpu.memory_space<vmem>>, vector<1x16xf32>,
      %get3A_2985 = vector.shape_cast %get3A_2984 : vector<1x16xf32> to vector<16xf32>
      %add3A_2986 = arith.addf %add3A_2980, %get3A_2985 : vector<16xf32>
      %swap3A_2987 = arith.constant 112 : index
      %swap3A_2988 = tpu.vector_load %arg12[%swap3A_2987] {strides = array<i32>} : memref<128xf32, #tpu.memory_space<vmem>>, vector<16xf32>,
      %swap3A_2989 = vector.shape_cast %swap3A_2988 : vector<16xf32> to vector<16xf32>
      %swap3A_2990 = vector.shape_cast %add3A_2986 : vector<16xf32> to vector<16xf32>
      tpu.vector_store %arg12[%swap3A_2987], %swap3A_2990 {strides = array<i32>} : memref<128xf32, #tpu.memory_space<vmem>>, vector<16xf32>,
      "tpu.region"() ({
        %run_scoped3A = tpu.sem_alloc : memref<!tpu.dma_semaphore, #tpu.memory_space<semaphore_mem>>
        %dma_start3A_2991 = arith.constant 0 : i32
        %dma_start3A_2992 = tpu.memref_slice %arg6[%arg0, %dma_start3A_2991] : memref<2x128xf32, #tpu.memory_space<hbm>> -> memref<1x128xf32, #tpu.memory_space<hbm>>
        %dma_start3A_2993 = tpu.memref_squeeze %dma_start3A_2992 : memref<1x128xf32, #tpu.memory_space<hbm>> -> memref<128xf32, #tpu.memory_space<hbm>>
        %dma_start3A_2994 = arith.constant 0 : i32
        %dma_start3A_2995 = tpu.memref_slice %arg6[%arg0, %dma_start3A_2994] : memref<2x128xf32, #tpu.memory_space<hbm>> -> memref<1x128xf32, #tpu.memory_space<hbm>>
        %dma_start3A_2996 = tpu.memref_squeeze %dma_start3A_2995 : memref<1x128xf32, #tpu.memory_space<hbm>> -> memref<128xf32, #tpu.memory_space<hbm>>
        tpu.enqueue_dma source(%arg12 : memref<128xf32, #tpu.memory_space<vmem>>) target(%dma_start3A_2996 : memref<128xf32, #tpu.memory_space<hbm>>) target_semaphore(%run_scoped3A : memref<!tpu.dma_semaphore, #tpu.memory_space<semaphore_mem>>)
        %dma_wait3A_2997 = arith.constant 0 : i32
        %dma_wait3A_2998 = tpu.memref_slice %arg6[%arg0, %dma_wait3A_2997] : memref<2x128xf32, #tpu.memory_space<hbm>> -> memref<1x128xf32, #tpu.memory_space<hbm>>
        %dma_wait3A_2999 = tpu.memref_squeeze %dma_wait3A_2998 : memref<1x128xf32, #tpu.memory_space<hbm>> -> memref<128xf32, #tpu.memory_space<hbm>>
        %dma_wait3A_3000 = arith.constant 0 : i32
        %dma_wait3A_3001 = tpu.memref_slice %arg6[%arg0, %dma_wait3A_3000] : memref<2x128xf32, #tpu.memory_space<hbm>> -> memref<1x128xf32, #tpu.memory_space<hbm>>
        %dma_wait3A_3002 = tpu.memref_squeeze %dma_wait3A_3001 : memref<1x128xf32, #tpu.memory_space<hbm>> -> memref<128xf32, #tpu.memory_space<hbm>>
        tpu.wait_dma2 semaphore(%run_scoped3A : memref<!tpu.dma_semaphore, #tpu.memory_space<semaphore_mem>>) src(%arg12 : memref<128xf32, #tpu.memory_space<vmem>>) dst(%dma_wait3A_3002 : memref<128xf32, #tpu.memory_space<hbm>>)
        tpu.yield
      }) : () -> ()
    } else {
    }
    return
  }
}

</mosaic_0001>

<sc_bundles>
// kernel: kernel.3.cloned.1.call-start
scs
__scs_entry_jumppad:
0x0: {  	(pc) =	sbr.rel $0x88, $3  }
0x1: {  	(tag) =	ssettag $0x0;
	lr =	simm.s32 $0x1  }
0x2: {  	[smem:$0x3F9F] =	sst lr;
	_ =	strace $0xD0000000  }
0x3: {  	_ = 	snop  }
0x4: {  	_ = 	snop  }
0x5: {  	_ = 	snop  }
0x6: {  	_ = 	snop  }
0x7: {  	_ = 	snop  }
__scs_overlays_trampoline_lowered:
0x8: {  	[smem:$0x3FAE] =	sst s0  }
0x9: {  	[smem:$0x3FAF] =	sst s1  }
0xa: {  	[smem:$0x3FB0] =	sst s2  }
0xb: {  	[smem:$0x3FB1] =	sst s3  }
0xc: {  	[smem:$0x3FB2] =	sst s4  }
0xd: {  	[smem:$0x3FB3] =	sst s5  }
0xe: {  	[smem:$0x3FB4] =	sst s6  }
0xf: {  	[smem:$0x3FB5] =	sst s7  }
0x10: {  	[smem:$0x3FB6] =	sst s8  }
0x11: {  	[smem:$0x3FB7] =	sst s9;
	s0 =	simm.s32 @!p0 $0x0  }
0x12: {  	s1 =	sld [smem:$0x3F9D];
	s0 =	simm.s32 @p0 $0x1  }
0x13: {  	[smem:$0x3FB8] =	sst s0;
	s0 =	simm.s32 @!p1 $0x0  }
0x14: {  	s2 =	sld [smem:$0x3F9C];
	s0 =	simm.s32 @p1 $0x1  }
0x15: {  	[smem:$0x3FB9] =	sst s0;
	s0 =	simm.s32 @!p2 $0x0  }
0x16: {  	s3 =	sld [smem:$0x3FDB];
	s0 =	simm.s32 @p2 $0x1  }
0x17: {  	s4 =	simm.s32 $0x1BF5;
	[smem:$0x3FBB] =	sst s0  }
0x18: {  	s0 =	sld [smem:$0x3F9E];
	_ =	swait.ge [sflag:s4], $0x0  }
0x19: {  	s7 =	sld [smem:$0x3F9F]  }
0x1a: {  	s8 =	sadd.s32 $0xFFFFE003, lr  }
0x1b: {  	s9 =	sadd.s32 $0xFFFFFEF7, lr;
	s5 =	simm.s32 $0xFFFFFFFF;
	p2 =	slt.u32 s8, $0xFFFFF086  }
0x1c: {  	p1 =	slt.u32 s9, $0xF7A;
	s5 =	simm.s32 @!p2 $0x0  }
0x1d: {  	s5 =	simm.s32 @p1 $0x1;
	p0 =	seq.s32 s7, s2  }
0x1e: {  	s7 =	smul.u32 @!p0 $0xF7A, s2;
	p2 =	seq.s32 @!p0 s5, $0x0  }
0x1f: {  	s9 =	smul.u32 $0xF7A, s1;
	s8 =	simm.s32 @!p0 $0x1BF5;
	p2 =	por !p2, p0  }
0x20: {  	[sflag:s8] =	ssyncset.s32 @!p0 $0xFFFFF086;
	s6 =	sadd.s32 @!p0 s3, s7;
	s7 =	simm.s32 @!p0 $0x108  }
0x21: {  	s3 =	sadd.s32 s3, s9;
	s6 =	sadd.s32 @!p0 $0x88, s6;
	s7 =	simm.s32 @p2 $0x1082  }
0x22: {  	[simem:s7], [sflag:s8] =	dma.local @!p0 [hbm:s6], $0xF7A  }
0x23: {  	s9 =	sor.u32 $0xD0000000, s2;
	s6 =	simm.s32 $0x108;
	_ =	swait.ge @!p0 [sflag:s8], $0x0  }
0x24: {  	s3 =	sadd.s32 $0x88, s3;
	s6 =	simm.s32 @!p1 $0x1082;
	[sflag:s4] =	ssyncset.s32 $0xFFFFF086  }
0x25: {  	[simem:s6], [sflag:s4] =	dma.local [hbm:s3], $0xF7A  }
0x26: {  	[smem:$0x3F9F] =	sst s1;
	(tag) =	ssettag s2;
	_ =	strace s9  }
0x27: {  	s1 =	sld [smem:$0x3FAF]  }
0x28: {  	s2 =	sld [smem:$0x3FB0]  }
0x29: {  	s4 =	sld [smem:$0x3FB2]  }
0x2a: {  	p0 =	seq.s32 s5, $0x0;
	s5 =	sld [smem:$0x3FB3]  }
0x2b: {  	s6 =	sld [smem:$0x3FB4]  }
0x2c: {  	s7 =	sld [smem:$0x3FB5]  }
0x2d: {  	s3 =	simm.s32 $0x108;
	s8 =	sld [smem:$0x3FB6]  }
0x2e: {  	s3 =	simm.s32 @!p0 $0x1082;
	s9 =	sld [smem:$0x3FB7]  }
0x2f: {  	lr =	sadd.s32 s0, s3;
	s0 =	sld [smem:$0x3FAE]  }
0x30: {  	s3 =	sld [smem:$0x3FB1]  }
0x31: {  	[smem:$0x3FBA] =	sst s10  }
0x32: {  	s10 =	sld [smem:$0x3FB8];
	_ =	sdelay $0x3  }
0x33: {  	p0 =	seq.s32 s10, $0x1;
	s10 =	sld [smem:$0x3FBA];
	_ =	sdelay $0x3  }
0x34: {  	[smem:$0x3FBA] =	sst s10  }
0x35: {  	s10 =	sld [smem:$0x3FB9];
	_ =	sdelay $0x3  }
0x36: {  	p1 =	seq.s32 s10, $0x1;
	s10 =	sld [smem:$0x3FBA];
	_ =	sdelay $0x3  }
0x37: {  	[smem:$0x3FBA] =	sst s10  }
0x38: {  	s10 =	sld [smem:$0x3FBB]  }
0x39: {  	_ = 	snop;
	(pc) =	sbr.ind lr, $3  }
0x3a: {  	_ = 	snop  }
0x3b: {  	_ = 	snop  }
0x3c: {  	p2 =	seq.s32 s10, $0x1;
	s10 =	sld [smem:$0x3FBA]  }
0x3d: {  	_ =	shalt  }
0x3e: {  	_ =	shalt  }
0x3f: {  	_ =	shalt  }
0x40: {  	_ =	shalt  }
0x41: {  	_ =	shalt  }
0x42: {  	_ =	shalt  }
0x43: {  	_ =	shalt  }
0x44: {  	_ =	shalt  }
0x45: {  	_ =	shalt  }
0x46: {  	_ =	shalt  }
0x47: {  	_ =	shalt  }
0x48: {  	_ =	shalt  }
0x49: {  	_ =	shalt  }
0x4a: {  	_ =	shalt  }
0x4b: {  	_ =	shalt  }
0x4c: {  	_ =	shalt  }
0x4d: {  	_ =	shalt  }
0x4e: {  	_ =	shalt  }
0x4f: {  	_ =	shalt  }
0x50: {  	_ =	shalt  }
0x51: {  	_ =	shalt  }
0x52: {  	_ =	shalt  }
0x53: {  	_ =	shalt  }
0x54: {  	_ =	shalt  }
0x55: {  	_ =	shalt  }
0x56: {  	_ =	shalt  }
0x57: {  	_ =	shalt  }
0x58: {  	_ =	shalt  }
0x59: {  	_ =	shalt  }
0x5a: {  	_ =	shalt  }
0x5b: {  	_ =	shalt  }
0x5c: {  	_ =	shalt  }
0x5d: {  	_ =	shalt  }
0x5e: {  	_ =	shalt  }
0x5f: {  	_ =	shalt  }
0x60: {  	_ =	shalt  }
0x61: {  	_ =	shalt  }
0x62: {  	_ =	shalt  }
0x63: {  	_ =	shalt  }
0x64: {  	_ =	shalt  }
0x65: {  	_ =	shalt  }
0x66: {  	_ =	shalt  }
0x67: {  	_ =	shalt  }
0x68: {  	_ =	shalt  }
0x69: {  	_ =	shalt  }
0x6a: {  	_ =	shalt  }
0x6b: {  	_ =	shalt  }
0x6c: {  	_ =	shalt  }
0x6d: {  	_ =	shalt  }
0x6e: {  	_ =	shalt  }
0x6f: {  	_ =	shalt  }
0x70: {  	_ =	shalt  }
0x71: {  	_ =	shalt  }
0x72: {  	_ =	shalt  }
0x73: {  	_ =	shalt  }
0x74: {  	_ =	shalt  }
0x75: {  	_ =	shalt  }
0x76: {  	_ =	shalt  }
0x77: {  	_ =	shalt  }
0x78: {  	_ =	shalt  }
0x79: {  	_ =	shalt  }
0x7a: {  	_ =	shalt  }
0x7b: {  	_ =	shalt  }
0x7c: {  	_ =	shalt  }
0x7d: {  	_ =	shalt  }
0x7e: {  	_ =	shalt  }
0x7f: {  	_ =	shalt  }
0x80: {  	_ =	shalt  }
0x81: {  	_ =	shalt  }
0x82: {  	_ =	shalt  }
0x83: {  	_ =	shalt  }
0x84: {  	_ =	shalt  }
0x85: {  	_ =	shalt  }
0x86: {  	_ =	shalt  }
0x87: {  	_ =	shalt  }
.Lfunc_end0:
.L_simem_size_0:
called_computation_lowered:
.L_overlay_start_0:
0x88: {  	s2 =	sld [smem:$0x3FD9]  }
0x89: {  	s3 =	sld [smem:$0x3FFE];
	_ =	sdelay $0x1  }
0x8a: {  	s1 =	srdreg.scid  }
0x8b: {  	s0 =	sand.u32 $0x1, s1  }
0x8c: {  	s16 =	sshll.u32 s0, $0xA;
	s2 =	sadd.s32 s3, s2  }
0x8d: {  	s2 =	sadd.s32 s2, s16  }
0x8e: {  	[smem:$0x3FC6] =	sst s2  }
0x8f: {  	_ = 	snop  }
0x90: {  	(tm) =	ssettm $0x1  }
0x91: {  	s17 =	sld [smem:$0x3FFB];
	_ =	sdelay $0x3  }
0x92: {  	_ =	strace s17  }
0x93: {  	s2 =	sld [smem:$0x3FFC];
	_ =	sdelay $0x3  }
0x94: {  	_ =	strace s2  }
0x95: {  	s2 =	sld [smem:$0x3FFD];
	_ =	sdelay $0x3  }
0x96: {  	_ =	strace s2  }
0x97: {  	_ =	strace $0x8FFFFFFF  }
0x98: {  	s18 =	sld [smem:$0x3FDB];
	_ =	sdelay $0x1  }
0x99: {  	s19 =	simm.s32 $_scs_section_size  }
0x9a: {  	s4 =	simm.s32 $_size__tile_overlayer_lowered;
	s5 =	simm.s32 $_tile_overlayer_lowered  }
0x9b: {  	s22 =	simm.s32 $0x1BFF;
	s21 =	sshll.u32 s5, $0x1;
	s2 =	sadd.s32 s19, s18  }
0x9c: {  	s6 =	simm.s32 $0x0;
	s20 =	sshll.u32 s4, $0x1;
	s4 =	sadd.s32 s21, s2  }
0x9d: {  	[timem:s6], [sflag:s22] =	dma.local [hbm:s4], s20  }
0x9e: {  	_ =	swait.ge [sflag:s22], s20  }
0x9f: {  	s3 =	ssub.s32 $0x0, s20;
	[sflag:s22] =	ssyncset.done $0x0  }
0xa0: {  	[sflag:s22] =	ssyncadd.s32 s3;
	_ =	sdelay $0x1  }
0xa1: {  	s23 =	simm.s32 $0x1B8B  }
0xa2: {  	_ =	swait.ge [sflag:s23], $0x1  }
0xa3: {  	[sflag:s23] =	ssyncset.done $0x0  }
0xa4: {  	s25 =	simm.s32 $0x1B8E;
	s24 =	sld [smem:$0x3FFE];
	[sflag:s23] =	ssyncadd.s32 $0xFFFFFFFF  }
0xa5: {  	s26 =	simm.s32 $execute0_lowered;
	[smem:$0x3FD2] =	sst s25  }
0xa6: {  	s4 =	sshll.u32 s26, $0x1;
	_ =	strace $0x80000046;
	[dreg:$0x1] =	wrdreg $0xFFFFFFFF  }
0xa7: {  	s28 =	simm.s32 $_size_execute0_lowered;
	s2 =	sadd.s32 s2, s4;
	[dreg:$0x0] =	wrdreg $0x0  }
0xa8: {  	s4 =	sshll.u32 s28, $0x1;
	[dreg:$0x2] =	wrdreg s2  }
0xa9: {  	[dreg:$0x3] =	wrdreg s4  }
0xaa: {  	[dreg:$0x4] =	wrdreg $0xC0  }
0xab: {  	_ =	task [dreg:s6], $0x5FFFF  }
0xac: {  	[dreg:$0x1] =	wrdreg $0xFFFFFFFF  }
0xad: {  	[dreg:$0x0] =	wrdreg $0x60  }
0xae: {  	[dreg:$0x2] =	wrdreg s24  }
0xaf: {  	[dreg:$0x3] =	wrdreg $0xB000  }
0xb0: {  	[dreg:$0x4] =	wrdreg $0x9  }
0xb1: {  	_ =	task.clear_ibuf [dreg:s6], $0x5FFFF;
	_ =	strace $0x90000046  }
0xb2: {  	s29 =	simm.s32 $0x9;
	_ =	strace $0x80000048  }
0xb3: {  	_ =	swait.ge [sflag:s29], $0x1  }
0xb4: {  	[sflag:s29] =	ssyncadd.s32 $0xFFFFFFFF  }
0xb5: {  	_ =	strace $0x90000048  }
0xb6: {  	_ =	sfence  }
0xb7: {  	s30 =	sld [smem:$0x0];
	_ =	sdelay $0x2  }
0xb8: {  	s31 =	sshll.u32 s1, $0xD;
	s1 =	sshrl.u32 s1, $0x2  }
0xb9: {  	s3 =	sand.u32 $0x4000, s31;
	s1 =	sadd.s32 s1, s30  }
0xba: {  	s0 =	sor.u32 s3, s0;
	s1 =	sshll.u32 s1, $0x11  }
0xbb: {  	s0 =	sor.u32 s1, s0  }
0xbc: {  	s0 =	sadd.s32 $0x8F2B, s0  }
0xbd: {  	[sflag:s0] =	ssyncadd.remote.s32 $0x1  }
0xbe: {  	_ =	sfence.sel $0xFFFF  }
0xbf: {  	[dreg:$0x0] =	wrdreg $0xFFFFFFFF;
	(pc) =	sbr.abs _section_cstart, $3  }
0xc0: {  	[dreg:$0x1] =	wrdreg $0xFFFFFFFF  }
0xc1: {  	_ =	task.clear_ibuf [dreg:s6], $0x2FFFF;
	_ =	strace $0x9FFFFFFF  }
0xc2: {  	(tm) =	ssettm $0x7FFFFFFF  }
0xc3: {  	_ =	shalt  }
tec
execute0_lowered:
.L_overlay_start_1:
0x0: {  	(tag) =	ssettag $0x1  }
0x1: {  	v1 =	vlaneseq.u32;
	v2 =	vimm.f32 $1.500000000e+01;
	vm0 =	vcmask $0x300  }
0x2: {  	v3 =	vimm.f32 $1.000000000e+02;
	vm12 =	vcmask $0x704;
	vm13 =	vcmask $0xB08  }
0x3: {  	vm1 =	vcmask $0xF0C;
	vm2 =	vcmask $0x1310;
	vm3 =	vcmask $0x1714  }
0x4: {  	vm4 =	vcmask $0x1B18;
	vm5 =	vcmask $0x1F1C;
	vm6 =	vcmask $0x2320  }
0x5: {  	vm7 =	vcmask $0x2724;
	vm8 =	vcmask $0x2B28;
	vm9 =	vcmask $0x2F2C  }
0x6: {  	vm10 =	vcmask $0x3330;
	vm11 =	vcmask $0x3734;
	vm14 =	vcmask $0x3B38  }
0x7: {  	v4 =	vimm.f32 $6.300000000e+01;
	v5 =	vimm.f32 $7.900000000e+01;
	v6 =	vimm.f32 $9.500000000e+01  }
0x8: {  	v8 =	vimm.f32 $1.110000000e+02;
	v9 =	vimm.f32 $1.501000020e+01;
	v11 =	vimm.f32 $3.101000020e+01  }
0x9: {  	v12 =	vimm.f32 $4.700999830e+01;
	v13 =	vimm.f32 $6.300999830e+01;
	v14 =	vimm.f32 $7.901000210e+01  }
0xa: {  	v15 =	vimm.f32 $9.501000210e+01;
	v16 =	vimm.f32 $1.110100020e+02;
	v17 =	vimm.s32 $0x1  }
0xb: {  	v18 =	vimm.s32 $0x2;
	v19 =	vimm.s32 $0x3;
	v20 =	vimm.s32 $0x4  }
0xc: {  	v21 =	vimm.s32 $0x5;
	v22 =	vimm.s32 $0x6;
	v23 =	vimm.s32 $0x7  }
0xd: {  	v24 =	vimm.s32 $0x8;
	v26 =	vimm.s32 $0xEFCDAB89;
	v27 =	vimm.s32 $0x67452301  }
0xe: {  	v25 =	vimm.s32 $0x9;
	v28 =	vimm.s32 $0xC;
	v31 =	vimm.s32 $0xDCFE98BA  }
0xf: {  	v32 =	vimm.s32 $0x54761032;
	v33 =	vimm.s32 $0xBA98FEDC;
	v34 =	vimm.s32 $0x32107654  }
0x10: {  	v61 =	vimm.s32 $0xFEDCBA98;
	v36 =	vimm.s32 $0x76543210;
	v1 =	vmul.u32 $0x186A0, v1  }
0x11: {  	v2 =	vsel vm0, $0x0, v2;
	v4 =	vsel vm0, $0x42400000, v4;
	v5 =	vsel vm0, $0x42800000, v5  }
0x12: {  	v6 =	vsel vm0, $0x42A00000, v6;
	v8 =	vsel vm0, $0x42C00000, v8;
	v9 =	vsel vm0, $0x3C23D70A, v9  }
0x13: {  	v11 =	vsel vm0, $0x4180147B, v11;
	v12 =	vsel vm0, $0x42000A3D, v12;
	v13 =	vsel vm0, $0x42400A3D, v13  }
0x14: {  	v14 =	vsel vm0, $0x4280051F, v14;
	v15 =	vsel vm0, $0x42A0051F, v15;
	v16 =	vsel vm0, $0x42C0051F, v16  }
0x15: {  	v29 =	vunpack.c.l.s4.s8 v26;
	v30 =	vunpack.c.l.s4.s8 v27;
	v26 =	vimm.s32 $0xA  }
0x16: {  	v27 =	vimm.s32 $0xB;
	v31 =	vunpack.c.l.s4.s8 v31;
	v32 =	vunpack.c.l.s4.s8 v32  }
0x17: {  	v33 =	vunpack.c.l.s4.s8 v33;
	v36 =	vunpack.c.l.s4.s8 v36;
	v2 =	vsel vm12, $0x3F800000, v2  }
0x18: {  	v4 =	vsel vm12, $0x42440000, v4;
	v5 =	vsel vm12, $0x42820000, v5;
	v6 =	vsel vm12, $0x42A20000, v6  }
0x19: {  	v8 =	vsel vm12, $0x42C20000, v8;
	v9 =	vsel vm12, $0x3F8147AE, v9;
	v11 =	vsel vm12, $0x4188147B, v11  }
0x1a: {  	v12 =	vsel vm12, $0x42040A3D, v12;
	v13 =	vsel vm12, $0x42440A3D, v13;
	v14 =	vsel vm12, $0x4282051F, v14  }
0x1b: {  	v15 =	vsel vm12, $0x42A2051F, v15;
	v16 =	vsel vm12, $0x42C2051F, v16;
	v2 =	vsel vm13, $0x40000000, v2  }
0x1c: {  	s0 =	srdreg.scid;
	s2 =	simm.s32 $0x0;
	v4 =	vsel vm13, $0x42480000, v4;
	v5 =	vsel vm13, $0x42840000, v5;
	v6 =	vsel vm13, $0x42A40000, v6  }
0x1d: {  	s9 =	stileid.u32;
	s5 =	sand.u32 $0x1, s0;
	[smem:$0x7FF] =	sst s2;
	v8 =	vsel vm13, $0x42C40000, v8;
	v9 =	vsel vm13, $0x4000A3D7, v9;
	v11 =	vsel vm13, $0x4190147B, v11  }
0x1e: {  	s4 =	rddreg [dreg:$0x0];
	s1 =	sshll.u32 s9, $0x4;
	s0 =	sshll.u32 s5, $0x8;
	v12 =	vsel vm13, $0x42080A3D, v12;
	v13 =	vsel vm13, $0x42480A3D, v13;
	v14 =	vsel vm13, $0x4284051F, v14  }
0x1f: {  	s6 =	sor.u32 s1, s0;
	s1 =	rddreg [dreg:$0x1];
	v15 =	vsel vm13, $0x42A4051F, v15;
	v16 =	vsel vm13, $0x42C4051F, v16;
	v29 =	vunpack.c.0.s8.s32 v29  }
0x20: {  	s0 =	rddreg [dreg:$0x2];
	_ =	strace $0x80000047;
	v30 =	vunpack.c.0.s8.s32 v30;
	v60 =	vunpack.c.0.s8.s32 v33;
	v33 =	vunpack.c.l.s4.s8 v61  }
0x21: {  	v62 =	vunpack.c.0.s8.s32 v36;
	v0 =	vmov s6;
	(erf) = vrcp.f32 v3  }
0x22: {  	v3 =	vimm.f32 $3.100000000e+01;
	v2 =	vsel vm1, $0x40400000, v2;
	v4 =	vsel vm1, $0x424C0000, v4  }
0x23: {  	v5 =	vsel vm1, $0x42860000, v5;
	v6 =	vsel vm1, $0x42A60000, v6;
	v8 =	vsel vm1, $0x42C60000, v8  }
0x24: {  	v9 =	vsel vm1, $0x4040A3D7, v9;
	v11 =	vsel vm1, $0x4198147B, v11;
	v12 =	vsel vm1, $0x420C0A3D, v12  }
0x25: {  	v13 =	vsel vm1, $0x424C0A3D, v13;
	v14 =	vsel vm1, $0x4286051F, v14;
	v15 =	vsel vm1, $0x42A6051F, v15  }
0x26: {  	v16 =	vsel vm1, $0x42C6051F, v16;
	v0 =	vmul.u32 $0x186A0, v0;
	v3 =	vsel vm0, $0x41800000, v3  }
0x27: {  	v2 =	vsel vm2, $0x40800000, v2;
	v4 =	vsel vm2, $0x42500000, v4;
	v5 =	vsel vm2, $0x42880000, v5  }
0x28: {  	v6 =	vsel vm2, $0x42A80000, v6;
	v8 =	vsel vm2, $0x42C80000, v8;
	v9 =	vsel vm2, $0x408051EC, v9  }
0x29: {  	v11 =	vsel vm2, $0x41A0147B, v11;
	v12 =	vsel vm2, $0x42100A3D, v12;
	v13 =	vsel vm2, $0x42500A3D, v13  }
0x2a: {  	v14 =	vsel vm2, $0x4288051F, v14;
	v15 =	vsel vm2, $0x42A8051F, v15;
	v16 =	vsel vm2, $0x42C8051F, v16  }
0x2b: {  	v35 =	vcombine.low v30, v29;
	v30 =	vunpack.c.0.s8.s32 v31;
	v29 =	vunpack.c.l.s4.s8 v34  }
0x2c: {  	v31 =	vunpack.c.0.s8.s32 v32;
	v38 =	vunpack.c.0.s8.s32 v33;
	v3 =	vsel vm12, $0x41880000, v3  }
0x2d: {  	v2 =	vsel vm3, $0x40A00000, v2;
	v4 =	vsel vm3, $0x42540000, v4;
	v5 =	vsel vm3, $0x428A0000, v5  }
0x2e: {  	v6 =	vsel vm3, $0x42AA0000, v6;
	v8 =	vsel vm3, $0x42CA0000, v8;
	v9 =	vsel vm3, $0x40A051EC, v9  }
0x2f: {  	v11 =	vsel vm3, $0x41A8147B, v11;
	v12 =	vsel vm3, $0x42140A3D, v12;
	v13 =	vsel vm3, $0x42540A3D, v13  }
0x30: {  	v14 =	vsel vm3, $0x428A051F, v14;
	v15 =	vsel vm3, $0x42AA051F, v15;
	v16 =	vsel vm3, $0x42CA051F, v16  }
0x31: {  	v0 =	vbroadcast v0, $0x0;
	v3 =	vsel vm13, $0x41900000, v3;
	v2 =	vsel vm4, $0x40C00000, v2  }
0x32: {  	v4 =	vsel vm4, $0x42580000, v4;
	v5 =	vsel vm4, $0x428C0000, v5;
	v6 =	vsel vm4, $0x42AC0000, v6  }
0x33: {  	v8 =	vsel vm4, $0x42CC0000, v8;
	v9 =	vsel vm4, $0x40C051EC, v9;
	v11 =	vsel vm4, $0x41B0147B, v11  }
0x34: {  	v12 =	vsel vm4, $0x42180A3D, v12;
	v13 =	vsel vm4, $0x42580A3D, v13;
	v14 =	vsel vm4, $0x428C051F, v14  }
0x35: {  	v15 =	vsel vm4, $0x42AC051F, v15;
	v16 =	vsel vm4, $0x42CC051F, v16;
	v34 =	vunpack.c.0.s8.s32 v29  }
0x36: {  	v29 =	vimm.s32 $0xD;
	v37 =	vcombine.low v31, v30;
	v30 =	vimm.s32 $0xE  }
0x37: {  	v31 =	vimm.s32 $0xF;
	v32 =	vand.u32 $0xF, v35;
	v63 =	vand.u32 $0xF, v38  }
0x38: {  	v3 =	vsel vm1, $0x41980000, v3;
	v2 =	vsel vm5, $0x40E00000, v2;
	v4 =	vsel vm5, $0x425C0000, v4  }
0x39: {  	v5 =	vsel vm5, $0x428E0000, v5;
	v6 =	vsel vm5, $0x42AE0000, v6;
	v8 =	vsel vm5, $0x42CE0000, v8  }
0x3a: {  	v9 =	vsel vm5, $0x40E051EC, v9;
	v11 =	vsel vm5, $0x41B8147B, v11;
	v12 =	vsel vm5, $0x421C0A3D, v12  }
0x3b: {  	v13 =	vsel vm5, $0x425C0A3D, v13;
	v14 =	vsel vm5, $0x428E051F, v14;
	v15 =	vsel vm5, $0x42AE051F, v15  }
0x3c: {  	v16 =	vsel vm5, $0x42CE051F, v16;
	v35 =	vcombine.low v63, v62;
	v3 =	vsel vm2, $0x41A00000, v3  }
0x3d: {  	v2 =	vsel vm6, $0x41000000, v2;
	v0 =	vadd.s32 v1, v0;
	v4 =	vsel vm6, $0x42600000, v4  }
0x3e: {  	v5 =	vsel vm6, $0x42900000, v5;
	v6 =	vsel vm6, $0x42B00000, v6;
	v8 =	vsel vm6, $0x42D00000, v8  }
0x3f: {  	v9 =	vsel vm6, $0x410028F6, v9;
	v11 =	vsel vm6, $0x41C0147B, v11;
	v12 =	vsel vm6, $0x42200A3D, v12  }
0x40: {  	v13 =	vsel vm6, $0x42600A3D, v13;
	v14 =	vsel vm6, $0x4290051F, v14;
	v15 =	vsel vm6, $0x42B0051F, v15  }
0x41: {  	v16 =	vsel vm6, $0x42D0051F, v16;
	v34 =	vcombine.low v34, v60;
	v33 =	vand.u32 $0xF, v37  }
0x42: {  	v3 =	vsel vm3, $0x41A80000, v3;
	v2 =	vsel vm7, $0x41100000, v2;
	v4 =	vsel vm7, $0x42640000, v4  }
0x43: {  	v5 =	vsel vm7, $0x42920000, v5;
	v6 =	vsel vm7, $0x42B20000, v6;
	v8 =	vsel vm7, $0x42D20000, v8  }
0x44: {  	v9 =	vsel vm7, $0x411028F6, v9;
	v11 =	vsel vm7, $0x41C8147B, v11;
	v12 =	vsel vm7, $0x42240A3D, v12  }
0x45: {  	v13 =	vsel vm7, $0x42640A3D, v13;
	v14 =	vsel vm7, $0x4292051F, v14;
	v15 =	vsel vm7, $0x42B2051F, v15  }
0x46: {  	v16 =	vsel vm7, $0x42D2051F, v16;
	v3 =	vsel vm4, $0x41B00000, v3;
	v2 =	vsel vm8, $0x41200000, v2  }
0x47: {  	v4 =	vsel vm8, $0x42680000, v4;
	v5 =	vsel vm8, $0x42940000, v5;
	v6 =	vsel vm8, $0x42B40000, v6  }
0x48: {  	v8 =	vsel vm8, $0x42D40000, v8;
	v9 =	vsel vm8, $0x412028F6, v9;
	v11 =	vsel vm8, $0x41D0147B, v11  }
0x49: {  	v12 =	vsel vm8, $0x42280A3D, v12;
	v13 =	vsel vm8, $0x42680A3D, v13;
	v14 =	vsel vm8, $0x4294051F, v14  }
0x4a: {  	v15 =	vsel vm8, $0x42B4051F, v15;
	v16 =	vsel vm8, $0x42D4051F, v16;
	v34 =	vand.u32 $0xF, v34  }
0x4b: {  	v3 =	vsel vm5, $0x41B80000, v3;
	v2 =	vsel vm9, $0x41300000, v2;
	v4 =	vsel vm9, $0x426C0000, v4  }
0x4c: {  	v5 =	vsel vm9, $0x42960000, v5;
	v6 =	vsel vm9, $0x42B60000, v6;
	v8 =	vsel vm9, $0x42D60000, v8  }
0x4d: {  	v9 =	vsel vm9, $0x413028F6, v9;
	v11 =	vsel vm9, $0x41D8147B, v11;
	v12 =	vsel vm9, $0x422C0A3D, v12  }
0x4e: {  	v13 =	vsel vm9, $0x426C0A3D, v13;
	v14 =	vsel vm9, $0x4296051F, v14;
	v15 =	vsel vm9, $0x42B6051F, v15  }
0x4f: {  	v16 =	vsel vm9, $0x42D6051F, v16;
	v3 =	vsel vm6, $0x41C00000, v3;
	v2 =	vsel vm10, $0x41400000, v2  }
0x50: {  	v4 =	vsel vm10, $0x42700000, v4;
	v5 =	vsel vm10, $0x42980000, v5;
	v6 =	vsel vm10, $0x42B80000, v6  }
0x51: {  	v8 =	vsel vm10, $0x42D80000, v8;
	v10 =	vsel vm10, $0x414028F6, v9;
	v9 =	vimm.f32 $1.000000000e+00  }
0x52: {  	v11 =	vsel vm10, $0x41E0147B, v11;
	v12 =	vsel vm10, $0x42300A3D, v12;
	v13 =	vsel vm10, $0x42700A3D, v13  }
0x53: {  	v14 =	vsel vm10, $0x4298051F, v14;
	v15 =	vsel vm10, $0x42B8051F, v15;
	v3 =	vsel vm7, $0x41C80000, v3  }
0x54: {  	v16 =	vsel vm10, $0x42D8051F, v16;
	v2 =	vsel vm11, $0x41500000, v2;
	v3 =	vsel vm8, $0x41D00000, v3  }
0x55: {  	v7 =	vpop (erf);
	v4 =	vsel vm11, $0x42740000, v4;
	v2 =	vsel vm14, $0x41600000, v2;
	v3 =	vsel vm9, $0x41D80000, v3  }
0x56: {  	v1 =	vmul.f32 v2, v7;
	v2 =	vsel vm10, $0x41E00000, v3;
	v3 =	vimm.f32 $4.700000000e+01  }
0x57: {  	v5 =	vsel vm11, $0x429A0000, v5;
	v6 =	vsel vm11, $0x42BA0000, v6;
	v3 =	vsel vm0, $0x42000000, v3  }
0x58: {  	v8 =	vsel vm11, $0x42DA0000, v8;
	v10 =	vsel vm11, $0x415028F6, v10;
	v3 =	vsel vm12, $0x42040000, v3  }
0x59: {  	v11 =	vsel vm11, $0x41E8147B, v11;
	v12 =	vsel vm11, $0x42340A3D, v12;
	v3 =	vsel vm13, $0x42080000, v3  }
0x5a: {  	v13 =	vsel vm11, $0x42740A3D, v13;
	v14 =	vsel vm11, $0x429A051F, v14;
	v3 =	vsel vm1, $0x420C0000, v3  }
0x5b: {  	v15 =	vsel vm11, $0x42BA051F, v15;
	v16 =	vsel vm11, $0x42DA051F, v16;
	v3 =	vsel vm2, $0x42100000, v3  }
0x5c: {  	s13 =	simm.s32 $0x180;
	v4 =	vsel vm14, $0x42780000, v4;
	v5 =	vsel vm14, $0x429C0000, v5;
	v3 =	vsel vm3, $0x42140000, v3  }
0x5d: {  	s14 =	simm.s32 $0x200;
	s16 =	simm.s32 $0x280;
	s17 =	simm.s32 $0x300;
	v6 =	vsel vm14, $0x42BC0000, v6;
	v8 =	vsel vm14, $0x42DC0000, v8;
	v3 =	vsel vm4, $0x42180000, v3  }
0x5e: {  	v10 =	vsel vm14, $0x416028F6, v10;
	v11 =	vsel vm14, $0x41F0147B, v11;
	v3 =	vsel vm5, $0x421C0000, v3  }
0x5f: {  	v12 =	vsel vm14, $0x42380A3D, v12;
	v13 =	vsel vm14, $0x42780A3D, v13;
	v3 =	vsel vm6, $0x42200000, v3  }
0x60: {  	s11 =	simm.s32 $0x100;
	s12 =	simm.s32 $0x10;
	s15 =	simm.s32 $0x1;
	v14 =	vsel vm14, $0x429C051F, v14;
	v15 =	vsel vm14, $0x42BC051F, v15;
	v3 =	vsel vm7, $0x42240000, v3  }
0x61: {  	s3 =	sadd.s32 $0x800, s4;
	s31 =	sshll.u32 s9, $0x7;
	p0 =	sne.s32 s9, $0x0;
	v16 =	vsel vm14, $0x42DC051F, v16;
	v4 =	vmul.f32 v4, v7;
	v3 =	vsel vm8, $0x42280000, v3  }
.Ltmp0:
0x62: {  	s7 =	ssub.s32 $0x2, s5;
	s5 =	sshll.u32 s5, $0x4;
	[tilespmem:$0x1FFC0] =	vst v32;
	v5 =	vmul.f32 v5, v7;
	v2 =	vsel vm11, $0x41E80000, v2;
	v3 =	vsel vm9, $0x422C0000, v3;
	(pc) =	sbr.rel .LBB2_1-.Ltmp0, $4  }
0x63: {  	s9 =	simm.s32 $0x2;
	s8 =	sshrl.u32 s7, $0x1;
	s10 =	sadd.s32 s5, s4;
	[tilespmem:$0x1FFB0] =	vst v0;
	v6 =	vmul.f32 v6, v7;
	v2 =	vsel vm14, $0x41F00000, v2;
	v3 =	vsel vm10, $0x42300000, v3  }
0x64: {  	s6 =	sshrl.u32 s6, $0x3;
	s8 =	ssub.s32 s7, s8;
	s7 =	sadd.s32 $0x61B200, s10;
	[tilespmem:$0x1FFD0] =	vst v33;
	vm0 =	vmmov $0xf;
	v2 =	vmul.f32 v2, v7;
	v3 =	vsel vm11, $0x42340000, v3  }
0x65: {  	s10 =	simm.s32 $0x80;
	s6 =	sadd.s32 s6, s4;
	s8 =	smax.u32 s8, $0x1;
	[tilespmem:$0x1FFF0] =	vst v35;
	vm1 =	vcmask $0x3F08;
	vm2 =	vmmov $0x1;
	v3 =	vsel vm14, $0x42380000, v3  }
0x66: {  	s4 =	sadd.s32 $0x600, s6;
	s5 =	sadd.s32 $0x61B000, s6;
	s6 =	sadd.s32 s31, s1;
	[tilespmem:$0x1FFE0] =	vst v34;
	v3 =	vmul.f32 v3, v7;
	v7 =	vmul.f32 v8, v7;
	v8 =	vimm.s32 $0x0  }
.LBB2_3:
0x67: {  	s8 =	sadd.s32 $0xFFFFFFFF, s8  }
0x68: {  	p1 =	sne.s32 s8, $0x0  }
.Ltmp1:
0x69: {  	_ = 	snop;
	(pc) =	sbr.rel @!p1 .LBB2_4-.Ltmp1, $1  }
0x6a: {  	_ =	sdelay $0x3  }
.LBB2_1:
0x6b: {  	[tilespmem:s2], [sflag:$0x2] =	stream.linear.gather [hbm4b:s4+s2], $0x10, $0x38;
	[tilespmem:$0xB80] =	vst v63  }
0x6c: {  	_ =	swait.ge [sflag:s9], $0x10  }
0x6d: {  	[sflag:s9] =	ssyncset.done $0x0  }
0x6e: {  	[sflag:s9] =	ssyncadd.s32 $0xFFFFFFF0  }
0x6f: {  	[tilespmem:s10], [sflag:$0x2] =	stream.linear.gather [hbm4b:s5+s2], $0x10, $0x38;
	[tilespmem:$0xB80] =	vst v63  }
0x70: {  	_ =	swait.ge [sflag:s9], $0x10  }
0x71: {  	[sflag:s9] =	ssyncset.done $0x0  }
0x72: {  	[sflag:s9] =	ssyncadd.s32 $0xFFFFFFF0  }
0x73: {  	[tilespmem:s11], [sflag:$0x2] =	stream.linear.gather [hbm4b:s5+s2], $0x10, $0x38;
	[tilespmem:$0xB80] =	vst v63  }
0x74: {  	_ =	swait.ge [sflag:s9], $0x10  }
0x75: {  	[sflag:s9] =	ssyncset.done $0x0  }
0x76: {  	[sflag:s9] =	ssyncadd.s32 $0xFFFFFFF0  }
0x77: {  	v36 =	vld [tilespmem:$0x0];
	_ =	sdelay $0x4  }
0x78: {  	v37 =	vadd.s32 v36, v0  }
0x79: {  	[tilespmem:$0x180] =	vst v37  }
0x7a: {  	[tilespmem:s14], [sflag:$0x1] =	stream.indirect.gather [hbm4b:s3+s12], $0x1, s13, s12, $0xb8;
	[tilespmem:$0xB80] =	vst v63  }
0x7b: {  	_ =	swait.ge [sflag:s15], $0x10  }
0x7c: {  	[sflag:s15] =	ssyncset.done $0x0  }
0x7d: {  	[sflag:s15] =	ssyncadd.s32 $0xFFFFFFF0  }
0x7e: {  	v53 =	vld [tilespmem:$0x80]  }
0x7f: {  	v38 =	vld [tilespmem:$0x200];
	_ =	sdelay $0x4  }
0x80: {  	v39 =	vld [tilespmem:$0x100];
	v37 =	vsub.f32 v38, v53;
	_ =	sdelay $0x1  }
0x81: {  	v37 =	vmul.f32 $1.442695020e+00, v37;
	_ =	sdelay $0x1  }
0x82: {  	(erf) = vpow2.f32 v37  }
0x83: {  	(erf) = vrcp.f32 v39;
	_ =	sdelay $0x7  }
0x84: {  	v37 =	vpop (erf)  }
0x85: {  	vm3 =	veq.s32 v36, $0x0;
	v54 =	vpop (erf)  }
0x86: {  	v36 =	vsel vm3, $0x0, v9;
	v37 =	vmul.f32 v37, v54  }
0x87: {  	v55 =	vperm.xlane v36, v8  }
0x88: {  	v46 =	vperm.xlane v36, v17;
	v38 =	vperm.xlane v37, v8  }
0x89: {  	v63 =	vperm.xlane v36, v18;
	v39 =	vadd.f32 $0.0e+00, v55;
	v56 =	vperm.xlane v37, v17  }
0x8a: {  	v61 =	vperm.xlane v37, v18;
	vm3 =	vgt.f32 v38, v1;
	vm4 =	vlt.f32 v38, v10  }
0x8b: {  	vm14 =	vgt.f32 v38, v2;
	vm5 =	vlt.f32 v38, v11;
	vm15 =	vgt.f32 v38, v3  }
0x8c: {  	vm6 =	vlt.f32 v38, v12;
	vm8 =	vlt.f32 v38, v13;
	vm9 =	vgt.f32 v38, v5  }
0x8d: {  	vm10 =	vlt.f32 v38, v14;
	vm11 =	vgt.f32 v38, v6;
	vm12 =	vlt.f32 v38, v15  }
0x8e: {  	vm13 =	vgt.f32 v38, v7;
	vm7 =	vlt.f32 v38, v16;
	vm3 =	vmand vm3, vm4  }
0x8f: {  	vm4 =	vmand vm14, vm5;
	vm14 =	vmand vm13, vm7;
	vm13 =	vgt.f32 v56, v5  }
0x90: {  	v40 =	vnsel vm3, $0x0, v39;
	v41 =	vnsel vm4, $0x0, v39;
	vm3 =	vmand vm15, vm6  }
0x91: {  	vm4 =	vmand vm11, vm12;
	vm15 =	vgt.f32 v56, v1;
	vm11 =	vlt.f32 v56, v12  }
0x92: {  	vm12 =	vlt.f32 v56, v13;
	v42 =	vnsel vm3, $0x0, v39;
	vm3 =	vgt.f32 v38, v4  }
0x93: {  	v45 =	vnsel vm4, $0x0, v39;
	vm3 =	vmand vm3, vm8;
	vm8 =	vlt.f32 v56, v10  }
0x94: {  	v43 =	vnsel vm3, $0x0, v39;
	vm3 =	vmand vm9, vm10;
	vm4 =	vmand vm15, vm8  }
0x95: {  	vm9 =	vgt.f32 v56, v2;
	vm10 =	vlt.f32 v56, v11;
	vm15 =	vlt.f32 v56, v15  }
0x96: {  	vm8 =	vgt.f32 v56, v7;
	v44 =	vnsel vm3, $0x0, v39;
	vm3 =	vmand vm14, vm0  }
0x97: {  	v47 =	vnsel vm4, $0x0, v46;
	vm14 =	vlt.f32 v56, v14;
	v39 =	vnsel vm3, $0x0, v39  }
0x98: {  	vm3 =	vmand vm9, vm10;
	v40 =	vadd.f32 v47, v40;
	vm9 =	vlt.f32 v56, v16  }
0x99: {  	vm10 =	vgt.f32 v61, v1;
	v48 =	vnsel vm3, $0x0, v46;
	vm3 =	vgt.f32 v56, v3  }
0x9a: {  	vm4 =	vmand vm8, vm9;
	vm8 =	vlt.f32 v61, v14;
	vm3 =	vmand vm3, vm11  }
0x9b: {  	vm9 =	vlt.f32 v61, v16;
	v57 =	vnsel vm3, $0x0, v46;
	vm3 =	vgt.f32 v56, v4  }
0x9c: {  	v41 =	vadd.f32 v48, v41;
	vm11 =	vlt.f32 v61, v10;
	vm3 =	vmand vm3, vm12  }
0x9d: {  	v42 =	vadd.f32 v57, v42;
	vm12 =	vlt.f32 v61, v11;
	v58 =	vnsel vm3, $0x0, v46  }
0x9e: {  	vm3 =	vmand vm13, vm14;
	vm13 =	vlt.f32 v61, v12;
	vm14 =	vgt.f32 v61, v4  }
0x9f: {  	v59 =	vnsel vm3, $0x0, v46;
	vm3 =	vgt.f32 v56, v6;
	v60 =	vadd.f32 v58, v43  }
0xa0: {  	v56 =	vperm.xlane v37, v19;
	vm3 =	vmand vm3, vm15;
	v44 =	vadd.f32 v59, v44  }
0xa1: {  	vm15 =	vlt.f32 v61, v13;
	v62 =	vnsel vm3, $0x0, v46;
	vm3 =	vmand vm4, vm0  }
0xa2: {  	v59 =	vperm.xlane v36, v19;
	v45 =	vadd.f32 v62, v45;
	v46 =	vnsel vm3, $0x0, v46  }
0xa3: {  	vm3 =	vmand vm10, vm11;
	vm10 =	vgt.f32 v61, v6;
	vm11 =	vlt.f32 v61, v15  }
0xa4: {  	v51 =	vnsel vm3, $0x0, v63;
	vm3 =	vgt.f32 v61, v2;
	v39 =	vadd.f32 v46, v39  }
0xa5: {  	vm4 =	vmand vm10, vm11;
	vm10 =	vlt.f32 v56, v14;
	vm3 =	vmand vm3, vm12  }
0xa6: {  	vm11 =	vlt.f32 v56, v15;
	v52 =	vnsel vm3, $0x0, v63;
	vm3 =	vgt.f32 v61, v3  }
0xa7: {  	v40 =	vadd.f32 v51, v40;
	v57 =	vnsel vm4, $0x0, v63;
	vm3 =	vmand vm3, vm13  }
0xa8: {  	vm12 =	vlt.f32 v56, v10;
	v53 =	vnsel vm3, $0x0, v63;
	vm3 =	vmand vm14, vm15  }
0xa9: {  	v45 =	vadd.f32 v57, v45;
	v54 =	vnsel vm3, $0x0, v63;
	vm3 =	vgt.f32 v61, v5  }
0xaa: {  	v41 =	vadd.f32 v52, v41;
	vm13 =	vlt.f32 v56, v11;
	vm3 =	vmand vm3, vm8  }
0xab: {  	vm14 =	vgt.f32 v56, v3;
	v55 =	vnsel vm3, $0x0, v63;
	vm3 =	vgt.f32 v61, v7  }
0xac: {  	vm15 =	vlt.f32 v56, v12;
	v42 =	vadd.f32 v53, v42;
	vm3 =	vmand vm3, vm9  }
0xad: {  	v53 =	vperm.xlane v37, v20;
	v38 =	vadd.f32 v54, v60;
	vm3 =	vmand vm3, vm0  }
0xae: {  	vm8 =	vlt.f32 v56, v13;
	v58 =	vnsel vm3, $0x0, v63;
	vm3 =	vgt.f32 v56, v1  }
0xaf: {  	v44 =	vadd.f32 v55, v44;
	vm9 =	vgt.f32 v56, v5;
	vm3 =	vmand vm3, vm12  }
0xb0: {  	v55 =	vperm.xlane v36, v20;
	v60 =	vnsel vm3, $0x0, v59;
	vm3 =	vgt.f32 v56, v2  }
0xb1: {  	v39 =	vadd.f32 v58, v39;
	vm12 =	vgt.f32 v56, v7;
	vm3 =	vmand vm3, vm13  }
0xb2: {  	v40 =	vadd.f32 v60, v40;
	vm13 =	vlt.f32 v56, v16;
	v61 =	vnsel vm3, $0x0, v59  }
0xb3: {  	vm3 =	vmand vm14, vm15;
	vm4 =	vmand vm12, vm13;
	vm14 =	vlt.f32 v53, v10  }
0xb4: {  	vm15 =	vgt.f32 v53, v2;
	vm12 =	vlt.f32 v53, v14;
	vm13 =	vlt.f32 v53, v15  }
0xb5: {  	v62 =	vnsel vm3, $0x0, v59;
	vm3 =	vgt.f32 v56, v4;
	v41 =	vadd.f32 v61, v41  }
0xb6: {  	v61 =	vperm.xlane v37, v21;
	vm3 =	vmand vm3, vm8;
	v42 =	vadd.f32 v62, v42  }
0xb7: {  	vm8 =	vlt.f32 v53, v11;
	v63 =	vnsel vm3, $0x0, v59;
	vm3 =	vmand vm9, vm10  }
0xb8: {  	vm9 =	vlt.f32 v53, v12;
	v49 =	vnsel vm3, $0x0, v59;
	vm3 =	vgt.f32 v56, v6  }
0xb9: {  	vm10 =	vlt.f32 v53, v13;
	v38 =	vadd.f32 v63, v38;
	vm3 =	vmand vm3, vm11  }
0xba: {  	v63 =	vperm.xlane v36, v21;
	v44 =	vadd.f32 v49, v44;
	v52 =	vnsel vm3, $0x0, v59  }
0xbb: {  	vm11 =	vgt.f32 v53, v5;
	vm3 =	vmand vm4, vm0;
	v43 =	vadd.f32 v52, v45  }
0xbc: {  	v54 =	vnsel vm3, $0x0, v59;
	vm3 =	vgt.f32 v53, v1;
	v45 =	vperm.xlane v36, v31  }
0xbd: {  	vm3 =	vmand vm3, vm14;
	v39 =	vadd.f32 v54, v39;
	vm14 =	vgt.f32 v53, v7  }
0xbe: {  	v56 =	vnsel vm3, $0x0, v55;
	vm3 =	vmand vm15, vm8;
	vm15 =	vlt.f32 v53, v16  }
0xbf: {  	vm8 =	vgt.f32 v61, v1;
	v57 =	vnsel vm3, $0x0, v55;
	vm3 =	vgt.f32 v53, v3  }
0xc0: {  	v40 =	vadd.f32 v56, v40;
	vm4 =	vmand vm14, vm15;
	vm14 =	vlt.f32 v61, v14  }
0xc1: {  	vm15 =	vlt.f32 v61, v16;
	v41 =	vadd.f32 v57, v41;
	vm3 =	vmand vm3, vm9  }
0xc2: {  	vm9 =	vlt.f32 v61, v10;
	v58 =	vnsel vm3, $0x0, v55;
	vm3 =	vgt.f32 v53, v4  }
0xc3: {  	vm3 =	vmand vm3, vm10;
	v42 =	vadd.f32 v58, v42;
	vm10 =	vlt.f32 v61, v11  }
0xc4: {  	v58 =	vperm.xlane v36, v22;
	v59 =	vnsel vm3, $0x0, v55;
	vm3 =	vmand vm11, vm12  }
0xc5: {  	vm11 =	vlt.f32 v61, v12;
	v60 =	vnsel vm3, $0x0, v55;
	vm3 =	vgt.f32 v53, v6  }
0xc6: {  	vm12 =	vgt.f32 v61, v4;
	v38 =	vadd.f32 v59, v38;
	vm3 =	vmand vm3, vm13  }
0xc7: {  	v44 =	vadd.f32 v60, v44;
	v62 =	vnsel vm3, $0x0, v55;
	vm3 =	vmand vm4, vm0  }
0xc8: {  	vm13 =	vlt.f32 v61, v13;
	v43 =	vadd.f32 v62, v43;
	v49 =	vnsel vm3, $0x0, v55  }
0xc9: {  	vm3 =	vmand vm8, vm9;
	vm8 =	vgt.f32 v61, v6;
	vm9 =	vlt.f32 v61, v15  }
0xca: {  	v55 =	vperm.xlane v37, v22;
	v50 =	vnsel vm3, $0x0, v63;
	vm3 =	vgt.f32 v61, v2  }
0xcb: {  	v39 =	vadd.f32 v49, v39;
	vm4 =	vmand vm8, vm9;
	vm3 =	vmand vm3, vm10  }
0xcc: {  	v40 =	vadd.f32 v50, v40;
	v51 =	vnsel vm3, $0x0, v63;
	vm3 =	vgt.f32 v61, v3  }
0xcd: {  	v56 =	vnsel vm4, $0x0, v63;
	vm10 =	vlt.f32 v55, v10;
	vm3 =	vmand vm3, vm11  }
0xce: {  	vm8 =	vlt.f32 v55, v14;
	v52 =	vnsel vm3, $0x0, v63;
	vm3 =	vmand vm12, vm13  }
0xcf: {  	vm9 =	vlt.f32 v55, v15;
	v53 =	vnsel vm3, $0x0, v63;
	vm3 =	vgt.f32 v61, v5  }
0xd0: {  	v43 =	vadd.f32 v56, v43;
	v41 =	vadd.f32 v51, v41;
	vm3 =	vmand vm3, vm14  }
0xd1: {  	vm11 =	vlt.f32 v55, v11;
	v54 =	vnsel vm3, $0x0, v63;
	vm3 =	vgt.f32 v61, v7  }
0xd2: {  	vm12 =	vgt.f32 v55, v3;
	vm13 =	vlt.f32 v55, v12;
	vm3 =	vmand vm3, vm15  }
0xd3: {  	v42 =	vadd.f32 v52, v42;
	v38 =	vadd.f32 v53, v38;
	vm3 =	vmand vm3, vm0  }
0xd4: {  	vm14 =	vlt.f32 v55, v13;
	v57 =	vnsel vm3, $0x0, v63;
	vm3 =	vgt.f32 v55, v1  }
0xd5: {  	v53 =	vperm.xlane v37, v23;
	v44 =	vadd.f32 v54, v44;
	vm3 =	vmand vm3, vm10  }
0xd6: {  	vm15 =	vgt.f32 v55, v5;
	v59 =	vnsel vm3, $0x0, v58;
	vm3 =	vgt.f32 v55, v2  }
0xd7: {  	v39 =	vadd.f32 v57, v39;
	vm10 =	vgt.f32 v55, v7;
	vm3 =	vmand vm3, vm11  }
0xd8: {  	v40 =	vadd.f32 v59, v40;
	vm11 =	vlt.f32 v55, v16;
	v60 =	vnsel vm3, $0x0, v58  }
0xd9: {  	vm3 =	vmand vm12, vm13;
	vm4 =	vmand vm10, vm11;
	vm12 =	vlt.f32 v53, v10  }
0xda: {  	vm13 =	vgt.f32 v53, v2;
	vm10 =	vlt.f32 v53, v14;
	vm11 =	vlt.f32 v53, v15  }
0xdb: {  	v61 =	vnsel vm3, $0x0, v58;
	vm3 =	vgt.f32 v55, v4;
	v41 =	vadd.f32 v60, v41  }
0xdc: {  	vm3 =	vmand vm3, vm14;
	v42 =	vadd.f32 v61, v42;
	vm14 =	vlt.f32 v53, v11  }
0xdd: {  	v61 =	vperm.xlane v37, v24;
	v62 =	vnsel vm3, $0x0, v58;
	vm3 =	vmand vm15, vm8  }
0xde: {  	vm15 =	vlt.f32 v53, v12;
	vm8 =	vlt.f32 v53, v13;
	v63 =	vnsel vm3, $0x0, v58  }
0xdf: {  	vm3 =	vgt.f32 v55, v6;
	v38 =	vadd.f32 v62, v38;
	v55 =	vperm.xlane v36, v23  }
0xe0: {  	vm3 =	vmand vm3, vm9;
	v44 =	vadd.f32 v63, v44;
	vm9 =	vgt.f32 v53, v5  }
0xe1: {  	v63 =	vperm.xlane v36, v24;
	v52 =	vnsel vm3, $0x0, v58;
	vm3 =	vmand vm4, vm0  }
0xe2: {  	v43 =	vadd.f32 v52, v43;
	v54 =	vnsel vm3, $0x0, v58;
	vm3 =	vgt.f32 v53, v1  }
0xe3: {  	vm3 =	vmand vm3, vm12;
	v39 =	vadd.f32 v54, v39;
	vm12 =	vgt.f32 v53, v7  }
0xe4: {  	v56 =	vnsel vm3, $0x0, v55;
	vm3 =	vmand vm13, vm14;
	vm13 =	vlt.f32 v53, v16  }
0xe5: {  	vm14 =	vgt.f32 v61, v1;
	v57 =	vnsel vm3, $0x0, v55;
	vm3 =	vgt.f32 v53, v3  }
0xe6: {  	v40 =	vadd.f32 v56, v40;
	vm4 =	vmand vm12, vm13;
	vm12 =	vlt.f32 v61, v14  }
0xe7: {  	vm13 =	vlt.f32 v61, v16;
	v41 =	vadd.f32 v57, v41;
	vm3 =	vmand vm3, vm15  }
0xe8: {  	vm15 =	vlt.f32 v61, v10;
	v58 =	vnsel vm3, $0x0, v55;
	vm3 =	vgt.f32 v53, v4  }
0xe9: {  	vm3 =	vmand vm3, vm8;
	v42 =	vadd.f32 v58, v42;
	vm8 =	vlt.f32 v61, v11  }
0xea: {  	v58 =	vperm.xlane v36, v25;
	v59 =	vnsel vm3, $0x0, v55;
	vm3 =	vmand vm9, vm10  }
0xeb: {  	vm9 =	vlt.f32 v61, v12;
	v60 =	vnsel vm3, $0x0, v55;
	vm3 =	vgt.f32 v53, v6  }
0xec: {  	vm10 =	vgt.f32 v61, v4;
	v38 =	vadd.f32 v59, v38;
	vm3 =	vmand vm3, vm11  }
0xed: {  	v44 =	vadd.f32 v60, v44;
	v62 =	vnsel vm3, $0x0, v55;
	vm3 =	vmand vm4, vm0  }
0xee: {  	vm11 =	vlt.f32 v61, v13;
	v43 =	vadd.f32 v62, v43;
	v49 =	vnsel vm3, $0x0, v55  }
0xef: {  	vm3 =	vmand vm14, vm15;
	vm14 =	vgt.f32 v61, v6;
	vm15 =	vlt.f32 v61, v15  }
0xf0: {  	v55 =	vperm.xlane v37, v25;
	v50 =	vnsel vm3, $0x0, v63;
	vm3 =	vgt.f32 v61, v2  }
0xf1: {  	v39 =	vadd.f32 v49, v39;
	vm4 =	vmand vm14, vm15;
	vm3 =	vmand vm3, vm8  }
0xf2: {  	v40 =	vadd.f32 v50, v40;
	v51 =	vnsel vm3, $0x0, v63;
	vm3 =	vgt.f32 v61, v3  }
0xf3: {  	v56 =	vnsel vm4, $0x0, v63;
	vm8 =	vlt.f32 v55, v10;
	vm3 =	vmand vm3, vm9  }
0xf4: {  	vm14 =	vlt.f32 v55, v14;
	v52 =	vnsel vm3, $0x0, v63;
	vm3 =	vmand vm10, vm11  }
0xf5: {  	vm15 =	vlt.f32 v55, v15;
	v53 =	vnsel vm3, $0x0, v63;
	vm3 =	vgt.f32 v61, v5  }
0xf6: {  	v43 =	vadd.f32 v56, v43;
	v41 =	vadd.f32 v51, v41;
	vm3 =	vmand vm3, vm12  }
0xf7: {  	vm9 =	vlt.f32 v55, v11;
	v54 =	vnsel vm3, $0x0, v63;
	vm3 =	vgt.f32 v61, v7  }
0xf8: {  	vm10 =	vgt.f32 v55, v3;
	vm11 =	vlt.f32 v55, v12;
	vm3 =	vmand vm3, vm13  }
0xf9: {  	v42 =	vadd.f32 v52, v42;
	v38 =	vadd.f32 v53, v38;
	vm3 =	vmand vm3, vm0  }
0xfa: {  	vm12 =	vlt.f32 v55, v13;
	v57 =	vnsel vm3, $0x0, v63;
	vm3 =	vgt.f32 v55, v1  }
0xfb: {  	v53 =	vperm.xlane v37, v26;
	v44 =	vadd.f32 v54, v44;
	vm3 =	vmand vm3, vm8  }
0xfc: {  	vm13 =	vgt.f32 v55, v5;
	v59 =	vnsel vm3, $0x0, v58;
	vm3 =	vgt.f32 v55, v2  }
0xfd: {  	v39 =	vadd.f32 v57, v39;
	vm8 =	vgt.f32 v55, v7;
	vm3 =	vmand vm3, vm9  }
0xfe: {  	v40 =	vadd.f32 v59, v40;
	vm9 =	vlt.f32 v55, v16;
	v60 =	vnsel vm3, $0x0, v58  }
0xff: {  	vm3 =	vmand vm10, vm11;
	vm4 =	vmand vm8, vm9;
	vm10 =	vlt.f32 v53, v10  }
0x100: {  	vm11 =	vgt.f32 v53, v2;
	vm8 =	vlt.f32 v53, v14;
	vm9 =	vlt.f32 v53, v15  }
0x101: {  	v61 =	vnsel vm3, $0x0, v58;
	vm3 =	vgt.f32 v55, v4;
	v41 =	vadd.f32 v60, v41  }
0x102: {  	vm3 =	vmand vm3, vm12;
	v42 =	vadd.f32 v61, v42;
	vm12 =	vlt.f32 v53, v11  }
0x103: {  	v61 =	vperm.xlane v37, v27;
	v62 =	vnsel vm3, $0x0, v58;
	vm3 =	vmand vm13, vm14  }
0x104: {  	vm13 =	vlt.f32 v53, v12;
	vm14 =	vlt.f32 v53, v13;
	v63 =	vnsel vm3, $0x0, v58  }
0x105: {  	vm3 =	vgt.f32 v55, v6;
	v38 =	vadd.f32 v62, v38;
	v55 =	vperm.xlane v36, v26  }
0x106: {  	vm3 =	vmand vm3, vm15;
	v44 =	vadd.f32 v63, v44;
	vm15 =	vgt.f32 v53, v5  }
0x107: {  	v63 =	vperm.xlane v36, v27;
	v52 =	vnsel vm3, $0x0, v58;
	vm3 =	vmand vm4, vm0  }
0x108: {  	v43 =	vadd.f32 v52, v43;
	v54 =	vnsel vm3, $0x0, v58;
	vm3 =	vgt.f32 v53, v1  }
0x109: {  	vm3 =	vmand vm3, vm10;
	v39 =	vadd.f32 v54, v39;
	vm10 =	vgt.f32 v53, v7  }
0x10a: {  	v56 =	vnsel vm3, $0x0, v55;
	vm3 =	vmand vm11, vm12;
	vm11 =	vlt.f32 v53, v16  }
0x10b: {  	vm12 =	vgt.f32 v61, v1;
	v57 =	vnsel vm3, $0x0, v55;
	vm3 =	vgt.f32 v53, v3  }
0x10c: {  	v40 =	vadd.f32 v56, v40;
	vm4 =	vmand vm10, vm11;
	vm10 =	vlt.f32 v61, v14  }
0x10d: {  	vm11 =	vlt.f32 v61, v16;
	v56 =	vperm.xlane v37, v28;
	vm3 =	vmand vm3, vm13  }
0x10e: {  	v41 =	vadd.f32 v57, v41;
	v58 =	vnsel vm3, $0x0, v55;
	vm3 =	vgt.f32 v53, v4  }
0x10f: {  	vm13 =	vlt.f32 v61, v10;
	vm3 =	vmand vm3, vm14;
	v42 =	vadd.f32 v58, v42  }
0x110: {  	vm14 =	vlt.f32 v61, v11;
	v59 =	vnsel vm3, $0x0, v55;
	vm3 =	vmand vm15, vm8  }
0x111: {  	vm15 =	vlt.f32 v61, v12;
	v60 =	vnsel vm3, $0x0, v55;
	vm3 =	vgt.f32 v53, v6  }
0x112: {  	vm8 =	vgt.f32 v61, v4;
	v38 =	vadd.f32 v59, v38;
	vm3 =	vmand vm3, vm9  }
0x113: {  	v59 =	vperm.xlane v36, v28;
	v44 =	vadd.f32 v60, v44;
	v62 =	vnsel vm3, $0x0, v55  }
0x114: {  	vm9 =	vlt.f32 v61, v13;
	vm3 =	vmand vm4, vm0;
	v43 =	vadd.f32 v62, v43  }
0x115: {  	v50 =	vnsel vm3, $0x0, v55;
	vm3 =	vmand vm12, vm13;
	vm12 =	vgt.f32 v61, v6  }
0x116: {  	vm13 =	vlt.f32 v61, v15;
	v51 =	vnsel vm3, $0x0, v63;
	vm3 =	vgt.f32 v61, v2  }
0x117: {  	v39 =	vadd.f32 v50, v39;
	vm4 =	vmand vm12, vm13;
	vm3 =	vmand vm3, vm14  }
0x118: {  	vm12 =	vlt.f32 v56, v14;
	v52 =	vnsel vm3, $0x0, v63;
	vm3 =	vgt.f32 v61, v3  }
0x119: {  	vm13 =	vlt.f32 v56, v15;
	v40 =	vadd.f32 v51, v40;
	vm3 =	vmand vm3, vm15  }
0x11a: {  	v57 =	vnsel vm4, $0x0, v63;
	v53 =	vnsel vm3, $0x0, v63;
	vm3 =	vmand vm8, vm9  }
0x11b: {  	vm14 =	vlt.f32 v56, v10;
	v54 =	vnsel vm3, $0x0, v63;
	vm3 =	vgt.f32 v61, v5  }
0x11c: {  	v43 =	vadd.f32 v57, v43;
	v41 =	vadd.f32 v52, v41;
	vm3 =	vmand vm3, vm10  }
0x11d: {  	vm15 =	vlt.f32 v56, v11;
	v55 =	vnsel vm3, $0x0, v63;
	vm3 =	vgt.f32 v61, v7  }
0x11e: {  	vm8 =	vgt.f32 v56, v3;
	vm9 =	vlt.f32 v56, v12;
	vm3 =	vmand vm3, vm11  }
0x11f: {  	v42 =	vadd.f32 v53, v42;
	v38 =	vadd.f32 v54, v38;
	vm3 =	vmand vm3, vm0  }
0x120: {  	vm10 =	vlt.f32 v56, v13;
	v58 =	vnsel vm3, $0x0, v63;
	vm3 =	vgt.f32 v56, v1  }
0x121: {  	v54 =	vperm.xlane v37, v29;
	v44 =	vadd.f32 v55, v44;
	vm3 =	vmand vm3, vm14  }
0x122: {  	vm11 =	vgt.f32 v56, v5;
	v60 =	vnsel vm3, $0x0, v59;
	vm3 =	vgt.f32 v56, v2  }
0x123: {  	v39 =	vadd.f32 v58, v39;
	vm14 =	vgt.f32 v56, v7;
	vm3 =	vmand vm3, vm15  }
0x124: {  	v40 =	vadd.f32 v60, v40;
	vm15 =	vlt.f32 v56, v16;
	v61 =	vnsel vm3, $0x0, v59  }
0x125: {  	vm3 =	vmand vm8, vm9;
	vm4 =	vmand vm14, vm15;
	vm8 =	vlt.f32 v54, v10  }
0x126: {  	vm9 =	vgt.f32 v54, v2;
	vm14 =	vlt.f32 v54, v14;
	vm15 =	vlt.f32 v54, v15  }
0x127: {  	v62 =	vnsel vm3, $0x0, v59;
	vm3 =	vgt.f32 v56, v4;
	v41 =	vadd.f32 v61, v41  }
0x128: {  	vm3 =	vmand vm3, vm10;
	v42 =	vadd.f32 v62, v42;
	vm10 =	vlt.f32 v54, v11  }
0x129: {  	v62 =	vperm.xlane v37, v30;
	v63 =	vnsel vm3, $0x0, v59;
	vm3 =	vmand vm11, vm12  }
0x12a: {  	vm11 =	vlt.f32 v54, v12;
	vm12 =	vlt.f32 v54, v13;
	v52 =	vnsel vm3, $0x0, v59  }
0x12b: {  	vm3 =	vgt.f32 v56, v6;
	v38 =	vadd.f32 v63, v38;
	v56 =	vperm.xlane v36, v29  }
0x12c: {  	vm3 =	vmand vm3, vm13;
	v44 =	vadd.f32 v52, v44;
	vm13 =	vgt.f32 v54, v5  }
0x12d: {  	v52 =	vperm.xlane v36, v30;
	v53 =	vnsel vm3, $0x0, v59;
	vm3 =	vmand vm4, vm0  }
0x12e: {  	v43 =	vadd.f32 v53, v43;
	v55 =	vnsel vm3, $0x0, v59;
	vm3 =	vgt.f32 v54, v1  }
0x12f: {  	vm3 =	vmand vm3, vm8;
	v39 =	vadd.f32 v55, v39;
	vm8 =	vgt.f32 v54, v7  }
0x130: {  	v57 =	vnsel vm3, $0x0, v56;
	vm3 =	vmand vm9, vm10;
	vm9 =	vlt.f32 v54, v16  }
0x131: {  	vm10 =	vgt.f32 v62, v1;
	v58 =	vnsel vm3, $0x0, v56;
	vm3 =	vgt.f32 v54, v3  }
0x132: {  	v40 =	vadd.f32 v57, v40;
	vm4 =	vmand vm8, vm9;
	vm8 =	vlt.f32 v62, v14  }
0x133: {  	vm9 =	vlt.f32 v62, v15;
	v41 =	vadd.f32 v58, v41;
	vm3 =	vmand vm3, vm11  }
0x134: {  	vm11 =	vlt.f32 v62, v10;
	v59 =	vnsel vm3, $0x0, v56;
	vm3 =	vgt.f32 v54, v4  }
0x135: {  	vm3 =	vmand vm3, vm12;
	v42 =	vadd.f32 v59, v42;
	vm12 =	vlt.f32 v62, v11  }
0x136: {  	v60 =	vnsel vm3, $0x0, v56;
	vm3 =	vmand vm13, vm14;
	vm13 =	vlt.f32 v62, v12  }
0x137: {  	vm14 =	vgt.f32 v62, v4;
	v61 =	vnsel vm3, $0x0, v56;
	vm3 =	vgt.f32 v54, v6  }
0x138: {  	v38 =	vadd.f32 v60, v38;
	v60 =	vperm.xlane v37, v31;
	vm3 =	vmand vm3, vm15  }
0x139: {  	v37 =	vmul.f32 v37, v36;
	v44 =	vadd.f32 v61, v44;
	v63 =	vnsel vm3, $0x0, v56  }
0x13a: {  	vm15 =	vlt.f32 v62, v13;
	vm3 =	vmand vm4, vm0;
	v43 =	vadd.f32 v63, v43  }
0x13b: {  	v53 =	vnsel vm3, $0x0, v56;
	vm3 =	vmand vm10, vm11;
	vm10 =	vgt.f32 v62, v7  }
0x13c: {  	vm11 =	vlt.f32 v62, v16;
	v63 =	vperm.xlane v36, v32;
	v54 =	vnsel vm3, $0x0, v52  }
0x13d: {  	vm3 =	vgt.f32 v62, v2;
	v39 =	vadd.f32 v53, v39;
	v53 =	vperm.xlane v37, v32  }
0x13e: {  	v40 =	vadd.f32 v54, v40;
	vm3 =	vmand vm3, vm12;
	vm12 =	vlt.f32 v60, v10  }
0x13f: {  	v36 =	vadd.f32 v63, v36;
	v55 =	vnsel vm3, $0x0, v52;
	vm3 =	vgt.f32 v62, v3  }
0x140: {  	v37 =	vadd.f32 v53, v37;
	vm3 =	vmand vm3, vm13;
	v41 =	vadd.f32 v55, v41  }
0x141: {  	vm13 =	vgt.f32 v60, v2;
	v54 =	vperm.xlane v36, v33;
	v56 =	vnsel vm3, $0x0, v52  }
0x142: {  	vm3 =	vmand vm14, vm15;
	vm14 =	vlt.f32 v60, v11;
	vm15 =	vlt.f32 v60, v12  }
0x143: {  	v49 =	vperm.xlane v37, v33;
	v57 =	vnsel vm3, $0x0, v52;
	v42 =	vadd.f32 v56, v42  }
0x144: {  	vm3 =	vgt.f32 v62, v5;
	v36 =	vadd.f32 v54, v36;
	v38 =	vadd.f32 v57, v38  }
0x145: {  	vm3 =	vmand vm3, vm8;
	vm8 =	vgt.f32 v60, v4;
	v37 =	vadd.f32 v49, v37  }
0x146: {  	v58 =	vnsel vm3, $0x0, v52;
	vm3 =	vgt.f32 v62, v6;
	v57 =	vperm.xlane v36, v34  }
0x147: {  	vm3 =	vmand vm3, vm9;
	v44 =	vadd.f32 v58, v44;
	vm9 =	vlt.f32 v60, v13  }
0x148: {  	v51 =	vperm.xlane v37, v34;
	v59 =	vnsel vm3, $0x0, v52;
	vm3 =	vmand vm10, vm11  }
0x149: {  	vm10 =	vgt.f32 v60, v5;
	vm11 =	vlt.f32 v60, v14;
	v36 =	vadd.f32 v57, v36  }
0x14a: {  	v43 =	vadd.f32 v59, v43;
	vm3 =	vmand vm3, vm0;
	v37 =	vadd.f32 v51, v37  }
0x14b: {  	v61 =	vnsel vm3, $0x0, v52;
	vm3 =	vgt.f32 v60, v1;
	v59 =	vperm.xlane v36, v35  }
0x14c: {  	v39 =	vadd.f32 v61, v39;
	vm3 =	vmand vm3, vm12;
	vm12 =	vgt.f32 v60, v6  }
0x14d: {  	v61 =	vperm.xlane v37, v35;
	v62 =	vnsel vm3, $0x0, v45;
	vm3 =	vmand vm13, vm14  }
0x14e: {  	vm13 =	vlt.f32 v60, v15;
	vm14 =	vgt.f32 v60, v7;
	v36 =	vadd.f32 v59, v36  }
0x14f: {  	v40 =	vadd.f32 v62, v40;
	v52 =	vnsel vm3, $0x0, v45;
	vm3 =	vgt.f32 v60, v3  }
0x150: {  	v37 =	vadd.f32 v61, v37;
	v41 =	vadd.f32 v52, v41;
	vm3 =	vmand vm3, vm15  }
0x151: {  	vm15 =	vlt.f32 v60, v16;
	v36 =	vsel vm1, $0x0, v36;
	v55 =	vnsel vm3, $0x0, v45  }
0x152: {  	vm3 =	vmand vm8, vm9;
	vm4 =	vmand vm14, vm15;
	[tilespmem:$0x280] =	vst v40;
	v36 =	vsel vm2, v37, v36  }
0x153: {  	v56 =	vnsel vm3, $0x0, v45;
	vm3 =	vmand vm10, vm11;
	v42 =	vadd.f32 v55, v42;
	[tilespmem:$0x290] =	vst v41  }
0x154: {  	[tilespmem:$0x2F0] =	vst v36;
	v50 =	vnsel vm3, $0x0, v45;
	vm3 =	vmand vm12, vm13;
	v38 =	vadd.f32 v56, v38  }
0x155: {  	v58 =	vadd.f32 v50, v44;
	v60 =	vnsel vm3, $0x0, v45;
	vm3 =	vmand vm4, vm0;
	[tilespmem:$0x2A0] =	vst v42  }
0x156: {  	v41 =	vadd.f32 v60, v43;
	v62 =	vnsel vm3, $0x0, v45;
	[tilespmem:$0x2B0] =	vst v38  }
0x157: {  	v63 =	vadd.f32 v62, v39;
	[tilespmem:$0x2C0] =	vst v58  }
0x158: {  	[tilespmem:$0x2D0] =	vst v41  }
0x159: {  	[tilespmem:$0x2E0] =	vst v63  }
0x15a: {  	[spmem:s6] =	stream.linear.scatter [tilespmem:s16], [sflag:$0x2], $0x80, $0x38;
	[tilespmem:$0xB80] =	vst v63  }
.Ltmp2:
0x15b: {  	_ =	swait.ge [sflag:s9], $0x80;
	(pc) =	sbr.rel @p0 .LBB2_3-.Ltmp2, $3  }
0x15c: {  	[sflag:s9] =	ssyncset.done $0x0  }
0x15d: {  	[sflag:s9] =	ssyncadd.s32 $0xFFFFFF80  }
0x15e: {  	[bflag:$0x0] =	sbarrier.arrive $0xFFFF;
	_ =	sdelay $0x1  }
0x15f: {  	[tilespmem:s17], [sflag:$0x2] =	stream.linear.gather [spmem:s1], $0x800, $0x38;
	[tilespmem:$0xB80] =	vst v63  }
0x160: {  	_ =	swait.ge [sflag:s9], $0x800  }
0x161: {  	[sflag:s9] =	ssyncset.done $0x0  }
0x162: {  	[sflag:s9] =	ssyncadd.s32 $0xFFFFF800  }
0x163: {  	v36 =	vld [tilespmem:$0x300]  }
0x164: {  	v37 =	vld [tilespmem:$0x380]  }
0x165: {  	v38 =	vld [tilespmem:$0x400]  }
0x166: {  	v39 =	vld [tilespmem:$0x480]  }
0x167: {  	v45 =	vld [tilespmem:$0x500]  }
0x168: {  	v46 =	vld [tilespmem:$0x580]  }
0x169: {  	v47 =	vld [tilespmem:$0x600]  }
0x16a: {  	v52 =	vld [tilespmem:$0x680]  }
0x16b: {  	v8 =	vld [tilespmem:$0x700]  }
0x16c: {  	v41 =	vld [tilespmem:$0x310]  }
0x16d: {  	v43 =	vld [tilespmem:$0x390]  }
0x16e: {  	v55 =	vld [tilespmem:$0x410]  }
0x16f: {  	v56 =	vld [tilespmem:$0x490]  }
0x170: {  	v57 =	vld [tilespmem:$0x510]  }
0x171: {  	v58 =	vld [tilespmem:$0x590]  }
0x172: {  	v59 =	vld [tilespmem:$0x610]  }
0x173: {  	[tilespmem:$0x1FE50] =	vst v8;
	v8 =	vld [tilespmem:$0x780]  }
0x174: {  	v60 =	vld [tilespmem:$0x690]  }
0x175: {  	v61 =	vld [tilespmem:$0x710]  }
0x176: {  	v62 =	vld [tilespmem:$0x790]  }
0x177: {  	v44 =	vld [tilespmem:$0x320]  }
0x178: {  	[tilespmem:$0x1FE60] =	vst v8;
	v8 =	vld [tilespmem:$0x800]  }
0x179: {  	v19 =	vld [tilespmem:$0x3A0]  }
0x17a: {  	v20 =	vld [tilespmem:$0x420]  }
0x17b: {  	v21 =	vld [tilespmem:$0x4A0]  }
0x17c: {  	v22 =	vld [tilespmem:$0x520]  }
0x17d: {  	[tilespmem:$0x1FE70] =	vst v8;
	v8 =	vld [tilespmem:$0x880]  }
0x17e: {  	v24 =	vld [tilespmem:$0x5A0]  }
0x17f: {  	v26 =	vld [tilespmem:$0x620]  }
0x180: {  	v28 =	vld [tilespmem:$0x6A0]  }
0x181: {  	v30 =	vld [tilespmem:$0x720]  }
0x182: {  	[tilespmem:$0x1FE90] =	vst v8;
	v8 =	vld [tilespmem:$0x900]  }
0x183: {  	v32 =	vld [tilespmem:$0x7A0]  }
0x184: {  	v40 =	vld [tilespmem:$0x820]  }
0x185: {  	v48 =	vld [tilespmem:$0x8A0]  }
0x186: {  	v53 =	vld [tilespmem:$0x920]  }
0x187: {  	[tilespmem:$0x1FEB0] =	vst v8;
	v8 =	vld [tilespmem:$0x980]  }
0x188: {  	v34 =	vld [tilespmem:$0x330]  }
0x189: {  	v35 =	vld [tilespmem:$0x3B0]  }
0x18a: {  	v0 =	vld [tilespmem:$0x430]  }
0x18b: {  	v9 =	vld [tilespmem:$0x530]  }
0x18c: {  	[tilespmem:$0x1FED0] =	vst v8;
	v8 =	vld [tilespmem:$0xA00]  }
0x18d: {  	v17 =	vld [tilespmem:$0x5B0]  }
0x18e: {  	v18 =	vld [tilespmem:$0x630]  }
0x18f: {  	v23 =	vld [tilespmem:$0x6B0]  }
0x190: {  	v25 =	vld [tilespmem:$0x730]  }
0x191: {  	[tilespmem:$0x1FEF0] =	vst v8;
	v8 =	vld [tilespmem:$0xA80]  }
0x192: {  	v27 =	vld [tilespmem:$0x7B0]  }
0x193: {  	v29 =	vld [tilespmem:$0x830]  }
0x194: {  	v31 =	vld [tilespmem:$0x8B0]  }
0x195: {  	v33 =	vld [tilespmem:$0x930]  }
0x196: {  	[tilespmem:$0x1FF20] =	vst v8;
	v8 =	vld [tilespmem:$0x810]  }
0x197: {  	v42 =	vld [tilespmem:$0x9B0]  }
0x198: {  	v49 =	vld [tilespmem:$0xA30]  }
0x199: {  	v50 =	vld [tilespmem:$0xAB0]  }
0x19a: {  	v54 =	vld [tilespmem:$0x4C0]  }
0x19b: {  	[tilespmem:$0x1FE80] =	vst v8;
	v8 =	vld [tilespmem:$0x890]  }
0x19c: {  	v51 =	vld [tilespmem:$0x340]  }
0x19d: {  	v63 =	vld [tilespmem:$0x440]  }
0x19e: {  	[tilespmem:$0x1FF60] =	vst v50;
	v50 =	vld [tilespmem:$0x3C0]  }
0x19f: {  	[tilespmem:$0x1FF70] =	vst v54;
	v54 =	vld [tilespmem:$0x540]  }
0x1a0: {  	[tilespmem:$0x1FEA0] =	vst v8;
	v8 =	vld [tilespmem:$0x910]  }
0x1a1: {  	v36 =	vadd.f32 v37, v36;
	v37 =	vld [tilespmem:$0x6C0]  }
0x1a2: {  	v41 =	vadd.f32 v43, v41;
	v43 =	vld [tilespmem:$0x740]  }
0x1a3: {  	v34 =	vadd.f32 v35, v34;
	v35 =	vld [tilespmem:$0x9D0]  }
0x1a4: {  	v36 =	vadd.f32 v38, v36;
	v38 =	vadd.f32 v19, v44;
	v44 =	vld [tilespmem:$0x7C0]  }
0x1a5: {  	[tilespmem:$0x1FEC0] =	vst v8;
	v8 =	vld [tilespmem:$0x990]  }
0x1a6: {  	v19 =	vld [tilespmem:$0x840]  }
0x1a7: {  	v55 =	vadd.f32 v55, v41;
	[tilespmem:$0x1FF80] =	vst v54;
	v54 =	vld [tilespmem:$0x5C0]  }
0x1a8: {  	v41 =	vld [tilespmem:$0x8C0];
	v20 =	vadd.f32 v20, v38  }
0x1a9: {  	v55 =	vadd.f32 v56, v55;
	v38 =	vld [tilespmem:$0x9C0]  }
0x1aa: {  	v20 =	vadd.f32 v21, v20;
	[tilespmem:$0x1FEE0] =	vst v8;
	v8 =	vld [tilespmem:$0xA10]  }
0x1ab: {  	v21 =	vadd.f32 v57, v55;
	v55 =	vld [tilespmem:$0x370]  }
0x1ac: {  	v20 =	vadd.f32 v22, v20;
	[tilespmem:$0x1FF90] =	vst v54;
	v54 =	vld [tilespmem:$0x640]  }
0x1ad: {  	v21 =	vadd.f32 v58, v21;
	v58 =	vld [tilespmem:$0x1FE50]  }
0x1ae: {  	v20 =	vadd.f32 v24, v20;
	v24 =	vld [tilespmem:$0x3D0]  }
0x1af: {  	[tilespmem:$0x1FF10] =	vst v8;
	v8 =	vld [tilespmem:$0xA90]  }
0x1b0: {  	v21 =	vadd.f32 v59, v21;
	v59 =	vld [tilespmem:$0x1FE60]  }
0x1b1: {  	v20 =	vadd.f32 v26, v20;
	v26 =	vld [tilespmem:$0x4D0];
	[tilespmem:$0x1FFA0] =	vst v54;
	v54 =	vadd.f32 v39, v36  }
0x1b2: {  	v21 =	vadd.f32 v60, v21;
	v60 =	vld [tilespmem:$0x1FE70]  }
0x1b3: {  	v20 =	vadd.f32 v28, v20;
	v28 =	vld [tilespmem:$0x5D0];
	v56 =	vadd.f32 v45, v54  }
0x1b4: {  	[tilespmem:$0x1FF40] =	vst v8;
	v8 =	vld [tilespmem:$0x9A0]  }
0x1b5: {  	v0 =	vadd.f32 v0, v34;
	v39 =	vld [tilespmem:$0x940];
	v34 =	vadd.f32 v46, v56  }
0x1b6: {  	v21 =	vadd.f32 v61, v21;
	v36 =	vld [tilespmem:$0xAC0]  }
0x1b7: {  	v20 =	vadd.f32 v30, v20;
	v30 =	vld [tilespmem:$0x6D0];
	v22 =	vadd.f32 v47, v34  }
0x1b8: {  	v21 =	vadd.f32 v62, v21;
	v62 =	vld [tilespmem:$0x1FE90]  }
0x1b9: {  	v22 =	vadd.f32 v52, v22;
	[tilespmem:$0x1FF00] =	vst v8;
	v8 =	vld [tilespmem:$0xA20]  }
0x1ba: {  	v20 =	vadd.f32 v32, v20;
	v32 =	vld [tilespmem:$0x7D0]  }
0x1bb: {  	v34 =	vld [tilespmem:$0x8D0];
	v22 =	vadd.f32 v58, v22  }
0x1bc: {  	v45 =	vld [tilespmem:$0x1FEB0]  }
0x1bd: {  	v58 =	vld [tilespmem:$0x3F0];
	v22 =	vadd.f32 v59, v22  }
0x1be: {  	[tilespmem:$0x1FF30] =	vst v8;
	v8 =	vld [tilespmem:$0xAA0]  }
0x1bf: {  	v47 =	vld [tilespmem:$0x1FED0];
	v22 =	vadd.f32 v60, v22  }
0x1c0: {  	v60 =	vld [tilespmem:$0x460]  }
0x1c1: {  	v22 =	vadd.f32 v62, v22;
	v52 =	vld [tilespmem:$0x1FEF0]  }
0x1c2: {  	v61 =	vld [tilespmem:$0x1FE80]  }
0x1c3: {  	v22 =	vadd.f32 v45, v22;
	[tilespmem:$0x1FF50] =	vst v8;
	v8 =	vld [tilespmem:$0x4B0]  }
0x1c4: {  	v56 =	vld [tilespmem:$0x1FF20]  }
0x1c5: {  	v20 =	vadd.f32 v40, v20;
	v22 =	vadd.f32 v47, v22;
	v40 =	vld [tilespmem:$0x1FEA0]  }
0x1c6: {  	v45 =	vld [tilespmem:$0x3E0]  }
0x1c7: {  	v22 =	vadd.f32 v52, v22;
	v46 =	vld [tilespmem:$0x1FEC0]  }
0x1c8: {  	v52 =	vld [tilespmem:$0x470];
	v21 =	vadd.f32 v61, v21;
	v8 =	vadd.f32 v8, v0  }
0x1c9: {  	v20 =	vadd.f32 v48, v20;
	v22 =	vadd.f32 v56, v22;
	v48 =	vld [tilespmem:$0x1FEE0]  }
0x1ca: {  	v56 =	vld [tilespmem:$0x1FF70];
	v21 =	vadd.f32 v40, v21;
	v8 =	vadd.f32 v9, v8  }
0x1cb: {  	v54 =	vld [tilespmem:$0x1FF10]  }
0x1cc: {  	v40 =	vld [tilespmem:$0xAD0];
	v21 =	vadd.f32 v46, v21;
	v8 =	vadd.f32 v17, v8  }
0x1cd: {  	v20 =	vadd.f32 v53, v20;
	v62 =	vadd.f32 v50, v51;
	v59 =	vld [tilespmem:$0x1FF40]  }
0x1ce: {  	v21 =	vadd.f32 v48, v21;
	v53 =	vld [tilespmem:$0x1FF00];
	v8 =	vadd.f32 v18, v8  }
0x1cf: {  	v48 =	vadd.f32 v63, v62;
	v62 =	vld [tilespmem:$0x1FFA0]  }
0x1d0: {  	v21 =	vadd.f32 v54, v21;
	v57 =	vld [tilespmem:$0x1FF30];
	v8 =	vadd.f32 v23, v8  }
0x1d1: {  	v54 =	vld [tilespmem:$0x4F0]  }
0x1d2: {  	v21 =	vadd.f32 v59, v21;
	v59 =	vld [tilespmem:$0x5F0];
	v8 =	vadd.f32 v25, v8  }
0x1d3: {  	v20 =	vadd.f32 v53, v20;
	v53 =	vld [tilespmem:$0x1FF60]  }
0x1d4: {  	v61 =	vld [tilespmem:$0x1FF50];
	v8 =	vadd.f32 v27, v8  }
0x1d5: {  	v20 =	vadd.f32 v57, v20;
	v57 =	vld [tilespmem:$0x570]  }
0x1d6: {  	v9 =	vld [tilespmem:$0x350];
	v8 =	vadd.f32 v29, v8  }
0x1d7: {  	v0 =	vld [tilespmem:$0xA40]  }
0x1d8: {  	v17 =	vld [tilespmem:$0x450];
	v8 =	vadd.f32 v31, v8  }
0x1d9: {  	v20 =	vadd.f32 v61, v20;
	v61 =	vld [tilespmem:$0x670]  }
0x1da: {  	v8 =	vadd.f32 v33, v8;
	v33 =	vld [tilespmem:$0x360]  }
0x1db: {  	v18 =	vld [tilespmem:$0x550];
	v9 =	vadd.f32 v24, v9  }
0x1dc: {  	v24 =	vld [tilespmem:$0x4E0]  }
0x1dd: {  	v23 =	vld [tilespmem:$0x650];
	v9 =	vadd.f32 v17, v9  }
0x1de: {  	v17 =	vadd.f32 v58, v55;
	v55 =	vld [tilespmem:$0x560]  }
0x1df: {  	v58 =	vld [tilespmem:$0x1FF80];
	v9 =	vadd.f32 v26, v9;
	v33 =	vadd.f32 v45, v33  }
0x1e0: {  	v25 =	vld [tilespmem:$0x750];
	v17 =	vadd.f32 v52, v17  }
0x1e1: {  	v9 =	vadd.f32 v18, v9;
	v33 =	vadd.f32 v60, v33;
	v60 =	vld [tilespmem:$0x1FF90]  }
0x1e2: {  	v46 =	vadd.f32 v56, v48;
	v26 =	vld [tilespmem:$0x5E0]  }
0x1e3: {  	v27 =	vld [tilespmem:$0x850];
	v17 =	vadd.f32 v54, v17;
	v9 =	vadd.f32 v28, v9  }
0x1e4: {  	v18 =	vld [tilespmem:$0x660];
	v46 =	vadd.f32 v58, v46;
	v24 =	vadd.f32 v24, v33  }
0x1e5: {  	v29 =	vld [tilespmem:$0x950];
	v17 =	vadd.f32 v57, v17;
	v9 =	vadd.f32 v23, v9  }
0x1e6: {  	v28 =	vld [tilespmem:$0x6E0];
	v24 =	vadd.f32 v55, v24;
	v45 =	vadd.f32 v60, v46  }
0x1e7: {  	v31 =	vld [tilespmem:$0xA50];
	v17 =	vadd.f32 v59, v17;
	v9 =	vadd.f32 v30, v9  }
0x1e8: {  	v24 =	vadd.f32 v26, v24;
	v26 =	vld [tilespmem:$0x6F0];
	v45 =	vadd.f32 v62, v45  }
0x1e9: {  	v23 =	vld [tilespmem:$0x760];
	v17 =	vadd.f32 v61, v17;
	v8 =	vadd.f32 v42, v8  }
0x1ea: {  	v18 =	vadd.f32 v18, v24;
	v24 =	vld [tilespmem:$0x770];
	v63 =	vadd.f32 v37, v45  }
0x1eb: {  	v30 =	vld [tilespmem:$0x7E0];
	v9 =	vadd.f32 v25, v9;
	v8 =	vadd.f32 v49, v8  }
0x1ec: {  	v18 =	vadd.f32 v28, v18;
	v28 =	vld [tilespmem:$0x7F0];
	v33 =	vadd.f32 v43, v63  }
0x1ed: {  	v25 =	vld [tilespmem:$0x860];
	v9 =	vadd.f32 v32, v9;
	v17 =	vadd.f32 v26, v17  }
0x1ee: {  	v18 =	vadd.f32 v23, v18;
	v23 =	vld [tilespmem:$0x870];
	v26 =	vadd.f32 v44, v33  }
0x1ef: {  	v8 =	vadd.f32 v53, v8;
	v17 =	vadd.f32 v24, v17;
	v24 =	vld [tilespmem:$0x8E0]  }
0x1f0: {  	v18 =	vadd.f32 v30, v18;
	v19 =	vadd.f32 v19, v26;
	v26 =	vld [tilespmem:$0x8F0]  }
0x1f1: {  	v9 =	vadd.f32 v27, v9;
	v27 =	vld [tilespmem:$0x960];
	v17 =	vadd.f32 v28, v17  }
0x1f2: {  	v18 =	vadd.f32 v25, v18;
	v25 =	vld [tilespmem:$0x970];
	v19 =	vadd.f32 v41, v19  }
0x1f3: {  	v9 =	vadd.f32 v34, v9;
	v17 =	vadd.f32 v23, v17;
	v23 =	vld [tilespmem:$0x9E0]  }
0x1f4: {  	v18 =	vadd.f32 v24, v18;
	v24 =	vld [tilespmem:$0x9F0];
	v19 =	vadd.f32 v39, v19  }
0x1f5: {  	v9 =	vadd.f32 v29, v9;
	v17 =	vadd.f32 v26, v17;
	v26 =	vld [tilespmem:$0xA60]  }
0x1f6: {  	v18 =	vadd.f32 v27, v18;
	v27 =	vld [tilespmem:$0xA70];
	v19 =	vadd.f32 v38, v19  }
0x1f7: {  	v9 =	vadd.f32 v35, v9;
	v17 =	vadd.f32 v25, v17;
	v25 =	vld [tilespmem:$0xAE0]  }
0x1f8: {  	[tilespmem:$0x280] =	vst v22;
	v18 =	vadd.f32 v23, v18;
	v0 =	vadd.f32 v0, v19;
	v19 =	vld [tilespmem:$0xAF0]  }
0x1f9: {  	[tilespmem:$0x290] =	vst v21;
	v9 =	vadd.f32 v31, v9;
	v17 =	vadd.f32 v24, v17  }
0x1fa: {  	[tilespmem:$0x2A0] =	vst v20;
	v0 =	vadd.f32 v36, v0;
	v18 =	vadd.f32 v26, v18  }
0x1fb: {  	[tilespmem:$0x2B0] =	vst v8;
	v8 =	vadd.f32 v40, v9;
	v9 =	vadd.f32 v27, v17  }
0x1fc: {  	[tilespmem:$0x2C0] =	vst v0;
	v0 =	vadd.f32 v25, v18  }
0x1fd: {  	v32 =	vld [tilespmem:$0x1FFC0];
	[tilespmem:$0x2D0] =	vst v8;
	v8 =	vadd.f32 v19, v9  }
0x1fe: {  	v22 =	vimm.s32 $0x6;
	v21 =	vimm.s32 $0x5;
	v34 =	vld [tilespmem:$0x1FFE0];
	[tilespmem:$0x2E0] =	vst v0  }
.Ltmp3:
0x1ff: {  	v20 =	vimm.s32 $0x4;
	v29 =	vimm.s32 $0xD;
	v35 =	vld [tilespmem:$0x1FFF0];
	v31 =	vimm.s32 $0xF;
	[tilespmem:$0x2F0] =	vst v8;
	(pc) =	sbr.rel .LBB2_3-.Ltmp3, $4  }
0x200: {  	v33 =	vld [tilespmem:$0x1FFD0];
	v30 =	vimm.s32 $0xE;
	v28 =	vimm.s32 $0xC;
	v23 =	vimm.s32 $0x7;
	[hbm4b:s7+s2] =	stream.linear.scatter [tilespmem:s16], [sflag:$0x2], $0x80, $0x38  }
0x201: {  	v24 =	vimm.s32 $0x8;
	v26 =	vimm.s32 $0xA;
	v27 =	vimm.s32 $0xB;
	v0 =	vld [tilespmem:$0x1FFB0];
	_ =	swait.ge [sflag:s9], $0x80  }
0x202: {  	v17 =	vimm.s32 $0x1;
	v25 =	vimm.s32 $0x9;
	v18 =	vimm.s32 $0x2;
	[sflag:s9] =	ssyncset.done $0x0  }
0x203: {  	v19 =	vimm.s32 $0x3;
	v9 =	vimm.f32 $1.000000000e+00;
	v8 =	vimm.s32 $0x0;
	[sflag:s9] =	ssyncadd.s32 $0xFFFFFF80  }
.LBB2_4:
0x204: {  	_ =	sfence.sel $0x180000  }
0x205: {  	[bflag:$0x0] =	sbarrier.arrive $0xFFFF  }
0x206: {  	_ =	strace $0x90000047  }
0x207: {  	s0 =	sadd.s32 @!p0 $0x100000, s0;
	[bflag:$0x2] =	sbarrier.arrive $0xFFFF  }
0x208: {  	[sflag:s0] =	ssyncadd.tile.s32 @!p0 $0x1;
	_ =	shalt  }
.Lfunc_end2:
_tile_overlayer_lowered:
.L_overlay_start_2:
0x209: {  	(tag) =	ssettag $0x2  }
0x20a: {  	s0 =	rddreg [dreg:$0x0];
	s2 =	stileid.u32  }
0x20b: {  	s1 =	rddreg [dreg:$0x1];
	p0 =	sne.s32 s2, $0x0  }
0x20c: {  	s3 =	rddreg [dreg:$0x2];
	[bflag:$0x3] =	sbarrier.arrive $0xFFFF;
	s2 =	simm.s32 @!p0 $0x1C02  }
0x20d: {  	[timem:s3], [sflag:s2] =	dma.local @!p0 [hbm:s0], s1  }
0x20e: {  	s0 =	simm.s32 @!p0 $0x2  }
0x20f: {  	_ =	swait.ge @!p0 [sflag:s0], s1  }
0x210: {  	s1 =	ssub.s32 @!p0 $0x0, s1;
	[sflag:s0] =	ssyncset.done @!p0 $0x0  }
0x211: {  	[sflag:s0] =	ssyncadd.s32 @!p0 s1  }
0x212: {  	[bflag:$0x3] =	sbarrier.arrive $0xFFFF  }
0x213: {  	_ =	shalt  }

</sc_bundles>
